<compile_context>
chip_gen: v7x
topology: tpu7x:2x2x1
jax: 0.10.2.dev20260603
libtpu: 0.0.44.dev20260713+nightly
codegen_flags: <defaults>
</compile_context>

<pallas_src>
import functools

import jax
import jax.numpy as jnp
from jax import lax
from jax.experimental import pallas as pl
from jax.experimental.pallas import tpu as pltpu
from jax.experimental.pallas import tpu_sc as plsc

N = 10000
E = 320000
D = 128

NC = 2
NS = 16
BLK = 96
NBUF = 3
NB = 210
EPT = NB * BLK
E_PAD = EPT * NS
SB = 21
SBE = SB * BLK
NSB = NB // SB
TPSB = SB // NBUF
NPAD = 10112
ROWS_PER_SUB = NPAD // NS


def _sc_agg(x, g1, s1, g2, s2, zeros):
    mesh = plsc.VectorSubcoreMesh(core_axis_name="c", subcore_axis_name="s")

    @functools.partial(
        pl.kernel,
        out_type=[
            jax.ShapeDtypeStruct((NPAD, D), jnp.float32),
            jax.ShapeDtypeStruct((NPAD, D), jnp.float32),
        ],
        mesh=mesh,
        scratch_types=[
            pltpu.VMEM((SBE,), jnp.int32),
            pltpu.VMEM((SBE,), jnp.int32),
            pltpu.VMEM((SBE,), jnp.int32),
            pltpu.VMEM((SBE,), jnp.int32),
            [pltpu.VMEM((BLK, D), jnp.float32) for _ in range(NBUF)],
            pltpu.VMEM_SHARED((NPAD, D), jnp.float32),
            [pltpu.SemaphoreType.DMA for _ in range(NBUF)],
            [pltpu.SemaphoreType.DMA for _ in range(NBUF)],
            pltpu.SemaphoreType.DMA,
        ],
    )
    def agg_kernel(x_hbm, g1_hbm, s1_hbm, g2_hbm, s2_hbm, zeros_hbm,
                   agg1_hbm, agg2_hbm,
                   gsa, ssa, gsb, ssb, rows, acc_sp, sem_g, sem_s,
                   stg):
        c = lax.axis_index("c")
        s = lax.axis_index("s")

        def gather(gs, e, b):
            pltpu.async_copy(
                x_hbm.at[gs.at[pl.ds(e, BLK)]], rows[b], sem_g[b])

        def wait_g(gs, e, b):
            pltpu.make_async_copy(
                x_hbm.at[gs.at[pl.ds(e, BLK)]], rows[b], sem_g[b]).wait()

        def scatter(ss, e, b):
            pltpu.async_copy(
                rows[b], acc_sp.at[ss.at[pl.ds(e, BLK)]], sem_s[b],
                add=True)

        def wait_s(ss, e, b):
            pltpu.make_async_copy(
                rows[b], acc_sp.at[ss.at[pl.ds(e, BLK)]], sem_s[b]).wait()

        def wait_staging(gather_hbm, scatter_hbm, g_buf, s_buf):
            pltpu.make_async_copy(
                gather_hbm.at[pl.ds(0, SBE)], g_buf, stg).wait()
            pltpu.make_async_copy(
                scatter_hbm.at[pl.ds(0, SBE)], s_buf, stg).wait()

        def run_direction(gather_hbm, scatter_hbm, out_hbm):
            base_e = s * EPT

            pltpu.sync_copy(gather_hbm.at[pl.ds(base_e, SBE)], gsa)
            pltpu.sync_copy(scatter_hbm.at[pl.ds(base_e, SBE)], ssa)
            gather(gsa, 0, 0)
            gather(gsa, BLK, 1)
            pltpu.sync_copy(
                zeros_hbm.at[pl.ds(s * ROWS_PER_SUB, ROWS_PER_SUB)],
                acc_sp.at[pl.ds(s * ROWS_PER_SUB, ROWS_PER_SUB)])
            plsc.subcore_barrier()

            def process_sb(gather_hbm, scatter_hbm, cur_g, cur_s, nxt_g,
                           nxt_s, prv_s, wait_first, last):
                def triple(t, carry):
                    @pl.when(jnp.logical_and(t == TPSB - 1,
                                             jnp.logical_not(last)))
                    def _():
                        wait_staging(gather_hbm, scatter_hbm, nxt_g, nxt_s)

                    for p in range(NBUF):
                        b = p
                        e = (3 * t + p) * BLK
                        wait_g(cur_g, e, b)
                        scatter(cur_s, e, b)
                        bm = (p + 2) % 3
                        if p == 0:
                            @pl.when(jnp.logical_and(t == 0, wait_first))
                            def _():
                                wait_s(prv_s, (SB - 1) * BLK, bm)

                            @pl.when(t > 0)
                            def _():
                                wait_s(cur_s, (3 * t - 1) * BLK, bm)
                        else:
                            wait_s(cur_s, (3 * t + p - 1) * BLK, bm)
                        if p == 0:
                            gather(cur_g, (3 * t + 2) * BLK, bm)
                        else:
                            @pl.when(t < TPSB - 1)
                            def _():
                                gather(cur_g, (3 * t + p + 2) * BLK, bm)

                            @pl.when(jnp.logical_and(
                                t == TPSB - 1, jnp.logical_not(last)))
                            def _():
                                gather(nxt_g, (p + 2 - NBUF) * BLK, bm)
                    return carry

                lax.fori_loop(0, TPSB, triple, 0)

            def m_body(m, carry):
                @pl.when(m > 0)
                def _():
                    wait_s(ssb, (SB - 1) * BLK, 2)

                off_b = base_e + (2 * m + 1) * SBE
                pltpu.async_copy(gather_hbm.at[pl.ds(off_b, SBE)], gsb, stg)
                pltpu.async_copy(scatter_hbm.at[pl.ds(off_b, SBE)], ssb, stg)
                process_sb(gather_hbm, scatter_hbm, gsa, ssa, gsb, ssb,
                           ssb, jnp.bool_(False), jnp.bool_(False))

                @pl.when(m + 1 < NSB // 2)
                def _():
                    wait_s(ssa, (SB - 1) * BLK, 2)
                    off_a = base_e + (2 * m + 2) * SBE
                    pltpu.async_copy(
                        gather_hbm.at[pl.ds(off_a, SBE)], gsa, stg)
                    pltpu.async_copy(
                        scatter_hbm.at[pl.ds(off_a, SBE)], ssa, stg)

                process_sb(gather_hbm, scatter_hbm, gsb, ssb, gsa, ssa,
                           ssa, m + 1 >= NSB // 2, m + 1 >= NSB // 2)
                return carry

            lax.fori_loop(0, NSB // 2, m_body, 0)

            wait_s(ssb, (SB - 1) * BLK, 2)

            plsc.subcore_barrier()
            pltpu.sync_copy(acc_sp.at[pl.ds(s * ROWS_PER_SUB, ROWS_PER_SUB)],
                            out_hbm.at[pl.ds(s * ROWS_PER_SUB, ROWS_PER_SUB)])

        @pl.when(c == 0)
        def _():
            run_direction(g1_hbm, s1_hbm, agg1_hbm)

        @pl.when(c == 1)
        def _():
            run_direction(g2_hbm, s2_hbm, agg2_hbm)

    return agg_kernel(x, g1, s1, g2, s2, zeros)


def _tc_mlp_bn(x, agg1, agg2, W1a, b1a, W2a, b2a, W1b, b1b, W2b, b2b,
               gamma, beta):
    def body(x_ref, a1_ref, a2_ref, w1a, b1a_, w2a, b2a_, w1b, b1b_, w2b,
             b2b_, g_ref, be_ref, o_ref):
        h1 = x_ref[...] + a1_ref[...]
        h2 = x_ref[...] + a2_ref[...]
        t1 = jnp.maximum(
            jnp.dot(h1, w1a[...], preferred_element_type=jnp.float32)
            + b1a_[...], 0.0)
        o1 = jnp.maximum(
            jnp.dot(t1, w2a[...], preferred_element_type=jnp.float32)
            + b2a_[...], 0.0)
        t2 = jnp.maximum(
            jnp.dot(h2, w1b[...], preferred_element_type=jnp.float32)
            + b1b_[...], 0.0)
        o2 = jnp.maximum(
            jnp.dot(t2, w2b[...], preferred_element_type=jnp.float32)
            + b2b_[...], 0.0)
        out = (o1 + o2) * 0.5
        mean = jnp.mean(out, axis=0, keepdims=True)
        var = jnp.mean((out - mean) ** 2, axis=0, keepdims=True)
        o_ref[...] = ((out - mean) * lax.rsqrt(var + 1e-5) * g_ref[...]
                      + be_ref[...])

    full = lambda shape: pl.BlockSpec(shape, lambda i: (0,) * len(shape))
    return pl.pallas_call(
        body,
        grid=(1,),
        out_shape=jax.ShapeDtypeStruct((N, D), jnp.float32),
        in_specs=[full((N, D)), full((N, D)), full((N, D)),
                  full((D, D)), full((1, D)), full((D, D)), full((1, D)),
                  full((D, D)), full((1, D)), full((D, D)), full((1, D)),
                  full((1, D)), full((1, D))],
        out_specs=full((N, D)),
    )(x, agg1, agg2, W1a, b1a.reshape(1, D), W2a, b2a.reshape(1, D),
      W1b, b1b.reshape(1, D), W2b, b2b.reshape(1, D),
      gamma.reshape(1, D), beta.reshape(1, D))


def kernel(x, edge_index, W1a, b1a, W2a, b2a, W1b, b1b, W2b, b2b, gamma,
           beta):
    src = edge_index[0].astype(jnp.int32)
    dst = edge_index[1].astype(jnp.int32)
    npad = E_PAD - E
    pad_g = (jnp.arange(npad, dtype=jnp.int32) * 131) % N
    pad_s = N + (jnp.arange(npad, dtype=jnp.int32) % (NPAD - N))
    g1 = jnp.concatenate([src, pad_g])
    s1 = jnp.concatenate([dst, pad_s])
    g2 = jnp.concatenate([dst, pad_g])
    s2 = jnp.concatenate([src, pad_s])
    zeros = jnp.zeros((NPAD, D), jnp.float32)
    agg1, agg2 = _sc_agg(x, g1, s1, g2, s2, zeros)
    return _tc_mlp_bn(x, agg1, agg2, W1a, b1a, W2a, b2a, W1b, b1b, W2b,
                      b2b, gamma, beta)

# --- scband reference (transcript-rebuilt; emitter-appended) ---
"""Pipeline reference for scband-directed-ginconv-34256659153342 (READ-ONLY COPY).

The authoritative reference and input builder live on the scoring server;
editing this copy changes nothing except your own understanding.
"""

import jax, jax.numpy as jnp
import numpy as np

N = 10000
E = 320000
D_IN = 128
D_OUT = 128


def setup_inputs(seed: int = 0) -> dict:
    key = jax.random.key(seed)
    ks = jax.random.split(key, 12)
    x = jax.random.normal(ks[0], (N, D_IN), dtype=jnp.float32)
    edge_index = jax.random.randint(ks[1], (2, E), 0, N, dtype=jnp.int64)
    s_in = 1.0 / np.sqrt(D_IN)
    s_out = 1.0 / np.sqrt(D_OUT)
    W1a = jax.random.normal(ks[2], (D_IN, D_OUT), dtype=jnp.float32) * s_in
    b1a = jnp.zeros((D_OUT,), dtype=jnp.float32)
    W2a = jax.random.normal(ks[3], (D_OUT, D_OUT), dtype=jnp.float32) * s_out
    b2a = jnp.zeros((D_OUT,), dtype=jnp.float32)
    W1b = jax.random.normal(ks[4], (D_IN, D_OUT), dtype=jnp.float32) * s_in
    b1b = jnp.zeros((D_OUT,), dtype=jnp.float32)
    W2b = jax.random.normal(ks[5], (D_OUT, D_OUT), dtype=jnp.float32) * s_out
    b2b = jnp.zeros((D_OUT,), dtype=jnp.float32)
    gamma = jnp.ones((D_OUT,), dtype=jnp.float32)
    beta = jnp.zeros((D_OUT,), dtype=jnp.float32)
    return {"x": x, "edge_index": edge_index, "W1a": W1a, "b1a": b1a, "W2a": W2a, "b2a": b2a,
            "W1b": W1b, "b1b": b1b, "W2b": W2b, "b2b": b2b, "gamma": gamma, "beta": beta}


def _mlp(h, W1, b1, W2, b2):
    return jnp.maximum(h @ W1 + b1, 0.0) @ W2 + b2


def reference(x, edge_index, W1a, b1a, W2a, b2a, W1b, b1b, W2b, b2b, gamma, beta):
    src = edge_index[0]
    dst = edge_index[1]
    n = x.shape[0]
    # GINConv forward direction: node i sums messages x[src] over edges with dst==i; eps=0
    agg1 = jax.ops.segment_sum(x[src], dst, num_segments=n)
    out1 = jax.nn.relu(_mlp(x + agg1, W1a, b1a, W2a, b2a))
    # reversed edges: edge_index[[1, 0]]
    agg2 = jax.ops.segment_sum(x[dst], src, num_segments=n)
    out2 = jax.nn.relu(_mlp(x + agg2, W1b, b1b, W2b, b2b))
    out = (out1 + out2) / 2.0
    # BatchNorm1d (training mode: batch statistics, biased variance)
    mean = jnp.mean(out, axis=0)
    var = jnp.var(out, axis=0)
    y = (out - mean) / jnp.sqrt(var + 1e-5) * gamma + beta
    return y

if __name__ == "__main__":
    import jax
    _d = setup_inputs()
    print(jax.jit(kernel)(*tuple(_d.values())))

</pallas_src>

<mosaic_0001>
#map = affine_map<(d0, d1) -> (0, 0)>
#map1 = affine_map<(d0, d1) -> (0)>
module attributes {stable_mosaic.version = 14 : i64} {
  func.func @agg_kernel(%arg0: i32, %arg1: i32, %arg2: memref<10000x128xf32, #tpu.memory_space<hbm>>, %arg3: memref<322560xi32, #tpu.memory_space<hbm>>, %arg4: memref<322560xi32, #tpu.memory_space<hbm>>, %arg5: memref<322560xi32, #tpu.memory_space<hbm>>, %arg6: memref<322560xi32, #tpu.memory_space<hbm>>, %arg7: memref<10112x128xf32, #tpu.memory_space<hbm>>, %arg8: memref<10112x128xf32, #tpu.memory_space<hbm>>, %arg9: memref<10112x128xf32, #tpu.memory_space<hbm>>, %arg10: memref<2016xi32, #tpu.memory_space<vmem>>, %arg11: memref<2016xi32, #tpu.memory_space<vmem>>, %arg12: memref<2016xi32, #tpu.memory_space<vmem>>, %arg13: memref<2016xi32, #tpu.memory_space<vmem>>, %arg14: memref<96x128xf32, #tpu.memory_space<vmem>>, %arg15: memref<96x128xf32, #tpu.memory_space<vmem>>, %arg16: memref<96x128xf32, #tpu.memory_space<vmem>>, %arg17: memref<10112x128xf32, #tpu.memory_space<vmem_shared>>, %arg18: memref<!tpu.dma_semaphore, #tpu.memory_space<semaphore_mem>>, %arg19: memref<!tpu.dma_semaphore, #tpu.memory_space<semaphore_mem>>, %arg20: memref<!tpu.dma_semaphore, #tpu.memory_space<semaphore_mem>>, %arg21: memref<!tpu.dma_semaphore, #tpu.memory_space<semaphore_mem>>, %arg22: memref<!tpu.dma_semaphore, #tpu.memory_space<semaphore_mem>>, %arg23: memref<!tpu.dma_semaphore, #tpu.memory_space<semaphore_mem>>, %arg24: memref<!tpu.dma_semaphore, #tpu.memory_space<semaphore_mem>>) attributes {dimension_semantics = [#tpu.dimension_semantics<core_parallel>, #tpu.dimension_semantics<subcore_parallel>], iteration_bounds = array<i64: 2, 16>, scalar_prefetch = 0 : i64, scratch_operands = 15 : i64, tpu.core_type = #tpu.core_type<sc_vector_subcore>, window_params = [{transform_indices = #map}, {transform_indices = #map1}, {transform_indices = #map1}, {transform_indices = #map1}, {transform_indices = #map1}, {transform_indices = #map}, {transform_indices = #map}, {transform_indices = #map}]} {
    %eq3A = arith.constant 0 : i32
    %eq3A_0 = arith.cmpi eq, %arg0, %eq3A : i32
    %convert_element_type3A = arith.extui %eq3A_0 : i1 to i32
    %cond3A = arith.constant 0 : i32
    %cond3A_1 = arith.cmpi ne, %convert_element_type3A, %cond3A : i32
    scf.if %cond3A_1 {
      %mul3A = arith.constant 20160 : i32
      %mul3A_7 = arith.muli %arg1, %mul3A : i32
      "tpu.region"() ({
        %run_scoped3A = tpu.sem_alloc : memref<!tpu.dma_semaphore, #tpu.memory_space<semaphore_mem>>
        %dma_start3A_35 = tpu.memref_slice %arg3[%mul3A_7] : memref<322560xi32, #tpu.memory_space<hbm>> -> memref<2016xi32, #tpu.memory_space<hbm>>
        %dma_start3A_36 = tpu.memref_slice %arg3[%mul3A_7] : memref<322560xi32, #tpu.memory_space<hbm>> -> memref<2016xi32, #tpu.memory_space<hbm>>
        tpu.enqueue_dma source(%dma_start3A_36 : memref<2016xi32, #tpu.memory_space<hbm>>) target(%arg10 : memref<2016xi32, #tpu.memory_space<vmem>>) target_semaphore(%run_scoped3A : memref<!tpu.dma_semaphore, #tpu.memory_space<semaphore_mem>>)
        %dma_wait3A_37 = tpu.memref_slice %arg3[%mul3A_7] : memref<322560xi32, #tpu.memory_space<hbm>> -> memref<2016xi32, #tpu.memory_space<hbm>>
        %dma_wait3A_38 = tpu.memref_slice %arg3[%mul3A_7] : memref<322560xi32, #tpu.memory_space<hbm>> -> memref<2016xi32, #tpu.memory_space<hbm>>
        tpu.wait_dma2 semaphore(%run_scoped3A : memref<!tpu.dma_semaphore, #tpu.memory_space<semaphore_mem>>) src(%dma_wait3A_38 : memref<2016xi32, #tpu.memory_space<hbm>>) dst(%arg10 : memref<2016xi32, #tpu.memory_space<vmem>>)
        tpu.yield
      }) : () -> ()
      "tpu.region"() ({
        %run_scoped3A = tpu.sem_alloc : memref<!tpu.dma_semaphore, #tpu.memory_space<semaphore_mem>>
        %dma_start3A_35 = tpu.memref_slice %arg4[%mul3A_7] : memref<322560xi32, #tpu.memory_space<hbm>> -> memref<2016xi32, #tpu.memory_space<hbm>>
        %dma_start3A_36 = tpu.memref_slice %arg4[%mul3A_7] : memref<322560xi32, #tpu.memory_space<hbm>> -> memref<2016xi32, #tpu.memory_space<hbm>>
        tpu.enqueue_dma source(%dma_start3A_36 : memref<2016xi32, #tpu.memory_space<hbm>>) target(%arg11 : memref<2016xi32, #tpu.memory_space<vmem>>) target_semaphore(%run_scoped3A : memref<!tpu.dma_semaphore, #tpu.memory_space<semaphore_mem>>)
        %dma_wait3A_37 = tpu.memref_slice %arg4[%mul3A_7] : memref<322560xi32, #tpu.memory_space<hbm>> -> memref<2016xi32, #tpu.memory_space<hbm>>
        %dma_wait3A_38 = tpu.memref_slice %arg4[%mul3A_7] : memref<322560xi32, #tpu.memory_space<hbm>> -> memref<2016xi32, #tpu.memory_space<hbm>>
        tpu.wait_dma2 semaphore(%run_scoped3A : memref<!tpu.dma_semaphore, #tpu.memory_space<semaphore_mem>>) src(%dma_wait3A_38 : memref<2016xi32, #tpu.memory_space<hbm>>) dst(%arg11 : memref<2016xi32, #tpu.memory_space<vmem>>)
        tpu.yield
      }) : () -> ()
      %dma_start3A = arith.constant 0 : i32
      %dma_start3A_8 = tpu.memref_slice %arg10[%dma_start3A] : memref<2016xi32, #tpu.memory_space<vmem>> -> memref<96xi32, #tpu.memory_space<vmem>>
      %dma_start3A_9 = arith.constant 0 : i32
      %dma_start3A_10 = arith.constant 0 : i32
      %dma_start3A_11 = tpu.memref_slice %arg2[%dma_start3A_9, %dma_start3A_10] : memref<10000x128xf32, #tpu.memory_space<hbm>> -> memref<10000x128xf32, #tpu.memory_space<hbm>>
      tpu.enqueue_indirect_dma source(%dma_start3A_11 : memref<10000x128xf32, #tpu.memory_space<hbm>>) target(%arg14 : memref<96x128xf32, #tpu.memory_space<vmem>>) offsets(%dma_start3A_8 : memref<96xi32, #tpu.memory_space<vmem>>) semaphore(%arg18 : memref<!tpu.dma_semaphore, #tpu.memory_space<semaphore_mem>>)
      %dma_start3A_12 = arith.constant 96 : i32
      %dma_start3A_13 = tpu.memref_slice %arg10[%dma_start3A_12] : memref<2016xi32, #tpu.memory_space<vmem>> -> memref<96xi32, #tpu.memory_space<vmem>>
      %dma_start3A_14 = arith.constant 0 : i32
      %dma_start3A_15 = arith.constant 0 : i32
      %dma_start3A_16 = tpu.memref_slice %arg2[%dma_start3A_14, %dma_start3A_15] : memref<10000x128xf32, #tpu.memory_space<hbm>> -> memref<10000x128xf32, #tpu.memory_space<hbm>>
      tpu.enqueue_indirect_dma source(%dma_start3A_16 : memref<10000x128xf32, #tpu.memory_space<hbm>>) target(%arg15 : memref<96x128xf32, #tpu.memory_space<vmem>>) offsets(%dma_start3A_13 : memref<96xi32, #tpu.memory_space<vmem>>) semaphore(%arg19 : memref<!tpu.dma_semaphore, #tpu.memory_space<semaphore_mem>>)
      %mul3A_17 = arith.constant 632 : i32
      %mul3A_18 = arith.muli %arg1, %mul3A_17 : i32
      %mul3A_19 = arith.constant 632 : i32
      %mul3A_20 = arith.muli %arg1, %mul3A_19 : i32
      "tpu.region"() ({
        %run_scoped3A = tpu.sem_alloc : memref<!tpu.dma_semaphore, #tpu.memory_space<semaphore_mem>>
        %dma_start3A_35 = arith.constant 0 : i32
        %dma_start3A_36 = tpu.memref_slice %arg17[%mul3A_20, %dma_start3A_35] : memref<10112x128xf32, #tpu.memory_space<vmem_shared>> -> memref<632x128xf32, #tpu.memory_space<vmem_shared>>
        %dma_start3A_37 = arith.constant 0 : i32
        %dma_start3A_38 = tpu.memref_slice %arg7[%mul3A_18, %dma_start3A_37] : memref<10112x128xf32, #tpu.memory_space<hbm>> -> memref<632x128xf32, #tpu.memory_space<hbm>>
        tpu.enqueue_dma source(%dma_start3A_38 : memref<632x128xf32, #tpu.memory_space<hbm>>) target(%dma_start3A_36 : memref<632x128xf32, #tpu.memory_space<vmem_shared>>) target_semaphore(%run_scoped3A : memref<!tpu.dma_semaphore, #tpu.memory_space<semaphore_mem>>)
        %dma_wait3A_39 = arith.constant 0 : i32
        %dma_wait3A_40 = tpu.memref_slice %arg17[%mul3A_20, %dma_wait3A_39] : memref<10112x128xf32, #tpu.memory_space<vmem_shared>> -> memref<632x128xf32, #tpu.memory_space<vmem_shared>>
        %dma_wait3A_41 = arith.constant 0 : i32
        %dma_wait3A_42 = tpu.memref_slice %arg7[%mul3A_18, %dma_wait3A_41] : memref<10112x128xf32, #tpu.memory_space<hbm>> -> memref<632x128xf32, #tpu.memory_space<hbm>>
        tpu.wait_dma2 semaphore(%run_scoped3A : memref<!tpu.dma_semaphore, #tpu.memory_space<semaphore_mem>>) src(%dma_wait3A_42 : memref<632x128xf32, #tpu.memory_space<hbm>>) dst(%dma_wait3A_40 : memref<632x128xf32, #tpu.memory_space<vmem_shared>>)
        tpu.yield
      }) : () -> ()
      %barrier3A = arith.constant 0 : index
      tpu.barrier barrier_id(%barrier3A)
      %scan3A = arith.constant 0 : i32
      %scan3A_21 = arith.constant 0 : i32
      %scan3A_22 = arith.constant 5 : i32
      %scan3A_23 = arith.addi %scan3A_21, %scan3A_22 : i32
      %scan3A_24 = arith.constant 1 : i32
      scf.for %scan3A_35 = %scan3A_21 to %scan3A_23 step %scan3A_24  : i32 {
        %gt3A = arith.constant 0 : i32
        %gt3A_36 = arith.cmpi sgt, %scan3A_35, %gt3A : i32
        %convert_element_type3A_37 = arith.extui %gt3A_36 : i1 to i32
        %cond3A_38 = arith.constant 0 : i32
        %cond3A_39 = arith.cmpi ne, %convert_element_type3A_37, %cond3A_38 : i32
        scf.if %cond3A_39 {
          %dma_wait3A_77 = arith.constant 1920 : i32
          %dma_wait3A_78 = tpu.memref_slice %arg13[%dma_wait3A_77] : memref<2016xi32, #tpu.memory_space<vmem>> -> memref<96xi32, #tpu.memory_space<vmem>>
          %dma_wait3A_79 = arith.constant 0 : i32
          %dma_wait3A_80 = arith.constant 0 : i32
          %dma_wait3A_81 = tpu.memref_slice %arg17[%dma_wait3A_79, %dma_wait3A_80] : memref<10112x128xf32, #tpu.memory_space<vmem_shared>> -> memref<10112x128xf32, #tpu.memory_space<vmem_shared>>
          tpu.wait_indirect_dma semaphore(%arg23 : memref<!tpu.dma_semaphore, #tpu.memory_space<semaphore_mem>>) src(%arg16 : memref<96x128xf32, #tpu.memory_space<vmem>>) dst(%dma_wait3A_81 : memref<10112x128xf32, #tpu.memory_space<vmem_shared>>)
        } else {
        }
        %mul3A_40 = arith.constant 2 : i32
        %mul3A_41 = arith.muli %mul3A_40, %scan3A_35 : i32
        %add3A = arith.constant 1 : i32
        %add3A_42 = arith.addi %mul3A_41, %add3A : i32
        %mul3A_43 = arith.constant 2016 : i32
        %mul3A_44 = arith.muli %add3A_42, %mul3A_43 : i32
        %add3A_45 = arith.addi %mul3A_7, %mul3A_44 : i32
        %dma_start3A_46 = tpu.memref_slice %arg3[%add3A_45] : memref<322560xi32, #tpu.memory_space<hbm>> -> memref<2016xi32, #tpu.memory_space<hbm>>
        %dma_start3A_47 = tpu.memref_slice %arg3[%add3A_45] : memref<322560xi32, #tpu.memory_space<hbm>> -> memref<2016xi32, #tpu.memory_space<hbm>>
        tpu.enqueue_dma source(%dma_start3A_47 : memref<2016xi32, #tpu.memory_space<hbm>>) target(%arg12 : memref<2016xi32, #tpu.memory_space<vmem>>) target_semaphore(%arg24 : memref<!tpu.dma_semaphore, #tpu.memory_space<semaphore_mem>>)
        %dma_start3A_48 = tpu.memref_slice %arg4[%add3A_45] : memref<322560xi32, #tpu.memory_space<hbm>> -> memref<2016xi32, #tpu.memory_space<hbm>>
        %dma_start3A_49 = tpu.memref_slice %arg4[%add3A_45] : memref<322560xi32, #tpu.memory_space<hbm>> -> memref<2016xi32, #tpu.memory_space<hbm>>
        tpu.enqueue_dma source(%dma_start3A_49 : memref<2016xi32, #tpu.memory_space<hbm>>) target(%arg13 : memref<2016xi32, #tpu.memory_space<vmem>>) target_semaphore(%arg24 : memref<!tpu.dma_semaphore, #tpu.memory_space<semaphore_mem>>)
        %scan3A_50 = arith.constant 0 : i32
        %scan3A_51 = arith.constant false
        %scan3A_52 = arith.constant false
        %scan3A_53 = arith.constant 0 : i32
        %scan3A_54 = arith.constant 7 : i32
        %scan3A_55 = arith.addi %scan3A_53, %scan3A_54 : i32
        %scan3A_56 = arith.constant 1 : i32
        scf.for %scan3A_77 = %scan3A_53 to %scan3A_55 step %scan3A_56  : i32 {
          %eq3A_78 = arith.constant 6 : i32
          %eq3A_79 = arith.cmpi eq, %scan3A_77, %eq3A_78 : i32
          %not3A = arith.constant true
          %not3A_80 = arith.xori %scan3A_51, %not3A : i1
          %and3A = arith.andi %eq3A_79, %not3A_80 : i1
          %convert_element_type3A_81 = arith.extui %and3A : i1 to i32
          %cond3A_82 = arith.constant 0 : i32
          %cond3A_83 = arith.cmpi ne, %convert_element_type3A_81, %cond3A_82 : i32
          scf.if %cond3A_83 {
            %dma_wait3A_196 = arith.constant 0 : i32
            %dma_wait3A_197 = tpu.memref_slice %arg3[%dma_wait3A_196] : memref<322560xi32, #tpu.memory_space<hbm>> -> memref<2016xi32, #tpu.memory_space<hbm>>
            %dma_wait3A_198 = arith.constant 0 : i32
            %dma_wait3A_199 = tpu.memref_slice %arg3[%dma_wait3A_198] : memref<322560xi32, #tpu.memory_space<hbm>> -> memref<2016xi32, #tpu.memory_space<hbm>>
            tpu.wait_dma2 semaphore(%arg24 : memref<!tpu.dma_semaphore, #tpu.memory_space<semaphore_mem>>) src(%dma_wait3A_199 : memref<2016xi32, #tpu.memory_space<hbm>>) dst(%arg12 : memref<2016xi32, #tpu.memory_space<vmem>>)
            %dma_wait3A_200 = arith.constant 0 : i32
            %dma_wait3A_201 = tpu.memref_slice %arg4[%dma_wait3A_200] : memref<322560xi32, #tpu.memory_space<hbm>> -> memref<2016xi32, #tpu.memory_space<hbm>>
            %dma_wait3A_202 = arith.constant 0 : i32
            %dma_wait3A_203 = tpu.memref_slice %arg4[%dma_wait3A_202] : memref<322560xi32, #tpu.memory_space<hbm>> -> memref<2016xi32, #tpu.memory_space<hbm>>
            tpu.wait_dma2 semaphore(%arg24 : memref<!tpu.dma_semaphore, #tpu.memory_space<semaphore_mem>>) src(%dma_wait3A_203 : memref<2016xi32, #tpu.memory_space<hbm>>) dst(%arg13 : memref<2016xi32, #tpu.memory_space<vmem>>)
          } else {
          }
          %mul3A_84 = arith.constant 3 : i32
          %mul3A_85 = arith.muli %mul3A_84, %scan3A_77 : i32
          %add3A_86 = arith.constant 0 : i32
          %add3A_87 = arith.addi %mul3A_85, %add3A_86 : i32
          %mul3A_88 = arith.constant 96 : i32
          %mul3A_89 = arith.muli %add3A_87, %mul3A_88 : i32
          %dma_wait3A_90 = tpu.memref_slice %arg10[%mul3A_89] : memref<2016xi32, #tpu.memory_space<vmem>> -> memref<96xi32, #tpu.memory_space<vmem>>
          %dma_wait3A_91 = arith.constant 0 : i32
          %dma_wait3A_92 = arith.constant 0 : i32
          %dma_wait3A_93 = tpu.memref_slice %arg2[%dma_wait3A_91, %dma_wait3A_92] : memref<10000x128xf32, #tpu.memory_space<hbm>> -> memref<10000x128xf32, #tpu.memory_space<hbm>>
          tpu.wait_indirect_dma semaphore(%arg18 : memref<!tpu.dma_semaphore, #tpu.memory_space<semaphore_mem>>) src(%dma_wait3A_93 : memref<10000x128xf32, #tpu.memory_space<hbm>>) dst(%arg14 : memref<96x128xf32, #tpu.memory_space<vmem>>)
          %dma_start3A_94 = tpu.memref_slice %arg11[%mul3A_89] : memref<2016xi32, #tpu.memory_space<vmem>> -> memref<96xi32, #tpu.memory_space<vmem>>
          %dma_start3A_95 = arith.constant 0 : i32
          %dma_start3A_96 = arith.constant 0 : i32
          %dma_start3A_97 = tpu.memref_slice %arg17[%dma_start3A_95, %dma_start3A_96] : memref<10112x128xf32, #tpu.memory_space<vmem_shared>> -> memref<10112x128xf32, #tpu.memory_space<vmem_shared>>
          tpu.enqueue_indirect_dma source(%arg14 : memref<96x128xf32, #tpu.memory_space<vmem>>) target(%dma_start3A_97 : memref<10112x128xf32, #tpu.memory_space<vmem_shared>>) offsets(%dma_start3A_94 : memref<96xi32, #tpu.memory_space<vmem>>) semaphore(%arg21 : memref<!tpu.dma_semaphore, #tpu.memory_space<semaphore_mem>>) {add = true}
          %eq3A_98 = arith.constant 0 : i32
          %eq3A_99 = arith.cmpi eq, %scan3A_77, %eq3A_98 : i32
          %and3A_100 = arith.andi %eq3A_99, %scan3A_52 : i1
          %convert_element_type3A_101 = arith.extui %and3A_100 : i1 to i32
          %cond3A_102 = arith.constant 0 : i32
          %cond3A_103 = arith.cmpi ne, %convert_element_type3A_101, %cond3A_102 : i32
          scf.if %cond3A_103 {
            %dma_wait3A_196 = arith.constant 1920 : i32
            %dma_wait3A_197 = tpu.memref_slice %arg13[%dma_wait3A_196] : memref<2016xi32, #tpu.memory_space<vmem>> -> memref<96xi32, #tpu.memory_space<vmem>>
            %dma_wait3A_198 = arith.constant 0 : i32
            %dma_wait3A_199 = arith.constant 0 : i32
            %dma_wait3A_200 = tpu.memref_slice %arg17[%dma_wait3A_198, %dma_wait3A_199] : memref<10112x128xf32, #tpu.memory_space<vmem_shared>> -> memref<10112x128xf32, #tpu.memory_space<vmem_shared>>
            tpu.wait_indirect_dma semaphore(%arg23 : memref<!tpu.dma_semaphore, #tpu.memory_space<semaphore_mem>>) src(%arg16 : memref<96x128xf32, #tpu.memory_space<vmem>>) dst(%dma_wait3A_200 : memref<10112x128xf32, #tpu.memory_space<vmem_shared>>)
          } else {
          }
          %gt3A_104 = arith.constant 0 : i32
          %gt3A_105 = arith.cmpi sgt, %scan3A_77, %gt3A_104 : i32
          %convert_element_type3A_106 = arith.extui %gt3A_105 : i1 to i32
          %cond3A_107 = arith.constant 0 : i32
          %cond3A_108 = arith.cmpi ne, %convert_element_type3A_106, %cond3A_107 : i32
          scf.if %cond3A_108 {
            %mul3A_196 = arith.constant 3 : i32
            %mul3A_197 = arith.muli %mul3A_196, %scan3A_77 : i32
            %sub3A_198 = arith.constant 1 : i32
            %sub3A_199 = arith.subi %mul3A_197, %sub3A_198 : i32
            %mul3A_200 = arith.constant 96 : i32
            %mul3A_201 = arith.muli %sub3A_199, %mul3A_200 : i32
            %dma_wait3A_202 = tpu.memref_slice %arg11[%mul3A_201] : memref<2016xi32, #tpu.memory_space<vmem>> -> memref<96xi32, #tpu.memory_space<vmem>>
            %dma_wait3A_203 = arith.constant 0 : i32
            %dma_wait3A_204 = arith.constant 0 : i32
            %dma_wait3A_205 = tpu.memref_slice %arg17[%dma_wait3A_203, %dma_wait3A_204] : memref<10112x128xf32, #tpu.memory_space<vmem_shared>> -> memref<10112x128xf32, #tpu.memory_space<vmem_shared>>
            tpu.wait_indirect_dma semaphore(%arg23 : memref<!tpu.dma_semaphore, #tpu.memory_space<semaphore_mem>>) src(%arg16 : memref<96x128xf32, #tpu.memory_space<vmem>>) dst(%dma_wait3A_205 : memref<10112x128xf32, #tpu.memory_space<vmem_shared>>)
          } else {
          }
          %mul3A_109 = arith.constant 3 : i32
          %mul3A_110 = arith.muli %mul3A_109, %scan3A_77 : i32
          %add3A_111 = arith.constant 2 : i32
          %add3A_112 = arith.addi %mul3A_110, %add3A_111 : i32
          %mul3A_113 = arith.constant 96 : i32
          %mul3A_114 = arith.muli %add3A_112, %mul3A_113 : i32
          %dma_start3A_115 = tpu.memref_slice %arg10[%mul3A_114] : memref<2016xi32, #tpu.memory_space<vmem>> -> memref<96xi32, #tpu.memory_space<vmem>>
          %dma_start3A_116 = arith.constant 0 : i32
          %dma_start3A_117 = arith.constant 0 : i32
          %dma_start3A_118 = tpu.memref_slice %arg2[%dma_start3A_116, %dma_start3A_117] : memref<10000x128xf32, #tpu.memory_space<hbm>> -> memref<10000x128xf32, #tpu.memory_space<hbm>>
          tpu.enqueue_indirect_dma source(%dma_start3A_118 : memref<10000x128xf32, #tpu.memory_space<hbm>>) target(%arg16 : memref<96x128xf32, #tpu.memory_space<vmem>>) offsets(%dma_start3A_115 : memref<96xi32, #tpu.memory_space<vmem>>) semaphore(%arg20 : memref<!tpu.dma_semaphore, #tpu.memory_space<semaphore_mem>>)
          %mul3A_119 = arith.constant 3 : i32
          %mul3A_120 = arith.muli %mul3A_119, %scan3A_77 : i32
          %add3A_121 = arith.constant 1 : i32
          %add3A_122 = arith.addi %mul3A_120, %add3A_121 : i32
          %mul3A_123 = arith.constant 96 : i32
          %mul3A_124 = arith.muli %add3A_122, %mul3A_123 : i32
          %dma_wait3A_125 = tpu.memref_slice %arg10[%mul3A_124] : memref<2016xi32, #tpu.memory_space<vmem>> -> memref<96xi32, #tpu.memory_space<vmem>>
          %dma_wait3A_126 = arith.constant 0 : i32
          %dma_wait3A_127 = arith.constant 0 : i32
          %dma_wait3A_128 = tpu.memref_slice %arg2[%dma_wait3A_126, %dma_wait3A_127] : memref<10000x128xf32, #tpu.memory_space<hbm>> -> memref<10000x128xf32, #tpu.memory_space<hbm>>
          tpu.wait_indirect_dma semaphore(%arg19 : memref<!tpu.dma_semaphore, #tpu.memory_space<semaphore_mem>>) src(%dma_wait3A_128 : memref<10000x128xf32, #tpu.memory_space<hbm>>) dst(%arg15 : memref<96x128xf32, #tpu.memory_space<vmem>>)
          %dma_start3A_129 = tpu.memref_slice %arg11[%mul3A_124] : memref<2016xi32, #tpu.memory_space<vmem>> -> memref<96xi32, #tpu.memory_space<vmem>>
          %dma_start3A_130 = arith.constant 0 : i32
          %dma_start3A_131 = arith.constant 0 : i32
          %dma_start3A_132 = tpu.memref_slice %arg17[%dma_start3A_130, %dma_start3A_131] : memref<10112x128xf32, #tpu.memory_space<vmem_shared>> -> memref<10112x128xf32, #tpu.memory_space<vmem_shared>>
          tpu.enqueue_indirect_dma source(%arg15 : memref<96x128xf32, #tpu.memory_space<vmem>>) target(%dma_start3A_132 : memref<10112x128xf32, #tpu.memory_space<vmem_shared>>) offsets(%dma_start3A_129 : memref<96xi32, #tpu.memory_space<vmem>>) semaphore(%arg22 : memref<!tpu.dma_semaphore, #tpu.memory_space<semaphore_mem>>) {add = true}
          %mul3A_133 = arith.constant 3 : i32
          %mul3A_134 = arith.muli %mul3A_133, %scan3A_77 : i32
          %add3A_135 = arith.constant 1 : i32
          %add3A_136 = arith.addi %mul3A_134, %add3A_135 : i32
          %sub3A = arith.constant 1 : i32
          %sub3A_137 = arith.subi %add3A_136, %sub3A : i32
          %mul3A_138 = arith.constant 96 : i32
          %mul3A_139 = arith.muli %sub3A_137, %mul3A_138 : i32
          %dma_wait3A_140 = tpu.memref_slice %arg11[%mul3A_139] : memref<2016xi32, #tpu.memory_space<vmem>> -> memref<96xi32, #tpu.memory_space<vmem>>
          %dma_wait3A_141 = arith.constant 0 : i32
          %dma_wait3A_142 = arith.constant 0 : i32
          %dma_wait3A_143 = tpu.memref_slice %arg17[%dma_wait3A_141, %dma_wait3A_142] : memref<10112x128xf32, #tpu.memory_space<vmem_shared>> -> memref<10112x128xf32, #tpu.memory_space<vmem_shared>>
          tpu.wait_indirect_dma semaphore(%arg21 : memref<!tpu.dma_semaphore, #tpu.memory_space<semaphore_mem>>) src(%arg14 : memref<96x128xf32, #tpu.memory_space<vmem>>) dst(%dma_wait3A_143 : memref<10112x128xf32, #tpu.memory_space<vmem_shared>>)
          %lt3A_144 = arith.constant 6 : i32
          %lt3A_145 = arith.cmpi slt, %scan3A_77, %lt3A_144 : i32
          %convert_element_type3A_146 = arith.extui %lt3A_145 : i1 to i32
          %cond3A_147 = arith.constant 0 : i32
          %cond3A_148 = arith.cmpi ne, %convert_element_type3A_146, %cond3A_147 : i32
          scf.if %cond3A_148 {
            %mul3A_196 = arith.constant 3 : i32
            %mul3A_197 = arith.muli %mul3A_196, %scan3A_77 : i32
            %add3A_198 = arith.constant 1 : i32
            %add3A_199 = arith.addi %mul3A_197, %add3A_198 : i32
            %add3A_200 = arith.constant 2 : i32
            %add3A_201 = arith.addi %add3A_199, %add3A_200 : i32
            %mul3A_202 = arith.constant 96 : i32
            %mul3A_203 = arith.muli %add3A_201, %mul3A_202 : i32
            %dma_start3A_204 = tpu.memref_slice %arg10[%mul3A_203] : memref<2016xi32, #tpu.memory_space<vmem>> -> memref<96xi32, #tpu.memory_space<vmem>>
            %dma_start3A_205 = arith.constant 0 : i32
            %dma_start3A_206 = arith.constant 0 : i32
            %dma_start3A_207 = tpu.memref_slice %arg2[%dma_start3A_205, %dma_start3A_206] : memref<10000x128xf32, #tpu.memory_space<hbm>> -> memref<10000x128xf32, #tpu.memory_space<hbm>>
            tpu.enqueue_indirect_dma source(%dma_start3A_207 : memref<10000x128xf32, #tpu.memory_space<hbm>>) target(%arg14 : memref<96x128xf32, #tpu.memory_space<vmem>>) offsets(%dma_start3A_204 : memref<96xi32, #tpu.memory_space<vmem>>) semaphore(%arg18 : memref<!tpu.dma_semaphore, #tpu.memory_space<semaphore_mem>>)
          } else {
          }
          %eq3A_149 = arith.constant 6 : i32
          %eq3A_150 = arith.cmpi eq, %scan3A_77, %eq3A_149 : i32
          %not3A_151 = arith.constant true
          %not3A_152 = arith.xori %scan3A_51, %not3A_151 : i1
          %and3A_153 = arith.andi %eq3A_150, %not3A_152 : i1
          %convert_element_type3A_154 = arith.extui %and3A_153 : i1 to i32
          %cond3A_155 = arith.constant 0 : i32
          %cond3A_156 = arith.cmpi ne, %convert_element_type3A_154, %cond3A_155 : i32
          scf.if %cond3A_156 {
            %dma_start3A_196 = arith.constant 0 : i32
            %dma_start3A_197 = tpu.memref_slice %arg12[%dma_start3A_196] : memref<2016xi32, #tpu.memory_space<vmem>> -> memref<96xi32, #tpu.memory_space<vmem>>
            %dma_start3A_198 = arith.constant 0 : i32
            %dma_start3A_199 = arith.constant 0 : i32
            %dma_start3A_200 = tpu.memref_slice %arg2[%dma_start3A_198, %dma_start3A_199] : memref<10000x128xf32, #tpu.memory_space<hbm>> -> memref<10000x128xf32, #tpu.memory_space<hbm>>
            tpu.enqueue_indirect_dma source(%dma_start3A_200 : memref<10000x128xf32, #tpu.memory_space<hbm>>) target(%arg14 : memref<96x128xf32, #tpu.memory_space<vmem>>) offsets(%dma_start3A_197 : memref<96xi32, #tpu.memory_space<vmem>>) semaphore(%arg18 : memref<!tpu.dma_semaphore, #tpu.memory_space<semaphore_mem>>)
          } else {
          }
          %mul3A_157 = arith.constant 3 : i32
          %mul3A_158 = arith.muli %mul3A_157, %scan3A_77 : i32
          %add3A_159 = arith.constant 2 : i32
          %add3A_160 = arith.addi %mul3A_158, %add3A_159 : i32
          %mul3A_161 = arith.constant 96 : i32
          %mul3A_162 = arith.muli %add3A_160, %mul3A_161 : i32
          %dma_wait3A_163 = tpu.memref_slice %arg10[%mul3A_162] : memref<2016xi32, #tpu.memory_space<vmem>> -> memref<96xi32, #tpu.memory_space<vmem>>
          %dma_wait3A_164 = arith.constant 0 : i32
          %dma_wait3A_165 = arith.constant 0 : i32
          %dma_wait3A_166 = tpu.memref_slice %arg2[%dma_wait3A_164, %dma_wait3A_165] : memref<10000x128xf32, #tpu.memory_space<hbm>> -> memref<10000x128xf32, #tpu.memory_space<hbm>>
          tpu.wait_indirect_dma semaphore(%arg20 : memref<!tpu.dma_semaphore, #tpu.memory_space<semaphore_mem>>) src(%dma_wait3A_166 : memref<10000x128xf32, #tpu.memory_space<hbm>>) dst(%arg16 : memref<96x128xf32, #tpu.memory_space<vmem>>)
          %dma_start3A_167 = tpu.memref_slice %arg11[%mul3A_162] : memref<2016xi32, #tpu.memory_space<vmem>> -> memref<96xi32, #tpu.memory_space<vmem>>
          %dma_start3A_168 = arith.constant 0 : i32
          %dma_start3A_169 = arith.constant 0 : i32
          %dma_start3A_170 = tpu.memref_slice %arg17[%dma_start3A_168, %dma_start3A_169] : memref<10112x128xf32, #tpu.memory_space<vmem_shared>> -> memref<10112x128xf32, #tpu.memory_space<vmem_shared>>
          tpu.enqueue_indirect_dma source(%arg16 : memref<96x128xf32, #tpu.memory_space<vmem>>) target(%dma_start3A_170 : memref<10112x128xf32, #tpu.memory_space<vmem_shared>>) offsets(%dma_start3A_167 : memref<96xi32, #tpu.memory_space<vmem>>) semaphore(%arg23 : memref<!tpu.dma_semaphore, #tpu.memory_space<semaphore_mem>>) {add = true}
          %mul3A_171 = arith.constant 3 : i32
          %mul3A_172 = arith.muli %mul3A_171, %scan3A_77 : i32
          %add3A_173 = arith.constant 2 : i32
          %add3A_174 = arith.addi %mul3A_172, %add3A_173 : i32
          %sub3A_175 = arith.constant 1 : i32
          %sub3A_176 = arith.subi %add3A_174, %sub3A_175 : i32
          %mul3A_177 = arith.constant 96 : i32
          %mul3A_178 = arith.muli %sub3A_176, %mul3A_177 : i32
          %dma_wait3A_179 = tpu.memref_slice %arg11[%mul3A_178] : memref<2016xi32, #tpu.memory_space<vmem>> -> memref<96xi32, #tpu.memory_space<vmem>>
          %dma_wait3A_180 = arith.constant 0 : i32
          %dma_wait3A_181 = arith.constant 0 : i32
          %dma_wait3A_182 = tpu.memref_slice %arg17[%dma_wait3A_180, %dma_wait3A_181] : memref<10112x128xf32, #tpu.memory_space<vmem_shared>> -> memref<10112x128xf32, #tpu.memory_space<vmem_shared>>
          tpu.wait_indirect_dma semaphore(%arg22 : memref<!tpu.dma_semaphore, #tpu.memory_space<semaphore_mem>>) src(%arg15 : memref<96x128xf32, #tpu.memory_space<vmem>>) dst(%dma_wait3A_182 : memref<10112x128xf32, #tpu.memory_space<vmem_shared>>)
          %lt3A_183 = arith.constant 6 : i32
          %lt3A_184 = arith.cmpi slt, %scan3A_77, %lt3A_183 : i32
          %convert_element_type3A_185 = arith.extui %lt3A_184 : i1 to i32
          %cond3A_186 = arith.constant 0 : i32
          %cond3A_187 = arith.cmpi ne, %convert_element_type3A_185, %cond3A_186 : i32
          scf.if %cond3A_187 {
            %mul3A_196 = arith.constant 3 : i32
            %mul3A_197 = arith.muli %mul3A_196, %scan3A_77 : i32
            %add3A_198 = arith.constant 2 : i32
            %add3A_199 = arith.addi %mul3A_197, %add3A_198 : i32
            %add3A_200 = arith.constant 2 : i32
            %add3A_201 = arith.addi %add3A_199, %add3A_200 : i32
            %mul3A_202 = arith.constant 96 : i32
            %mul3A_203 = arith.muli %add3A_201, %mul3A_202 : i32
            %dma_start3A_204 = tpu.memref_slice %arg10[%mul3A_203] : memref<2016xi32, #tpu.memory_space<vmem>> -> memref<96xi32, #tpu.memory_space<vmem>>
            %dma_start3A_205 = arith.constant 0 : i32
            %dma_start3A_206 = arith.constant 0 : i32
            %dma_start3A_207 = tpu.memref_slice %arg2[%dma_start3A_205, %dma_start3A_206] : memref<10000x128xf32, #tpu.memory_space<hbm>> -> memref<10000x128xf32, #tpu.memory_space<hbm>>
            tpu.enqueue_indirect_dma source(%dma_start3A_207 : memref<10000x128xf32, #tpu.memory_space<hbm>>) target(%arg15 : memref<96x128xf32, #tpu.memory_space<vmem>>) offsets(%dma_start3A_204 : memref<96xi32, #tpu.memory_space<vmem>>) semaphore(%arg19 : memref<!tpu.dma_semaphore, #tpu.memory_space<semaphore_mem>>)
          } else {
          }
          %eq3A_188 = arith.constant 6 : i32
          %eq3A_189 = arith.cmpi eq, %scan3A_77, %eq3A_188 : i32
          %not3A_190 = arith.constant true
          %not3A_191 = arith.xori %scan3A_51, %not3A_190 : i1
          %and3A_192 = arith.andi %eq3A_189, %not3A_191 : i1
          %convert_element_type3A_193 = arith.extui %and3A_192 : i1 to i32
          %cond3A_194 = arith.constant 0 : i32
          %cond3A_195 = arith.cmpi ne, %convert_element_type3A_193, %cond3A_194 : i32
          scf.if %cond3A_195 {
            %dma_start3A_196 = arith.constant 96 : i32
            %dma_start3A_197 = tpu.memref_slice %arg12[%dma_start3A_196] : memref<2016xi32, #tpu.memory_space<vmem>> -> memref<96xi32, #tpu.memory_space<vmem>>
            %dma_start3A_198 = arith.constant 0 : i32
            %dma_start3A_199 = arith.constant 0 : i32
            %dma_start3A_200 = tpu.memref_slice %arg2[%dma_start3A_198, %dma_start3A_199] : memref<10000x128xf32, #tpu.memory_space<hbm>> -> memref<10000x128xf32, #tpu.memory_space<hbm>>
            tpu.enqueue_indirect_dma source(%dma_start3A_200 : memref<10000x128xf32, #tpu.memory_space<hbm>>) target(%arg15 : memref<96x128xf32, #tpu.memory_space<vmem>>) offsets(%dma_start3A_197 : memref<96xi32, #tpu.memory_space<vmem>>) semaphore(%arg19 : memref<!tpu.dma_semaphore, #tpu.memory_space<semaphore_mem>>)
          } else {
          }
        }
        %scan3A_57 = arith.constant 7 : i32
        %add3A_58 = arith.constant 1 : i32
        %add3A_59 = arith.addi %scan3A_35, %add3A_58 : i32
        %lt3A = arith.constant 5 : i32
        %lt3A_60 = arith.cmpi slt, %add3A_59, %lt3A : i32
        %convert_element_type3A_61 = arith.extui %lt3A_60 : i1 to i32
        %cond3A_62 = arith.constant 0 : i32
        %cond3A_63 = arith.cmpi ne, %convert_element_type3A_61, %cond3A_62 : i32
        scf.if %cond3A_63 {
          %dma_wait3A_77 = arith.constant 1920 : i32
          %dma_wait3A_78 = tpu.memref_slice %arg11[%dma_wait3A_77] : memref<2016xi32, #tpu.memory_space<vmem>> -> memref<96xi32, #tpu.memory_space<vmem>>
          %dma_wait3A_79 = arith.constant 0 : i32
          %dma_wait3A_80 = arith.constant 0 : i32
          %dma_wait3A_81 = tpu.memref_slice %arg17[%dma_wait3A_79, %dma_wait3A_80] : memref<10112x128xf32, #tpu.memory_space<vmem_shared>> -> memref<10112x128xf32, #tpu.memory_space<vmem_shared>>
          tpu.wait_indirect_dma semaphore(%arg23 : memref<!tpu.dma_semaphore, #tpu.memory_space<semaphore_mem>>) src(%arg16 : memref<96x128xf32, #tpu.memory_space<vmem>>) dst(%dma_wait3A_81 : memref<10112x128xf32, #tpu.memory_space<vmem_shared>>)
          %mul3A_82 = arith.constant 2 : i32
          %mul3A_83 = arith.muli %mul3A_82, %scan3A_35 : i32
          %add3A_84 = arith.constant 2 : i32
          %add3A_85 = arith.addi %mul3A_83, %add3A_84 : i32
          %mul3A_86 = arith.constant 2016 : i32
          %mul3A_87 = arith.muli %add3A_85, %mul3A_86 : i32
          %add3A_88 = arith.addi %mul3A_7, %mul3A_87 : i32
          %dma_start3A_89 = tpu.memref_slice %arg3[%add3A_88] : memref<322560xi32, #tpu.memory_space<hbm>> -> memref<2016xi32, #tpu.memory_space<hbm>>
          %dma_start3A_90 = tpu.memref_slice %arg3[%add3A_88] : memref<322560xi32, #tpu.memory_space<hbm>> -> memref<2016xi32, #tpu.memory_space<hbm>>
          tpu.enqueue_dma source(%dma_start3A_90 : memref<2016xi32, #tpu.memory_space<hbm>>) target(%arg10 : memref<2016xi32, #tpu.memory_space<vmem>>) target_semaphore(%arg24 : memref<!tpu.dma_semaphore, #tpu.memory_space<semaphore_mem>>)
          %dma_start3A_91 = tpu.memref_slice %arg4[%add3A_88] : memref<322560xi32, #tpu.memory_space<hbm>> -> memref<2016xi32, #tpu.memory_space<hbm>>
          %dma_start3A_92 = tpu.memref_slice %arg4[%add3A_88] : memref<322560xi32, #tpu.memory_space<hbm>> -> memref<2016xi32, #tpu.memory_space<hbm>>
          tpu.enqueue_dma source(%dma_start3A_92 : memref<2016xi32, #tpu.memory_space<hbm>>) target(%arg11 : memref<2016xi32, #tpu.memory_space<vmem>>) target_semaphore(%arg24 : memref<!tpu.dma_semaphore, #tpu.memory_space<semaphore_mem>>)
        } else {
        }
        %add3A_64 = arith.constant 1 : i32
        %add3A_65 = arith.addi %scan3A_35, %add3A_64 : i32
        %ge3A = arith.constant 5 : i32
        %ge3A_66 = arith.cmpi sge, %add3A_65, %ge3A : i32
        %add3A_67 = arith.constant 1 : i32
        %add3A_68 = arith.addi %scan3A_35, %add3A_67 : i32
        %ge3A_69 = arith.constant 5 : i32
        %ge3A_70 = arith.cmpi sge, %add3A_68, %ge3A_69 : i32
        %scan3A_71 = arith.constant 0 : i32
        %scan3A_72 = arith.constant 0 : i32
        %scan3A_73 = arith.constant 7 : i32
        %scan3A_74 = arith.addi %scan3A_72, %scan3A_73 : i32
        %scan3A_75 = arith.constant 1 : i32
        scf.for %scan3A_77 = %scan3A_72 to %scan3A_74 step %scan3A_75  : i32 {
          %eq3A_78 = arith.constant 6 : i32
          %eq3A_79 = arith.cmpi eq, %scan3A_77, %eq3A_78 : i32
          %not3A = arith.constant true
          %not3A_80 = arith.xori %ge3A_70, %not3A : i1
          %and3A = arith.andi %eq3A_79, %not3A_80 : i1
          %convert_element_type3A_81 = arith.extui %and3A : i1 to i32
          %cond3A_82 = arith.constant 0 : i32
          %cond3A_83 = arith.cmpi ne, %convert_element_type3A_81, %cond3A_82 : i32
          scf.if %cond3A_83 {
            %dma_wait3A_196 = arith.constant 0 : i32
            %dma_wait3A_197 = tpu.memref_slice %arg3[%dma_wait3A_196] : memref<322560xi32, #tpu.memory_space<hbm>> -> memref<2016xi32, #tpu.memory_space<hbm>>
            %dma_wait3A_198 = arith.constant 0 : i32
            %dma_wait3A_199 = tpu.memref_slice %arg3[%dma_wait3A_198] : memref<322560xi32, #tpu.memory_space<hbm>> -> memref<2016xi32, #tpu.memory_space<hbm>>
            tpu.wait_dma2 semaphore(%arg24 : memref<!tpu.dma_semaphore, #tpu.memory_space<semaphore_mem>>) src(%dma_wait3A_199 : memref<2016xi32, #tpu.memory_space<hbm>>) dst(%arg10 : memref<2016xi32, #tpu.memory_space<vmem>>)
            %dma_wait3A_200 = arith.constant 0 : i32
            %dma_wait3A_201 = tpu.memref_slice %arg4[%dma_wait3A_200] : memref<322560xi32, #tpu.memory_space<hbm>> -> memref<2016xi32, #tpu.memory_space<hbm>>
            %dma_wait3A_202 = arith.constant 0 : i32
            %dma_wait3A_203 = tpu.memref_slice %arg4[%dma_wait3A_202] : memref<322560xi32, #tpu.memory_space<hbm>> -> memref<2016xi32, #tpu.memory_space<hbm>>
            tpu.wait_dma2 semaphore(%arg24 : memref<!tpu.dma_semaphore, #tpu.memory_space<semaphore_mem>>) src(%dma_wait3A_203 : memref<2016xi32, #tpu.memory_space<hbm>>) dst(%arg11 : memref<2016xi32, #tpu.memory_space<vmem>>)
          } else {
          }
          %mul3A_84 = arith.constant 3 : i32
          %mul3A_85 = arith.muli %mul3A_84, %scan3A_77 : i32
          %add3A_86 = arith.constant 0 : i32
          %add3A_87 = arith.addi %mul3A_85, %add3A_86 : i32
          %mul3A_88 = arith.constant 96 : i32
          %mul3A_89 = arith.muli %add3A_87, %mul3A_88 : i32
          %dma_wait3A_90 = tpu.memref_slice %arg12[%mul3A_89] : memref<2016xi32, #tpu.memory_space<vmem>> -> memref<96xi32, #tpu.memory_space<vmem>>
          %dma_wait3A_91 = arith.constant 0 : i32
          %dma_wait3A_92 = arith.constant 0 : i32
          %dma_wait3A_93 = tpu.memref_slice %arg2[%dma_wait3A_91, %dma_wait3A_92] : memref<10000x128xf32, #tpu.memory_space<hbm>> -> memref<10000x128xf32, #tpu.memory_space<hbm>>
          tpu.wait_indirect_dma semaphore(%arg18 : memref<!tpu.dma_semaphore, #tpu.memory_space<semaphore_mem>>) src(%dma_wait3A_93 : memref<10000x128xf32, #tpu.memory_space<hbm>>) dst(%arg14 : memref<96x128xf32, #tpu.memory_space<vmem>>)
          %dma_start3A_94 = tpu.memref_slice %arg13[%mul3A_89] : memref<2016xi32, #tpu.memory_space<vmem>> -> memref<96xi32, #tpu.memory_space<vmem>>
          %dma_start3A_95 = arith.constant 0 : i32
          %dma_start3A_96 = arith.constant 0 : i32
          %dma_start3A_97 = tpu.memref_slice %arg17[%dma_start3A_95, %dma_start3A_96] : memref<10112x128xf32, #tpu.memory_space<vmem_shared>> -> memref<10112x128xf32, #tpu.memory_space<vmem_shared>>
          tpu.enqueue_indirect_dma source(%arg14 : memref<96x128xf32, #tpu.memory_space<vmem>>) target(%dma_start3A_97 : memref<10112x128xf32, #tpu.memory_space<vmem_shared>>) offsets(%dma_start3A_94 : memref<96xi32, #tpu.memory_space<vmem>>) semaphore(%arg21 : memref<!tpu.dma_semaphore, #tpu.memory_space<semaphore_mem>>) {add = true}
          %eq3A_98 = arith.constant 0 : i32
          %eq3A_99 = arith.cmpi eq, %scan3A_77, %eq3A_98 : i32
          %and3A_100 = arith.andi %eq3A_99, %ge3A_66 : i1
          %convert_element_type3A_101 = arith.extui %and3A_100 : i1 to i32
          %cond3A_102 = arith.constant 0 : i32
          %cond3A_103 = arith.cmpi ne, %convert_element_type3A_101, %cond3A_102 : i32
          scf.if %cond3A_103 {
            %dma_wait3A_196 = arith.constant 1920 : i32
            %dma_wait3A_197 = tpu.memref_slice %arg11[%dma_wait3A_196] : memref<2016xi32, #tpu.memory_space<vmem>> -> memref<96xi32, #tpu.memory_space<vmem>>
            %dma_wait3A_198 = arith.constant 0 : i32
            %dma_wait3A_199 = arith.constant 0 : i32
            %dma_wait3A_200 = tpu.memref_slice %arg17[%dma_wait3A_198, %dma_wait3A_199] : memref<10112x128xf32, #tpu.memory_space<vmem_shared>> -> memref<10112x128xf32, #tpu.memory_space<vmem_shared>>
            tpu.wait_indirect_dma semaphore(%arg23 : memref<!tpu.dma_semaphore, #tpu.memory_space<semaphore_mem>>) src(%arg16 : memref<96x128xf32, #tpu.memory_space<vmem>>) dst(%dma_wait3A_200 : memref<10112x128xf32, #tpu.memory_space<vmem_shared>>)
          } else {
          }
          %gt3A_104 = arith.constant 0 : i32
          %gt3A_105 = arith.cmpi sgt, %scan3A_77, %gt3A_104 : i32
          %convert_element_type3A_106 = arith.extui %gt3A_105 : i1 to i32
          %cond3A_107 = arith.constant 0 : i32
          %cond3A_108 = arith.cmpi ne, %convert_element_type3A_106, %cond3A_107 : i32
          scf.if %cond3A_108 {
            %mul3A_196 = arith.constant 3 : i32
            %mul3A_197 = arith.muli %mul3A_196, %scan3A_77 : i32
            %sub3A_198 = arith.constant 1 : i32
            %sub3A_199 = arith.subi %mul3A_197, %sub3A_198 : i32
            %mul3A_200 = arith.constant 96 : i32
            %mul3A_201 = arith.muli %sub3A_199, %mul3A_200 : i32
            %dma_wait3A_202 = tpu.memref_slice %arg13[%mul3A_201] : memref<2016xi32, #tpu.memory_space<vmem>> -> memref<96xi32, #tpu.memory_space<vmem>>
            %dma_wait3A_203 = arith.constant 0 : i32
            %dma_wait3A_204 = arith.constant 0 : i32
            %dma_wait3A_205 = tpu.memref_slice %arg17[%dma_wait3A_203, %dma_wait3A_204] : memref<10112x128xf32, #tpu.memory_space<vmem_shared>> -> memref<10112x128xf32, #tpu.memory_space<vmem_shared>>
            tpu.wait_indirect_dma semaphore(%arg23 : memref<!tpu.dma_semaphore, #tpu.memory_space<semaphore_mem>>) src(%arg16 : memref<96x128xf32, #tpu.memory_space<vmem>>) dst(%dma_wait3A_205 : memref<10112x128xf32, #tpu.memory_space<vmem_shared>>)
          } else {
          }
          %mul3A_109 = arith.constant 3 : i32
          %mul3A_110 = arith.muli %mul3A_109, %scan3A_77 : i32
          %add3A_111 = arith.constant 2 : i32
          %add3A_112 = arith.addi %mul3A_110, %add3A_111 : i32
          %mul3A_113 = arith.constant 96 : i32
          %mul3A_114 = arith.muli %add3A_112, %mul3A_113 : i32
          %dma_start3A_115 = tpu.memref_slice %arg12[%mul3A_114] : memref<2016xi32, #tpu.memory_space<vmem>> -> memref<96xi32, #tpu.memory_space<vmem>>
          %dma_start3A_116 = arith.constant 0 : i32
          %dma_start3A_117 = arith.constant 0 : i32
          %dma_start3A_118 = tpu.memref_slice %arg2[%dma_start3A_116, %dma_start3A_117] : memref<10000x128xf32, #tpu.memory_space<hbm>> -> memref<10000x128xf32, #tpu.memory_space<hbm>>
          tpu.enqueue_indirect_dma source(%dma_start3A_118 : memref<10000x128xf32, #tpu.memory_space<hbm>>) target(%arg16 : memref<96x128xf32, #tpu.memory_space<vmem>>) offsets(%dma_start3A_115 : memref<96xi32, #tpu.memory_space<vmem>>) semaphore(%arg20 : memref<!tpu.dma_semaphore, #tpu.memory_space<semaphore_mem>>)
          %mul3A_119 = arith.constant 3 : i32
          %mul3A_120 = arith.muli %mul3A_119, %scan3A_77 : i32
          %add3A_121 = arith.constant 1 : i32
          %add3A_122 = arith.addi %mul3A_120, %add3A_121 : i32
          %mul3A_123 = arith.constant 96 : i32
          %mul3A_124 = arith.muli %add3A_122, %mul3A_123 : i32
          %dma_wait3A_125 = tpu.memref_slice %arg12[%mul3A_124] : memref<2016xi32, #tpu.memory_space<vmem>> -> memref<96xi32, #tpu.memory_space<vmem>>
          %dma_wait3A_126 = arith.constant 0 : i32
          %dma_wait3A_127 = arith.constant 0 : i32
          %dma_wait3A_128 = tpu.memref_slice %arg2[%dma_wait3A_126, %dma_wait3A_127] : memref<10000x128xf32, #tpu.memory_space<hbm>> -> memref<10000x128xf32, #tpu.memory_space<hbm>>
          tpu.wait_indirect_dma semaphore(%arg19 : memref<!tpu.dma_semaphore, #tpu.memory_space<semaphore_mem>>) src(%dma_wait3A_128 : memref<10000x128xf32, #tpu.memory_space<hbm>>) dst(%arg15 : memref<96x128xf32, #tpu.memory_space<vmem>>)
          %dma_start3A_129 = tpu.memref_slice %arg13[%mul3A_124] : memref<2016xi32, #tpu.memory_space<vmem>> -> memref<96xi32, #tpu.memory_space<vmem>>
          %dma_start3A_130 = arith.constant 0 : i32
          %dma_start3A_131 = arith.constant 0 : i32
          %dma_start3A_132 = tpu.memref_slice %arg17[%dma_start3A_130, %dma_start3A_131] : memref<10112x128xf32, #tpu.memory_space<vmem_shared>> -> memref<10112x128xf32, #tpu.memory_space<vmem_shared>>
          tpu.enqueue_indirect_dma source(%arg15 : memref<96x128xf32, #tpu.memory_space<vmem>>) target(%dma_start3A_132 : memref<10112x128xf32, #tpu.memory_space<vmem_shared>>) offsets(%dma_start3A_129 : memref<96xi32, #tpu.memory_space<vmem>>) semaphore(%arg22 : memref<!tpu.dma_semaphore, #tpu.memory_space<semaphore_mem>>) {add = true}
          %mul3A_133 = arith.constant 3 : i32
          %mul3A_134 = arith.muli %mul3A_133, %scan3A_77 : i32
          %add3A_135 = arith.constant 1 : i32
          %add3A_136 = arith.addi %mul3A_134, %add3A_135 : i32
          %sub3A = arith.constant 1 : i32
          %sub3A_137 = arith.subi %add3A_136, %sub3A : i32
          %mul3A_138 = arith.constant 96 : i32
          %mul3A_139 = arith.muli %sub3A_137, %mul3A_138 : i32
          %dma_wait3A_140 = tpu.memref_slice %arg13[%mul3A_139] : memref<2016xi32, #tpu.memory_space<vmem>> -> memref<96xi32, #tpu.memory_space<vmem>>
          %dma_wait3A_141 = arith.constant 0 : i32
          %dma_wait3A_142 = arith.constant 0 : i32
          %dma_wait3A_143 = tpu.memref_slice %arg17[%dma_wait3A_141, %dma_wait3A_142] : memref<10112x128xf32, #tpu.memory_space<vmem_shared>> -> memref<10112x128xf32, #tpu.memory_space<vmem_shared>>
          tpu.wait_indirect_dma semaphore(%arg21 : memref<!tpu.dma_semaphore, #tpu.memory_space<semaphore_mem>>) src(%arg14 : memref<96x128xf32, #tpu.memory_space<vmem>>) dst(%dma_wait3A_143 : memref<10112x128xf32, #tpu.memory_space<vmem_shared>>)
          %lt3A_144 = arith.constant 6 : i32
          %lt3A_145 = arith.cmpi slt, %scan3A_77, %lt3A_144 : i32
          %convert_element_type3A_146 = arith.extui %lt3A_145 : i1 to i32
          %cond3A_147 = arith.constant 0 : i32
          %cond3A_148 = arith.cmpi ne, %convert_element_type3A_146, %cond3A_147 : i32
          scf.if %cond3A_148 {
            %mul3A_196 = arith.constant 3 : i32
            %mul3A_197 = arith.muli %mul3A_196, %scan3A_77 : i32
            %add3A_198 = arith.constant 1 : i32
            %add3A_199 = arith.addi %mul3A_197, %add3A_198 : i32
            %add3A_200 = arith.constant 2 : i32
            %add3A_201 = arith.addi %add3A_199, %add3A_200 : i32
            %mul3A_202 = arith.constant 96 : i32
            %mul3A_203 = arith.muli %add3A_201, %mul3A_202 : i32
            %dma_start3A_204 = tpu.memref_slice %arg12[%mul3A_203] : memref<2016xi32, #tpu.memory_space<vmem>> -> memref<96xi32, #tpu.memory_space<vmem>>
            %dma_start3A_205 = arith.constant 0 : i32
            %dma_start3A_206 = arith.constant 0 : i32
            %dma_start3A_207 = tpu.memref_slice %arg2[%dma_start3A_205, %dma_start3A_206] : memref<10000x128xf32, #tpu.memory_space<hbm>> -> memref<10000x128xf32, #tpu.memory_space<hbm>>
            tpu.enqueue_indirect_dma source(%dma_start3A_207 : memref<10000x128xf32, #tpu.memory_space<hbm>>) target(%arg14 : memref<96x128xf32, #tpu.memory_space<vmem>>) offsets(%dma_start3A_204 : memref<96xi32, #tpu.memory_space<vmem>>) semaphore(%arg18 : memref<!tpu.dma_semaphore, #tpu.memory_space<semaphore_mem>>)
          } else {
          }
          %eq3A_149 = arith.constant 6 : i32
          %eq3A_150 = arith.cmpi eq, %scan3A_77, %eq3A_149 : i32
          %not3A_151 = arith.constant true
          %not3A_152 = arith.xori %ge3A_70, %not3A_151 : i1
          %and3A_153 = arith.andi %eq3A_150, %not3A_152 : i1
          %convert_element_type3A_154 = arith.extui %and3A_153 : i1 to i32
          %cond3A_155 = arith.constant 0 : i32
          %cond3A_156 = arith.cmpi ne, %convert_element_type3A_154, %cond3A_155 : i32
          scf.if %cond3A_156 {
            %dma_start3A_196 = arith.constant 0 : i32
            %dma_start3A_197 = tpu.memref_slice %arg10[%dma_start3A_196] : memref<2016xi32, #tpu.memory_space<vmem>> -> memref<96xi32, #tpu.memory_space<vmem>>
            %dma_start3A_198 = arith.constant 0 : i32
            %dma_start3A_199 = arith.constant 0 : i32
            %dma_start3A_200 = tpu.memref_slice %arg2[%dma_start3A_198, %dma_start3A_199] : memref<10000x128xf32, #tpu.memory_space<hbm>> -> memref<10000x128xf32, #tpu.memory_space<hbm>>
            tpu.enqueue_indirect_dma source(%dma_start3A_200 : memref<10000x128xf32, #tpu.memory_space<hbm>>) target(%arg14 : memref<96x128xf32, #tpu.memory_space<vmem>>) offsets(%dma_start3A_197 : memref<96xi32, #tpu.memory_space<vmem>>) semaphore(%arg18 : memref<!tpu.dma_semaphore, #tpu.memory_space<semaphore_mem>>)
          } else {
          }
          %mul3A_157 = arith.constant 3 : i32
          %mul3A_158 = arith.muli %mul3A_157, %scan3A_77 : i32
          %add3A_159 = arith.constant 2 : i32
          %add3A_160 = arith.addi %mul3A_158, %add3A_159 : i32
          %mul3A_161 = arith.constant 96 : i32
          %mul3A_162 = arith.muli %add3A_160, %mul3A_161 : i32
          %dma_wait3A_163 = tpu.memref_slice %arg12[%mul3A_162] : memref<2016xi32, #tpu.memory_space<vmem>> -> memref<96xi32, #tpu.memory_space<vmem>>
          %dma_wait3A_164 = arith.constant 0 : i32
          %dma_wait3A_165 = arith.constant 0 : i32
          %dma_wait3A_166 = tpu.memref_slice %arg2[%dma_wait3A_164, %dma_wait3A_165] : memref<10000x128xf32, #tpu.memory_space<hbm>> -> memref<10000x128xf32, #tpu.memory_space<hbm>>
          tpu.wait_indirect_dma semaphore(%arg20 : memref<!tpu.dma_semaphore, #tpu.memory_space<semaphore_mem>>) src(%dma_wait3A_166 : memref<10000x128xf32, #tpu.memory_space<hbm>>) dst(%arg16 : memref<96x128xf32, #tpu.memory_space<vmem>>)
          %dma_start3A_167 = tpu.memref_slice %arg13[%mul3A_162] : memref<2016xi32, #tpu.memory_space<vmem>> -> memref<96xi32, #tpu.memory_space<vmem>>
          %dma_start3A_168 = arith.constant 0 : i32
          %dma_start3A_169 = arith.constant 0 : i32
          %dma_start3A_170 = tpu.memref_slice %arg17[%dma_start3A_168, %dma_start3A_169] : memref<10112x128xf32, #tpu.memory_space<vmem_shared>> -> memref<10112x128xf32, #tpu.memory_space<vmem_shared>>
          tpu.enqueue_indirect_dma source(%arg16 : memref<96x128xf32, #tpu.memory_space<vmem>>) target(%dma_start3A_170 : memref<10112x128xf32, #tpu.memory_space<vmem_shared>>) offsets(%dma_start3A_167 : memref<96xi32, #tpu.memory_space<vmem>>) semaphore(%arg23 : memref<!tpu.dma_semaphore, #tpu.memory_space<semaphore_mem>>) {add = true}
          %mul3A_171 = arith.constant 3 : i32
          %mul3A_172 = arith.muli %mul3A_171, %scan3A_77 : i32
          %add3A_173 = arith.constant 2 : i32
          %add3A_174 = arith.addi %mul3A_172, %add3A_173 : i32
          %sub3A_175 = arith.constant 1 : i32
          %sub3A_176 = arith.subi %add3A_174, %sub3A_175 : i32
          %mul3A_177 = arith.constant 96 : i32
          %mul3A_178 = arith.muli %sub3A_176, %mul3A_177 : i32
          %dma_wait3A_179 = tpu.memref_slice %arg13[%mul3A_178] : memref<2016xi32, #tpu.memory_space<vmem>> -> memref<96xi32, #tpu.memory_space<vmem>>
          %dma_wait3A_180 = arith.constant 0 : i32
          %dma_wait3A_181 = arith.constant 0 : i32
          %dma_wait3A_182 = tpu.memref_slice %arg17[%dma_wait3A_180, %dma_wait3A_181] : memref<10112x128xf32, #tpu.memory_space<vmem_shared>> -> memref<10112x128xf32, #tpu.memory_space<vmem_shared>>
          tpu.wait_indirect_dma semaphore(%arg22 : memref<!tpu.dma_semaphore, #tpu.memory_space<semaphore_mem>>) src(%arg15 : memref<96x128xf32, #tpu.memory_space<vmem>>) dst(%dma_wait3A_182 : memref<10112x128xf32, #tpu.memory_space<vmem_shared>>)
          %lt3A_183 = arith.constant 6 : i32
          %lt3A_184 = arith.cmpi slt, %scan3A_77, %lt3A_183 : i32
          %convert_element_type3A_185 = arith.extui %lt3A_184 : i1 to i32
          %cond3A_186 = arith.constant 0 : i32
          %cond3A_187 = arith.cmpi ne, %convert_element_type3A_185, %cond3A_186 : i32
          scf.if %cond3A_187 {
            %mul3A_196 = arith.constant 3 : i32
            %mul3A_197 = arith.muli %mul3A_196, %scan3A_77 : i32
            %add3A_198 = arith.constant 2 : i32
            %add3A_199 = arith.addi %mul3A_197, %add3A_198 : i32
            %add3A_200 = arith.constant 2 : i32
            %add3A_201 = arith.addi %add3A_199, %add3A_200 : i32
            %mul3A_202 = arith.constant 96 : i32
            %mul3A_203 = arith.muli %add3A_201, %mul3A_202 : i32
            %dma_start3A_204 = tpu.memref_slice %arg12[%mul3A_203] : memref<2016xi32, #tpu.memory_space<vmem>> -> memref<96xi32, #tpu.memory_space<vmem>>
            %dma_start3A_205 = arith.constant 0 : i32
            %dma_start3A_206 = arith.constant 0 : i32
            %dma_start3A_207 = tpu.memref_slice %arg2[%dma_start3A_205, %dma_start3A_206] : memref<10000x128xf32, #tpu.memory_space<hbm>> -> memref<10000x128xf32, #tpu.memory_space<hbm>>
            tpu.enqueue_indirect_dma source(%dma_start3A_207 : memref<10000x128xf32, #tpu.memory_space<hbm>>) target(%arg15 : memref<96x128xf32, #tpu.memory_space<vmem>>) offsets(%dma_start3A_204 : memref<96xi32, #tpu.memory_space<vmem>>) semaphore(%arg19 : memref<!tpu.dma_semaphore, #tpu.memory_space<semaphore_mem>>)
          } else {
          }
          %eq3A_188 = arith.constant 6 : i32
          %eq3A_189 = arith.cmpi eq, %scan3A_77, %eq3A_188 : i32
          %not3A_190 = arith.constant true
          %not3A_191 = arith.xori %ge3A_70, %not3A_190 : i1
          %and3A_192 = arith.andi %eq3A_189, %not3A_191 : i1
          %convert_element_type3A_193 = arith.extui %and3A_192 : i1 to i32
          %cond3A_194 = arith.constant 0 : i32
          %cond3A_195 = arith.cmpi ne, %convert_element_type3A_193, %cond3A_194 : i32
          scf.if %cond3A_195 {
            %dma_start3A_196 = arith.constant 96 : i32
            %dma_start3A_197 = tpu.memref_slice %arg10[%dma_start3A_196] : memref<2016xi32, #tpu.memory_space<vmem>> -> memref<96xi32, #tpu.memory_space<vmem>>
            %dma_start3A_198 = arith.constant 0 : i32
            %dma_start3A_199 = arith.constant 0 : i32
            %dma_start3A_200 = tpu.memref_slice %arg2[%dma_start3A_198, %dma_start3A_199] : memref<10000x128xf32, #tpu.memory_space<hbm>> -> memref<10000x128xf32, #tpu.memory_space<hbm>>
            tpu.enqueue_indirect_dma source(%dma_start3A_200 : memref<10000x128xf32, #tpu.memory_space<hbm>>) target(%arg15 : memref<96x128xf32, #tpu.memory_space<vmem>>) offsets(%dma_start3A_197 : memref<96xi32, #tpu.memory_space<vmem>>) semaphore(%arg19 : memref<!tpu.dma_semaphore, #tpu.memory_space<semaphore_mem>>)
          } else {
          }
        }
        %scan3A_76 = arith.constant 7 : i32
      }
      %scan3A_25 = arith.constant 5 : i32
      %dma_wait3A = arith.constant 1920 : i32
      %dma_wait3A_26 = tpu.memref_slice %arg13[%dma_wait3A] : memref<2016xi32, #tpu.memory_space<vmem>> -> memref<96xi32, #tpu.memory_space<vmem>>
      %dma_wait3A_27 = arith.constant 0 : i32
      %dma_wait3A_28 = arith.constant 0 : i32
      %dma_wait3A_29 = tpu.memref_slice %arg17[%dma_wait3A_27, %dma_wait3A_28] : memref<10112x128xf32, #tpu.memory_space<vmem_shared>> -> memref<10112x128xf32, #tpu.memory_space<vmem_shared>>
      tpu.wait_indirect_dma semaphore(%arg23 : memref<!tpu.dma_semaphore, #tpu.memory_space<semaphore_mem>>) src(%arg16 : memref<96x128xf32, #tpu.memory_space<vmem>>) dst(%dma_wait3A_29 : memref<10112x128xf32, #tpu.memory_space<vmem_shared>>)
      %barrier3A_30 = arith.constant 0 : index
      tpu.barrier barrier_id(%barrier3A_30)
      %mul3A_31 = arith.constant 632 : i32
      %mul3A_32 = arith.muli %arg1, %mul3A_31 : i32
      %mul3A_33 = arith.constant 632 : i32
      %mul3A_34 = arith.muli %arg1, %mul3A_33 : i32
      "tpu.region"() ({
        %run_scoped3A = tpu.sem_alloc : memref<!tpu.dma_semaphore, #tpu.memory_space<semaphore_mem>>
        %dma_start3A_35 = arith.constant 0 : i32
        %dma_start3A_36 = tpu.memref_slice %arg8[%mul3A_34, %dma_start3A_35] : memref<10112x128xf32, #tpu.memory_space<hbm>> -> memref<632x128xf32, #tpu.memory_space<hbm>>
        %dma_start3A_37 = arith.constant 0 : i32
        %dma_start3A_38 = tpu.memref_slice %arg17[%mul3A_32, %dma_start3A_37] : memref<10112x128xf32, #tpu.memory_space<vmem_shared>> -> memref<632x128xf32, #tpu.memory_space<vmem_shared>>
        tpu.enqueue_dma source(%dma_start3A_38 : memref<632x128xf32, #tpu.memory_space<vmem_shared>>) target(%dma_start3A_36 : memref<632x128xf32, #tpu.memory_space<hbm>>) target_semaphore(%run_scoped3A : memref<!tpu.dma_semaphore, #tpu.memory_space<semaphore_mem>>)
        %dma_wait3A_39 = arith.constant 0 : i32
        %dma_wait3A_40 = tpu.memref_slice %arg8[%mul3A_34, %dma_wait3A_39] : memref<10112x128xf32, #tpu.memory_space<hbm>> -> memref<632x128xf32, #tpu.memory_space<hbm>>
        %dma_wait3A_41 = arith.constant 0 : i32
        %dma_wait3A_42 = tpu.memref_slice %arg17[%mul3A_32, %dma_wait3A_41] : memref<10112x128xf32, #tpu.memory_space<vmem_shared>> -> memref<632x128xf32, #tpu.memory_space<vmem_shared>>
        tpu.wait_dma2 semaphore(%run_scoped3A : memref<!tpu.dma_semaphore, #tpu.memory_space<semaphore_mem>>) src(%dma_wait3A_42 : memref<632x128xf32, #tpu.memory_space<vmem_shared>>) dst(%dma_wait3A_40 : memref<632x128xf32, #tpu.memory_space<hbm>>)
        tpu.yield
      }) : () -> ()
    } else {
    }
    %eq3A_2 = arith.constant 1 : i32
    %eq3A_3 = arith.cmpi eq, %arg0, %eq3A_2 : i32
    %convert_element_type3A_4 = arith.extui %eq3A_3 : i1 to i32
    %cond3A_5 = arith.constant 0 : i32
    %cond3A_6 = arith.cmpi ne, %convert_element_type3A_4, %cond3A_5 : i32
    scf.if %cond3A_6 {
      %mul3A = arith.constant 20160 : i32
      %mul3A_7 = arith.muli %arg1, %mul3A : i32
      "tpu.region"() ({
        %run_scoped3A = tpu.sem_alloc : memref<!tpu.dma_semaphore, #tpu.memory_space<semaphore_mem>>
        %dma_start3A_35 = tpu.memref_slice %arg5[%mul3A_7] : memref<322560xi32, #tpu.memory_space<hbm>> -> memref<2016xi32, #tpu.memory_space<hbm>>
        %dma_start3A_36 = tpu.memref_slice %arg5[%mul3A_7] : memref<322560xi32, #tpu.memory_space<hbm>> -> memref<2016xi32, #tpu.memory_space<hbm>>
        tpu.enqueue_dma source(%dma_start3A_36 : memref<2016xi32, #tpu.memory_space<hbm>>) target(%arg10 : memref<2016xi32, #tpu.memory_space<vmem>>) target_semaphore(%run_scoped3A : memref<!tpu.dma_semaphore, #tpu.memory_space<semaphore_mem>>)
        %dma_wait3A_37 = tpu.memref_slice %arg5[%mul3A_7] : memref<322560xi32, #tpu.memory_space<hbm>> -> memref<2016xi32, #tpu.memory_space<hbm>>
        %dma_wait3A_38 = tpu.memref_slice %arg5[%mul3A_7] : memref<322560xi32, #tpu.memory_space<hbm>> -> memref<2016xi32, #tpu.memory_space<hbm>>
        tpu.wait_dma2 semaphore(%run_scoped3A : memref<!tpu.dma_semaphore, #tpu.memory_space<semaphore_mem>>) src(%dma_wait3A_38 : memref<2016xi32, #tpu.memory_space<hbm>>) dst(%arg10 : memref<2016xi32, #tpu.memory_space<vmem>>)
        tpu.yield
      }) : () -> ()
      "tpu.region"() ({
        %run_scoped3A = tpu.sem_alloc : memref<!tpu.dma_semaphore, #tpu.memory_space<semaphore_mem>>
        %dma_start3A_35 = tpu.memref_slice %arg6[%mul3A_7] : memref<322560xi32, #tpu.memory_space<hbm>> -> memref<2016xi32, #tpu.memory_space<hbm>>
        %dma_start3A_36 = tpu.memref_slice %arg6[%mul3A_7] : memref<322560xi32, #tpu.memory_space<hbm>> -> memref<2016xi32, #tpu.memory_space<hbm>>
        tpu.enqueue_dma source(%dma_start3A_36 : memref<2016xi32, #tpu.memory_space<hbm>>) target(%arg11 : memref<2016xi32, #tpu.memory_space<vmem>>) target_semaphore(%run_scoped3A : memref<!tpu.dma_semaphore, #tpu.memory_space<semaphore_mem>>)
        %dma_wait3A_37 = tpu.memref_slice %arg6[%mul3A_7] : memref<322560xi32, #tpu.memory_space<hbm>> -> memref<2016xi32, #tpu.memory_space<hbm>>
        %dma_wait3A_38 = tpu.memref_slice %arg6[%mul3A_7] : memref<322560xi32, #tpu.memory_space<hbm>> -> memref<2016xi32, #tpu.memory_space<hbm>>
        tpu.wait_dma2 semaphore(%run_scoped3A : memref<!tpu.dma_semaphore, #tpu.memory_space<semaphore_mem>>) src(%dma_wait3A_38 : memref<2016xi32, #tpu.memory_space<hbm>>) dst(%arg11 : memref<2016xi32, #tpu.memory_space<vmem>>)
        tpu.yield
      }) : () -> ()
      %dma_start3A = arith.constant 0 : i32
      %dma_start3A_8 = tpu.memref_slice %arg10[%dma_start3A] : memref<2016xi32, #tpu.memory_space<vmem>> -> memref<96xi32, #tpu.memory_space<vmem>>
      %dma_start3A_9 = arith.constant 0 : i32
      %dma_start3A_10 = arith.constant 0 : i32
      %dma_start3A_11 = tpu.memref_slice %arg2[%dma_start3A_9, %dma_start3A_10] : memref<10000x128xf32, #tpu.memory_space<hbm>> -> memref<10000x128xf32, #tpu.memory_space<hbm>>
      tpu.enqueue_indirect_dma source(%dma_start3A_11 : memref<10000x128xf32, #tpu.memory_space<hbm>>) target(%arg14 : memref<96x128xf32, #tpu.memory_space<vmem>>) offsets(%dma_start3A_8 : memref<96xi32, #tpu.memory_space<vmem>>) semaphore(%arg18 : memref<!tpu.dma_semaphore, #tpu.memory_space<semaphore_mem>>)
      %dma_start3A_12 = arith.constant 96 : i32
      %dma_start3A_13 = tpu.memref_slice %arg10[%dma_start3A_12] : memref<2016xi32, #tpu.memory_space<vmem>> -> memref<96xi32, #tpu.memory_space<vmem>>
      %dma_start3A_14 = arith.constant 0 : i32
      %dma_start3A_15 = arith.constant 0 : i32
      %dma_start3A_16 = tpu.memref_slice %arg2[%dma_start3A_14, %dma_start3A_15] : memref<10000x128xf32, #tpu.memory_space<hbm>> -> memref<10000x128xf32, #tpu.memory_space<hbm>>
      tpu.enqueue_indirect_dma source(%dma_start3A_16 : memref<10000x128xf32, #tpu.memory_space<hbm>>) target(%arg15 : memref<96x128xf32, #tpu.memory_space<vmem>>) offsets(%dma_start3A_13 : memref<96xi32, #tpu.memory_space<vmem>>) semaphore(%arg19 : memref<!tpu.dma_semaphore, #tpu.memory_space<semaphore_mem>>)
      %mul3A_17 = arith.constant 632 : i32
      %mul3A_18 = arith.muli %arg1, %mul3A_17 : i32
      %mul3A_19 = arith.constant 632 : i32
      %mul3A_20 = arith.muli %arg1, %mul3A_19 : i32
      "tpu.region"() ({
        %run_scoped3A = tpu.sem_alloc : memref<!tpu.dma_semaphore, #tpu.memory_space<semaphore_mem>>
        %dma_start3A_35 = arith.constant 0 : i32
        %dma_start3A_36 = tpu.memref_slice %arg17[%mul3A_20, %dma_start3A_35] : memref<10112x128xf32, #tpu.memory_space<vmem_shared>> -> memref<632x128xf32, #tpu.memory_space<vmem_shared>>
        %dma_start3A_37 = arith.constant 0 : i32
        %dma_start3A_38 = tpu.memref_slice %arg7[%mul3A_18, %dma_start3A_37] : memref<10112x128xf32, #tpu.memory_space<hbm>> -> memref<632x128xf32, #tpu.memory_space<hbm>>
        tpu.enqueue_dma source(%dma_start3A_38 : memref<632x128xf32, #tpu.memory_space<hbm>>) target(%dma_start3A_36 : memref<632x128xf32, #tpu.memory_space<vmem_shared>>) target_semaphore(%run_scoped3A : memref<!tpu.dma_semaphore, #tpu.memory_space<semaphore_mem>>)
        %dma_wait3A_39 = arith.constant 0 : i32
        %dma_wait3A_40 = tpu.memref_slice %arg17[%mul3A_20, %dma_wait3A_39] : memref<10112x128xf32, #tpu.memory_space<vmem_shared>> -> memref<632x128xf32, #tpu.memory_space<vmem_shared>>
        %dma_wait3A_41 = arith.constant 0 : i32
        %dma_wait3A_42 = tpu.memref_slice %arg7[%mul3A_18, %dma_wait3A_41] : memref<10112x128xf32, #tpu.memory_space<hbm>> -> memref<632x128xf32, #tpu.memory_space<hbm>>
        tpu.wait_dma2 semaphore(%run_scoped3A : memref<!tpu.dma_semaphore, #tpu.memory_space<semaphore_mem>>) src(%dma_wait3A_42 : memref<632x128xf32, #tpu.memory_space<hbm>>) dst(%dma_wait3A_40 : memref<632x128xf32, #tpu.memory_space<vmem_shared>>)
        tpu.yield
      }) : () -> ()
      %barrier3A = arith.constant 0 : index
      tpu.barrier barrier_id(%barrier3A)
      %scan3A = arith.constant 0 : i32
      %scan3A_21 = arith.constant 0 : i32
      %scan3A_22 = arith.constant 5 : i32
      %scan3A_23 = arith.addi %scan3A_21, %scan3A_22 : i32
      %scan3A_24 = arith.constant 1 : i32
      scf.for %scan3A_35 = %scan3A_21 to %scan3A_23 step %scan3A_24  : i32 {
        %gt3A = arith.constant 0 : i32
        %gt3A_36 = arith.cmpi sgt, %scan3A_35, %gt3A : i32
        %convert_element_type3A_37 = arith.extui %gt3A_36 : i1 to i32
        %cond3A_38 = arith.constant 0 : i32
        %cond3A_39 = arith.cmpi ne, %convert_element_type3A_37, %cond3A_38 : i32
        scf.if %cond3A_39 {
          %dma_wait3A_77 = arith.constant 1920 : i32
          %dma_wait3A_78 = tpu.memref_slice %arg13[%dma_wait3A_77] : memref<2016xi32, #tpu.memory_space<vmem>> -> memref<96xi32, #tpu.memory_space<vmem>>
          %dma_wait3A_79 = arith.constant 0 : i32
          %dma_wait3A_80 = arith.constant 0 : i32
          %dma_wait3A_81 = tpu.memref_slice %arg17[%dma_wait3A_79, %dma_wait3A_80] : memref<10112x128xf32, #tpu.memory_space<vmem_shared>> -> memref<10112x128xf32, #tpu.memory_space<vmem_shared>>
          tpu.wait_indirect_dma semaphore(%arg23 : memref<!tpu.dma_semaphore, #tpu.memory_space<semaphore_mem>>) src(%arg16 : memref<96x128xf32, #tpu.memory_space<vmem>>) dst(%dma_wait3A_81 : memref<10112x128xf32, #tpu.memory_space<vmem_shared>>)
        } else {
        }
        %mul3A_40 = arith.constant 2 : i32
        %mul3A_41 = arith.muli %mul3A_40, %scan3A_35 : i32
        %add3A = arith.constant 1 : i32
        %add3A_42 = arith.addi %mul3A_41, %add3A : i32
        %mul3A_43 = arith.constant 2016 : i32
        %mul3A_44 = arith.muli %add3A_42, %mul3A_43 : i32
        %add3A_45 = arith.addi %mul3A_7, %mul3A_44 : i32
        %dma_start3A_46 = tpu.memref_slice %arg5[%add3A_45] : memref<322560xi32, #tpu.memory_space<hbm>> -> memref<2016xi32, #tpu.memory_space<hbm>>
        %dma_start3A_47 = tpu.memref_slice %arg5[%add3A_45] : memref<322560xi32, #tpu.memory_space<hbm>> -> memref<2016xi32, #tpu.memory_space<hbm>>
        tpu.enqueue_dma source(%dma_start3A_47 : memref<2016xi32, #tpu.memory_space<hbm>>) target(%arg12 : memref<2016xi32, #tpu.memory_space<vmem>>) target_semaphore(%arg24 : memref<!tpu.dma_semaphore, #tpu.memory_space<semaphore_mem>>)
        %dma_start3A_48 = tpu.memref_slice %arg6[%add3A_45] : memref<322560xi32, #tpu.memory_space<hbm>> -> memref<2016xi32, #tpu.memory_space<hbm>>
        %dma_start3A_49 = tpu.memref_slice %arg6[%add3A_45] : memref<322560xi32, #tpu.memory_space<hbm>> -> memref<2016xi32, #tpu.memory_space<hbm>>
        tpu.enqueue_dma source(%dma_start3A_49 : memref<2016xi32, #tpu.memory_space<hbm>>) target(%arg13 : memref<2016xi32, #tpu.memory_space<vmem>>) target_semaphore(%arg24 : memref<!tpu.dma_semaphore, #tpu.memory_space<semaphore_mem>>)
        %scan3A_50 = arith.constant 0 : i32
        %scan3A_51 = arith.constant false
        %scan3A_52 = arith.constant false
        %scan3A_53 = arith.constant 0 : i32
        %scan3A_54 = arith.constant 7 : i32
        %scan3A_55 = arith.addi %scan3A_53, %scan3A_54 : i32
        %scan3A_56 = arith.constant 1 : i32
        scf.for %scan3A_77 = %scan3A_53 to %scan3A_55 step %scan3A_56  : i32 {
          %eq3A_78 = arith.constant 6 : i32
          %eq3A_79 = arith.cmpi eq, %scan3A_77, %eq3A_78 : i32
          %not3A = arith.constant true
          %not3A_80 = arith.xori %scan3A_51, %not3A : i1
          %and3A = arith.andi %eq3A_79, %not3A_80 : i1
          %convert_element_type3A_81 = arith.extui %and3A : i1 to i32
          %cond3A_82 = arith.constant 0 : i32
          %cond3A_83 = arith.cmpi ne, %convert_element_type3A_81, %cond3A_82 : i32
          scf.if %cond3A_83 {
            %dma_wait3A_196 = arith.constant 0 : i32
            %dma_wait3A_197 = tpu.memref_slice %arg5[%dma_wait3A_196] : memref<322560xi32, #tpu.memory_space<hbm>> -> memref<2016xi32, #tpu.memory_space<hbm>>
            %dma_wait3A_198 = arith.constant 0 : i32
            %dma_wait3A_199 = tpu.memref_slice %arg5[%dma_wait3A_198] : memref<322560xi32, #tpu.memory_space<hbm>> -> memref<2016xi32, #tpu.memory_space<hbm>>
            tpu.wait_dma2 semaphore(%arg24 : memref<!tpu.dma_semaphore, #tpu.memory_space<semaphore_mem>>) src(%dma_wait3A_199 : memref<2016xi32, #tpu.memory_space<hbm>>) dst(%arg12 : memref<2016xi32, #tpu.memory_space<vmem>>)
            %dma_wait3A_200 = arith.constant 0 : i32
            %dma_wait3A_201 = tpu.memref_slice %arg6[%dma_wait3A_200] : memref<322560xi32, #tpu.memory_space<hbm>> -> memref<2016xi32, #tpu.memory_space<hbm>>
            %dma_wait3A_202 = arith.constant 0 : i32
            %dma_wait3A_203 = tpu.memref_slice %arg6[%dma_wait3A_202] : memref<322560xi32, #tpu.memory_space<hbm>> -> memref<2016xi32, #tpu.memory_space<hbm>>
            tpu.wait_dma2 semaphore(%arg24 : memref<!tpu.dma_semaphore, #tpu.memory_space<semaphore_mem>>) src(%dma_wait3A_203 : memref<2016xi32, #tpu.memory_space<hbm>>) dst(%arg13 : memref<2016xi32, #tpu.memory_space<vmem>>)
          } else {
          }
          %mul3A_84 = arith.constant 3 : i32
          %mul3A_85 = arith.muli %mul3A_84, %scan3A_77 : i32
          %add3A_86 = arith.constant 0 : i32
          %add3A_87 = arith.addi %mul3A_85, %add3A_86 : i32
          %mul3A_88 = arith.constant 96 : i32
          %mul3A_89 = arith.muli %add3A_87, %mul3A_88 : i32
          %dma_wait3A_90 = tpu.memref_slice %arg10[%mul3A_89] : memref<2016xi32, #tpu.memory_space<vmem>> -> memref<96xi32, #tpu.memory_space<vmem>>
          %dma_wait3A_91 = arith.constant 0 : i32
          %dma_wait3A_92 = arith.constant 0 : i32
          %dma_wait3A_93 = tpu.memref_slice %arg2[%dma_wait3A_91, %dma_wait3A_92] : memref<10000x128xf32, #tpu.memory_space<hbm>> -> memref<10000x128xf32, #tpu.memory_space<hbm>>
          tpu.wait_indirect_dma semaphore(%arg18 : memref<!tpu.dma_semaphore, #tpu.memory_space<semaphore_mem>>) src(%dma_wait3A_93 : memref<10000x128xf32, #tpu.memory_space<hbm>>) dst(%arg14 : memref<96x128xf32, #tpu.memory_space<vmem>>)
          %dma_start3A_94 = tpu.memref_slice %arg11[%mul3A_89] : memref<2016xi32, #tpu.memory_space<vmem>> -> memref<96xi32, #tpu.memory_space<vmem>>
          %dma_start3A_95 = arith.constant 0 : i32
          %dma_start3A_96 = arith.constant 0 : i32
          %dma_start3A_97 = tpu.memref_slice %arg17[%dma_start3A_95, %dma_start3A_96] : memref<10112x128xf32, #tpu.memory_space<vmem_shared>> -> memref<10112x128xf32, #tpu.memory_space<vmem_shared>>
          tpu.enqueue_indirect_dma source(%arg14 : memref<96x128xf32, #tpu.memory_space<vmem>>) target(%dma_start3A_97 : memref<10112x128xf32, #tpu.memory_space<vmem_shared>>) offsets(%dma_start3A_94 : memref<96xi32, #tpu.memory_space<vmem>>) semaphore(%arg21 : memref<!tpu.dma_semaphore, #tpu.memory_space<semaphore_mem>>) {add = true}
          %eq3A_98 = arith.constant 0 : i32
          %eq3A_99 = arith.cmpi eq, %scan3A_77, %eq3A_98 : i32
          %and3A_100 = arith.andi %eq3A_99, %scan3A_52 : i1
          %convert_element_type3A_101 = arith.extui %and3A_100 : i1 to i32
          %cond3A_102 = arith.constant 0 : i32
          %cond3A_103 = arith.cmpi ne, %convert_element_type3A_101, %cond3A_102 : i32
          scf.if %cond3A_103 {
            %dma_wait3A_196 = arith.constant 1920 : i32
            %dma_wait3A_197 = tpu.memref_slice %arg13[%dma_wait3A_196] : memref<2016xi32, #tpu.memory_space<vmem>> -> memref<96xi32, #tpu.memory_space<vmem>>
            %dma_wait3A_198 = arith.constant 0 : i32
            %dma_wait3A_199 = arith.constant 0 : i32
            %dma_wait3A_200 = tpu.memref_slice %arg17[%dma_wait3A_198, %dma_wait3A_199] : memref<10112x128xf32, #tpu.memory_space<vmem_shared>> -> memref<10112x128xf32, #tpu.memory_space<vmem_shared>>
            tpu.wait_indirect_dma semaphore(%arg23 : memref<!tpu.dma_semaphore, #tpu.memory_space<semaphore_mem>>) src(%arg16 : memref<96x128xf32, #tpu.memory_space<vmem>>) dst(%dma_wait3A_200 : memref<10112x128xf32, #tpu.memory_space<vmem_shared>>)
          } else {
          }
          %gt3A_104 = arith.constant 0 : i32
          %gt3A_105 = arith.cmpi sgt, %scan3A_77, %gt3A_104 : i32
          %convert_element_type3A_106 = arith.extui %gt3A_105 : i1 to i32
          %cond3A_107 = arith.constant 0 : i32
          %cond3A_108 = arith.cmpi ne, %convert_element_type3A_106, %cond3A_107 : i32
          scf.if %cond3A_108 {
            %mul3A_196 = arith.constant 3 : i32
            %mul3A_197 = arith.muli %mul3A_196, %scan3A_77 : i32
            %sub3A_198 = arith.constant 1 : i32
            %sub3A_199 = arith.subi %mul3A_197, %sub3A_198 : i32
            %mul3A_200 = arith.constant 96 : i32
            %mul3A_201 = arith.muli %sub3A_199, %mul3A_200 : i32
            %dma_wait3A_202 = tpu.memref_slice %arg11[%mul3A_201] : memref<2016xi32, #tpu.memory_space<vmem>> -> memref<96xi32, #tpu.memory_space<vmem>>
            %dma_wait3A_203 = arith.constant 0 : i32
            %dma_wait3A_204 = arith.constant 0 : i32
            %dma_wait3A_205 = tpu.memref_slice %arg17[%dma_wait3A_203, %dma_wait3A_204] : memref<10112x128xf32, #tpu.memory_space<vmem_shared>> -> memref<10112x128xf32, #tpu.memory_space<vmem_shared>>
            tpu.wait_indirect_dma semaphore(%arg23 : memref<!tpu.dma_semaphore, #tpu.memory_space<semaphore_mem>>) src(%arg16 : memref<96x128xf32, #tpu.memory_space<vmem>>) dst(%dma_wait3A_205 : memref<10112x128xf32, #tpu.memory_space<vmem_shared>>)
          } else {
          }
          %mul3A_109 = arith.constant 3 : i32
          %mul3A_110 = arith.muli %mul3A_109, %scan3A_77 : i32
          %add3A_111 = arith.constant 2 : i32
          %add3A_112 = arith.addi %mul3A_110, %add3A_111 : i32
          %mul3A_113 = arith.constant 96 : i32
          %mul3A_114 = arith.muli %add3A_112, %mul3A_113 : i32
          %dma_start3A_115 = tpu.memref_slice %arg10[%mul3A_114] : memref<2016xi32, #tpu.memory_space<vmem>> -> memref<96xi32, #tpu.memory_space<vmem>>
          %dma_start3A_116 = arith.constant 0 : i32
          %dma_start3A_117 = arith.constant 0 : i32
          %dma_start3A_118 = tpu.memref_slice %arg2[%dma_start3A_116, %dma_start3A_117] : memref<10000x128xf32, #tpu.memory_space<hbm>> -> memref<10000x128xf32, #tpu.memory_space<hbm>>
          tpu.enqueue_indirect_dma source(%dma_start3A_118 : memref<10000x128xf32, #tpu.memory_space<hbm>>) target(%arg16 : memref<96x128xf32, #tpu.memory_space<vmem>>) offsets(%dma_start3A_115 : memref<96xi32, #tpu.memory_space<vmem>>) semaphore(%arg20 : memref<!tpu.dma_semaphore, #tpu.memory_space<semaphore_mem>>)
          %mul3A_119 = arith.constant 3 : i32
          %mul3A_120 = arith.muli %mul3A_119, %scan3A_77 : i32
          %add3A_121 = arith.constant 1 : i32
          %add3A_122 = arith.addi %mul3A_120, %add3A_121 : i32
          %mul3A_123 = arith.constant 96 : i32
          %mul3A_124 = arith.muli %add3A_122, %mul3A_123 : i32
          %dma_wait3A_125 = tpu.memref_slice %arg10[%mul3A_124] : memref<2016xi32, #tpu.memory_space<vmem>> -> memref<96xi32, #tpu.memory_space<vmem>>
          %dma_wait3A_126 = arith.constant 0 : i32
          %dma_wait3A_127 = arith.constant 0 : i32
          %dma_wait3A_128 = tpu.memref_slice %arg2[%dma_wait3A_126, %dma_wait3A_127] : memref<10000x128xf32, #tpu.memory_space<hbm>> -> memref<10000x128xf32, #tpu.memory_space<hbm>>
          tpu.wait_indirect_dma semaphore(%arg19 : memref<!tpu.dma_semaphore, #tpu.memory_space<semaphore_mem>>) src(%dma_wait3A_128 : memref<10000x128xf32, #tpu.memory_space<hbm>>) dst(%arg15 : memref<96x128xf32, #tpu.memory_space<vmem>>)
          %dma_start3A_129 = tpu.memref_slice %arg11[%mul3A_124] : memref<2016xi32, #tpu.memory_space<vmem>> -> memref<96xi32, #tpu.memory_space<vmem>>
          %dma_start3A_130 = arith.constant 0 : i32
          %dma_start3A_131 = arith.constant 0 : i32
          %dma_start3A_132 = tpu.memref_slice %arg17[%dma_start3A_130, %dma_start3A_131] : memref<10112x128xf32, #tpu.memory_space<vmem_shared>> -> memref<10112x128xf32, #tpu.memory_space<vmem_shared>>
          tpu.enqueue_indirect_dma source(%arg15 : memref<96x128xf32, #tpu.memory_space<vmem>>) target(%dma_start3A_132 : memref<10112x128xf32, #tpu.memory_space<vmem_shared>>) offsets(%dma_start3A_129 : memref<96xi32, #tpu.memory_space<vmem>>) semaphore(%arg22 : memref<!tpu.dma_semaphore, #tpu.memory_space<semaphore_mem>>) {add = true}
          %mul3A_133 = arith.constant 3 : i32
          %mul3A_134 = arith.muli %mul3A_133, %scan3A_77 : i32
          %add3A_135 = arith.constant 1 : i32
          %add3A_136 = arith.addi %mul3A_134, %add3A_135 : i32
          %sub3A = arith.constant 1 : i32
          %sub3A_137 = arith.subi %add3A_136, %sub3A : i32
          %mul3A_138 = arith.constant 96 : i32
          %mul3A_139 = arith.muli %sub3A_137, %mul3A_138 : i32
          %dma_wait3A_140 = tpu.memref_slice %arg11[%mul3A_139] : memref<2016xi32, #tpu.memory_space<vmem>> -> memref<96xi32, #tpu.memory_space<vmem>>
          %dma_wait3A_141 = arith.constant 0 : i32
          %dma_wait3A_142 = arith.constant 0 : i32
          %dma_wait3A_143 = tpu.memref_slice %arg17[%dma_wait3A_141, %dma_wait3A_142] : memref<10112x128xf32, #tpu.memory_space<vmem_shared>> -> memref<10112x128xf32, #tpu.memory_space<vmem_shared>>
          tpu.wait_indirect_dma semaphore(%arg21 : memref<!tpu.dma_semaphore, #tpu.memory_space<semaphore_mem>>) src(%arg14 : memref<96x128xf32, #tpu.memory_space<vmem>>) dst(%dma_wait3A_143 : memref<10112x128xf32, #tpu.memory_space<vmem_shared>>)
          %lt3A_144 = arith.constant 6 : i32
          %lt3A_145 = arith.cmpi slt, %scan3A_77, %lt3A_144 : i32
          %convert_element_type3A_146 = arith.extui %lt3A_145 : i1 to i32
          %cond3A_147 = arith.constant 0 : i32
          %cond3A_148 = arith.cmpi ne, %convert_element_type3A_146, %cond3A_147 : i32
          scf.if %cond3A_148 {
            %mul3A_196 = arith.constant 3 : i32
            %mul3A_197 = arith.muli %mul3A_196, %scan3A_77 : i32
            %add3A_198 = arith.constant 1 : i32
            %add3A_199 = arith.addi %mul3A_197, %add3A_198 : i32
            %add3A_200 = arith.constant 2 : i32
            %add3A_201 = arith.addi %add3A_199, %add3A_200 : i32
            %mul3A_202 = arith.constant 96 : i32
            %mul3A_203 = arith.muli %add3A_201, %mul3A_202 : i32
            %dma_start3A_204 = tpu.memref_slice %arg10[%mul3A_203] : memref<2016xi32, #tpu.memory_space<vmem>> -> memref<96xi32, #tpu.memory_space<vmem>>
            %dma_start3A_205 = arith.constant 0 : i32
            %dma_start3A_206 = arith.constant 0 : i32
            %dma_start3A_207 = tpu.memref_slice %arg2[%dma_start3A_205, %dma_start3A_206] : memref<10000x128xf32, #tpu.memory_space<hbm>> -> memref<10000x128xf32, #tpu.memory_space<hbm>>
            tpu.enqueue_indirect_dma source(%dma_start3A_207 : memref<10000x128xf32, #tpu.memory_space<hbm>>) target(%arg14 : memref<96x128xf32, #tpu.memory_space<vmem>>) offsets(%dma_start3A_204 : memref<96xi32, #tpu.memory_space<vmem>>) semaphore(%arg18 : memref<!tpu.dma_semaphore, #tpu.memory_space<semaphore_mem>>)
          } else {
          }
          %eq3A_149 = arith.constant 6 : i32
          %eq3A_150 = arith.cmpi eq, %scan3A_77, %eq3A_149 : i32
          %not3A_151 = arith.constant true
          %not3A_152 = arith.xori %scan3A_51, %not3A_151 : i1
          %and3A_153 = arith.andi %eq3A_150, %not3A_152 : i1
          %convert_element_type3A_154 = arith.extui %and3A_153 : i1 to i32
          %cond3A_155 = arith.constant 0 : i32
          %cond3A_156 = arith.cmpi ne, %convert_element_type3A_154, %cond3A_155 : i32
          scf.if %cond3A_156 {
            %dma_start3A_196 = arith.constant 0 : i32
            %dma_start3A_197 = tpu.memref_slice %arg12[%dma_start3A_196] : memref<2016xi32, #tpu.memory_space<vmem>> -> memref<96xi32, #tpu.memory_space<vmem>>
            %dma_start3A_198 = arith.constant 0 : i32
            %dma_start3A_199 = arith.constant 0 : i32
            %dma_start3A_200 = tpu.memref_slice %arg2[%dma_start3A_198, %dma_start3A_199] : memref<10000x128xf32, #tpu.memory_space<hbm>> -> memref<10000x128xf32, #tpu.memory_space<hbm>>
            tpu.enqueue_indirect_dma source(%dma_start3A_200 : memref<10000x128xf32, #tpu.memory_space<hbm>>) target(%arg14 : memref<96x128xf32, #tpu.memory_space<vmem>>) offsets(%dma_start3A_197 : memref<96xi32, #tpu.memory_space<vmem>>) semaphore(%arg18 : memref<!tpu.dma_semaphore, #tpu.memory_space<semaphore_mem>>)
          } else {
          }
          %mul3A_157 = arith.constant 3 : i32
          %mul3A_158 = arith.muli %mul3A_157, %scan3A_77 : i32
          %add3A_159 = arith.constant 2 : i32
          %add3A_160 = arith.addi %mul3A_158, %add3A_159 : i32
          %mul3A_161 = arith.constant 96 : i32
          %mul3A_162 = arith.muli %add3A_160, %mul3A_161 : i32
          %dma_wait3A_163 = tpu.memref_slice %arg10[%mul3A_162] : memref<2016xi32, #tpu.memory_space<vmem>> -> memref<96xi32, #tpu.memory_space<vmem>>
          %dma_wait3A_164 = arith.constant 0 : i32
          %dma_wait3A_165 = arith.constant 0 : i32
          %dma_wait3A_166 = tpu.memref_slice %arg2[%dma_wait3A_164, %dma_wait3A_165] : memref<10000x128xf32, #tpu.memory_space<hbm>> -> memref<10000x128xf32, #tpu.memory_space<hbm>>
          tpu.wait_indirect_dma semaphore(%arg20 : memref<!tpu.dma_semaphore, #tpu.memory_space<semaphore_mem>>) src(%dma_wait3A_166 : memref<10000x128xf32, #tpu.memory_space<hbm>>) dst(%arg16 : memref<96x128xf32, #tpu.memory_space<vmem>>)
          %dma_start3A_167 = tpu.memref_slice %arg11[%mul3A_162] : memref<2016xi32, #tpu.memory_space<vmem>> -> memref<96xi32, #tpu.memory_space<vmem>>
          %dma_start3A_168 = arith.constant 0 : i32
          %dma_start3A_169 = arith.constant 0 : i32
          %dma_start3A_170 = tpu.memref_slice %arg17[%dma_start3A_168, %dma_start3A_169] : memref<10112x128xf32, #tpu.memory_space<vmem_shared>> -> memref<10112x128xf32, #tpu.memory_space<vmem_shared>>
          tpu.enqueue_indirect_dma source(%arg16 : memref<96x128xf32, #tpu.memory_space<vmem>>) target(%dma_start3A_170 : memref<10112x128xf32, #tpu.memory_space<vmem_shared>>) offsets(%dma_start3A_167 : memref<96xi32, #tpu.memory_space<vmem>>) semaphore(%arg23 : memref<!tpu.dma_semaphore, #tpu.memory_space<semaphore_mem>>) {add = true}
          %mul3A_171 = arith.constant 3 : i32
          %mul3A_172 = arith.muli %mul3A_171, %scan3A_77 : i32
          %add3A_173 = arith.constant 2 : i32
          %add3A_174 = arith.addi %mul3A_172, %add3A_173 : i32
          %sub3A_175 = arith.constant 1 : i32
          %sub3A_176 = arith.subi %add3A_174, %sub3A_175 : i32
          %mul3A_177 = arith.constant 96 : i32
          %mul3A_178 = arith.muli %sub3A_176, %mul3A_177 : i32
          %dma_wait3A_179 = tpu.memref_slice %arg11[%mul3A_178] : memref<2016xi32, #tpu.memory_space<vmem>> -> memref<96xi32, #tpu.memory_space<vmem>>
          %dma_wait3A_180 = arith.constant 0 : i32
          %dma_wait3A_181 = arith.constant 0 : i32
          %dma_wait3A_182 = tpu.memref_slice %arg17[%dma_wait3A_180, %dma_wait3A_181] : memref<10112x128xf32, #tpu.memory_space<vmem_shared>> -> memref<10112x128xf32, #tpu.memory_space<vmem_shared>>
          tpu.wait_indirect_dma semaphore(%arg22 : memref<!tpu.dma_semaphore, #tpu.memory_space<semaphore_mem>>) src(%arg15 : memref<96x128xf32, #tpu.memory_space<vmem>>) dst(%dma_wait3A_182 : memref<10112x128xf32, #tpu.memory_space<vmem_shared>>)
          %lt3A_183 = arith.constant 6 : i32
          %lt3A_184 = arith.cmpi slt, %scan3A_77, %lt3A_183 : i32
          %convert_element_type3A_185 = arith.extui %lt3A_184 : i1 to i32
          %cond3A_186 = arith.constant 0 : i32
          %cond3A_187 = arith.cmpi ne, %convert_element_type3A_185, %cond3A_186 : i32
          scf.if %cond3A_187 {
            %mul3A_196 = arith.constant 3 : i32
            %mul3A_197 = arith.muli %mul3A_196, %scan3A_77 : i32
            %add3A_198 = arith.constant 2 : i32
            %add3A_199 = arith.addi %mul3A_197, %add3A_198 : i32
            %add3A_200 = arith.constant 2 : i32
            %add3A_201 = arith.addi %add3A_199, %add3A_200 : i32
            %mul3A_202 = arith.constant 96 : i32
            %mul3A_203 = arith.muli %add3A_201, %mul3A_202 : i32
            %dma_start3A_204 = tpu.memref_slice %arg10[%mul3A_203] : memref<2016xi32, #tpu.memory_space<vmem>> -> memref<96xi32, #tpu.memory_space<vmem>>
            %dma_start3A_205 = arith.constant 0 : i32
            %dma_start3A_206 = arith.constant 0 : i32
            %dma_start3A_207 = tpu.memref_slice %arg2[%dma_start3A_205, %dma_start3A_206] : memref<10000x128xf32, #tpu.memory_space<hbm>> -> memref<10000x128xf32, #tpu.memory_space<hbm>>
            tpu.enqueue_indirect_dma source(%dma_start3A_207 : memref<10000x128xf32, #tpu.memory_space<hbm>>) target(%arg15 : memref<96x128xf32, #tpu.memory_space<vmem>>) offsets(%dma_start3A_204 : memref<96xi32, #tpu.memory_space<vmem>>) semaphore(%arg19 : memref<!tpu.dma_semaphore, #tpu.memory_space<semaphore_mem>>)
          } else {
          }
          %eq3A_188 = arith.constant 6 : i32
          %eq3A_189 = arith.cmpi eq, %scan3A_77, %eq3A_188 : i32
          %not3A_190 = arith.constant true
          %not3A_191 = arith.xori %scan3A_51, %not3A_190 : i1
          %and3A_192 = arith.andi %eq3A_189, %not3A_191 : i1
          %convert_element_type3A_193 = arith.extui %and3A_192 : i1 to i32
          %cond3A_194 = arith.constant 0 : i32
          %cond3A_195 = arith.cmpi ne, %convert_element_type3A_193, %cond3A_194 : i32
          scf.if %cond3A_195 {
            %dma_start3A_196 = arith.constant 96 : i32
            %dma_start3A_197 = tpu.memref_slice %arg12[%dma_start3A_196] : memref<2016xi32, #tpu.memory_space<vmem>> -> memref<96xi32, #tpu.memory_space<vmem>>
            %dma_start3A_198 = arith.constant 0 : i32
            %dma_start3A_199 = arith.constant 0 : i32
            %dma_start3A_200 = tpu.memref_slice %arg2[%dma_start3A_198, %dma_start3A_199] : memref<10000x128xf32, #tpu.memory_space<hbm>> -> memref<10000x128xf32, #tpu.memory_space<hbm>>
            tpu.enqueue_indirect_dma source(%dma_start3A_200 : memref<10000x128xf32, #tpu.memory_space<hbm>>) target(%arg15 : memref<96x128xf32, #tpu.memory_space<vmem>>) offsets(%dma_start3A_197 : memref<96xi32, #tpu.memory_space<vmem>>) semaphore(%arg19 : memref<!tpu.dma_semaphore, #tpu.memory_space<semaphore_mem>>)
          } else {
          }
        }
        %scan3A_57 = arith.constant 7 : i32
        %add3A_58 = arith.constant 1 : i32
        %add3A_59 = arith.addi %scan3A_35, %add3A_58 : i32
        %lt3A = arith.constant 5 : i32
        %lt3A_60 = arith.cmpi slt, %add3A_59, %lt3A : i32
        %convert_element_type3A_61 = arith.extui %lt3A_60 : i1 to i32
        %cond3A_62 = arith.constant 0 : i32
        %cond3A_63 = arith.cmpi ne, %convert_element_type3A_61, %cond3A_62 : i32
        scf.if %cond3A_63 {
          %dma_wait3A_77 = arith.constant 1920 : i32
          %dma_wait3A_78 = tpu.memref_slice %arg11[%dma_wait3A_77] : memref<2016xi32, #tpu.memory_space<vmem>> -> memref<96xi32, #tpu.memory_space<vmem>>
          %dma_wait3A_79 = arith.constant 0 : i32
          %dma_wait3A_80 = arith.constant 0 : i32
          %dma_wait3A_81 = tpu.memref_slice %arg17[%dma_wait3A_79, %dma_wait3A_80] : memref<10112x128xf32, #tpu.memory_space<vmem_shared>> -> memref<10112x128xf32, #tpu.memory_space<vmem_shared>>
          tpu.wait_indirect_dma semaphore(%arg23 : memref<!tpu.dma_semaphore, #tpu.memory_space<semaphore_mem>>) src(%arg16 : memref<96x128xf32, #tpu.memory_space<vmem>>) dst(%dma_wait3A_81 : memref<10112x128xf32, #tpu.memory_space<vmem_shared>>)
          %mul3A_82 = arith.constant 2 : i32
          %mul3A_83 = arith.muli %mul3A_82, %scan3A_35 : i32
          %add3A_84 = arith.constant 2 : i32
          %add3A_85 = arith.addi %mul3A_83, %add3A_84 : i32
          %mul3A_86 = arith.constant 2016 : i32
          %mul3A_87 = arith.muli %add3A_85, %mul3A_86 : i32
          %add3A_88 = arith.addi %mul3A_7, %mul3A_87 : i32
          %dma_start3A_89 = tpu.memref_slice %arg5[%add3A_88] : memref<322560xi32, #tpu.memory_space<hbm>> -> memref<2016xi32, #tpu.memory_space<hbm>>
          %dma_start3A_90 = tpu.memref_slice %arg5[%add3A_88] : memref<322560xi32, #tpu.memory_space<hbm>> -> memref<2016xi32, #tpu.memory_space<hbm>>
          tpu.enqueue_dma source(%dma_start3A_90 : memref<2016xi32, #tpu.memory_space<hbm>>) target(%arg10 : memref<2016xi32, #tpu.memory_space<vmem>>) target_semaphore(%arg24 : memref<!tpu.dma_semaphore, #tpu.memory_space<semaphore_mem>>)
          %dma_start3A_91 = tpu.memref_slice %arg6[%add3A_88] : memref<322560xi32, #tpu.memory_space<hbm>> -> memref<2016xi32, #tpu.memory_space<hbm>>
          %dma_start3A_92 = tpu.memref_slice %arg6[%add3A_88] : memref<322560xi32, #tpu.memory_space<hbm>> -> memref<2016xi32, #tpu.memory_space<hbm>>
          tpu.enqueue_dma source(%dma_start3A_92 : memref<2016xi32, #tpu.memory_space<hbm>>) target(%arg11 : memref<2016xi32, #tpu.memory_space<vmem>>) target_semaphore(%arg24 : memref<!tpu.dma_semaphore, #tpu.memory_space<semaphore_mem>>)
        } else {
        }
        %add3A_64 = arith.constant 1 : i32
        %add3A_65 = arith.addi %scan3A_35, %add3A_64 : i32
        %ge3A = arith.constant 5 : i32
        %ge3A_66 = arith.cmpi sge, %add3A_65, %ge3A : i32
        %add3A_67 = arith.constant 1 : i32
        %add3A_68 = arith.addi %scan3A_35, %add3A_67 : i32
        %ge3A_69 = arith.constant 5 : i32
        %ge3A_70 = arith.cmpi sge, %add3A_68, %ge3A_69 : i32
        %scan3A_71 = arith.constant 0 : i32
        %scan3A_72 = arith.constant 0 : i32
        %scan3A_73 = arith.constant 7 : i32
        %scan3A_74 = arith.addi %scan3A_72, %scan3A_73 : i32
        %scan3A_75 = arith.constant 1 : i32
        scf.for %scan3A_77 = %scan3A_72 to %scan3A_74 step %scan3A_75  : i32 {
          %eq3A_78 = arith.constant 6 : i32
          %eq3A_79 = arith.cmpi eq, %scan3A_77, %eq3A_78 : i32
          %not3A = arith.constant true
          %not3A_80 = arith.xori %ge3A_70, %not3A : i1
          %and3A = arith.andi %eq3A_79, %not3A_80 : i1
          %convert_element_type3A_81 = arith.extui %and3A : i1 to i32
          %cond3A_82 = arith.constant 0 : i32
          %cond3A_83 = arith.cmpi ne, %convert_element_type3A_81, %cond3A_82 : i32
          scf.if %cond3A_83 {
            %dma_wait3A_196 = arith.constant 0 : i32
            %dma_wait3A_197 = tpu.memref_slice %arg5[%dma_wait3A_196] : memref<322560xi32, #tpu.memory_space<hbm>> -> memref<2016xi32, #tpu.memory_space<hbm>>
            %dma_wait3A_198 = arith.constant 0 : i32
            %dma_wait3A_199 = tpu.memref_slice %arg5[%dma_wait3A_198] : memref<322560xi32, #tpu.memory_space<hbm>> -> memref<2016xi32, #tpu.memory_space<hbm>>
            tpu.wait_dma2 semaphore(%arg24 : memref<!tpu.dma_semaphore, #tpu.memory_space<semaphore_mem>>) src(%dma_wait3A_199 : memref<2016xi32, #tpu.memory_space<hbm>>) dst(%arg10 : memref<2016xi32, #tpu.memory_space<vmem>>)
            %dma_wait3A_200 = arith.constant 0 : i32
            %dma_wait3A_201 = tpu.memref_slice %arg6[%dma_wait3A_200] : memref<322560xi32, #tpu.memory_space<hbm>> -> memref<2016xi32, #tpu.memory_space<hbm>>
            %dma_wait3A_202 = arith.constant 0 : i32
            %dma_wait3A_203 = tpu.memref_slice %arg6[%dma_wait3A_202] : memref<322560xi32, #tpu.memory_space<hbm>> -> memref<2016xi32, #tpu.memory_space<hbm>>
            tpu.wait_dma2 semaphore(%arg24 : memref<!tpu.dma_semaphore, #tpu.memory_space<semaphore_mem>>) src(%dma_wait3A_203 : memref<2016xi32, #tpu.memory_space<hbm>>) dst(%arg11 : memref<2016xi32, #tpu.memory_space<vmem>>)
          } else {
          }
          %mul3A_84 = arith.constant 3 : i32
          %mul3A_85 = arith.muli %mul3A_84, %scan3A_77 : i32
          %add3A_86 = arith.constant 0 : i32
          %add3A_87 = arith.addi %mul3A_85, %add3A_86 : i32
          %mul3A_88 = arith.constant 96 : i32
          %mul3A_89 = arith.muli %add3A_87, %mul3A_88 : i32
          %dma_wait3A_90 = tpu.memref_slice %arg12[%mul3A_89] : memref<2016xi32, #tpu.memory_space<vmem>> -> memref<96xi32, #tpu.memory_space<vmem>>
          %dma_wait3A_91 = arith.constant 0 : i32
          %dma_wait3A_92 = arith.constant 0 : i32
          %dma_wait3A_93 = tpu.memref_slice %arg2[%dma_wait3A_91, %dma_wait3A_92] : memref<10000x128xf32, #tpu.memory_space<hbm>> -> memref<10000x128xf32, #tpu.memory_space<hbm>>
          tpu.wait_indirect_dma semaphore(%arg18 : memref<!tpu.dma_semaphore, #tpu.memory_space<semaphore_mem>>) src(%dma_wait3A_93 : memref<10000x128xf32, #tpu.memory_space<hbm>>) dst(%arg14 : memref<96x128xf32, #tpu.memory_space<vmem>>)
          %dma_start3A_94 = tpu.memref_slice %arg13[%mul3A_89] : memref<2016xi32, #tpu.memory_space<vmem>> -> memref<96xi32, #tpu.memory_space<vmem>>
          %dma_start3A_95 = arith.constant 0 : i32
          %dma_start3A_96 = arith.constant 0 : i32
          %dma_start3A_97 = tpu.memref_slice %arg17[%dma_start3A_95, %dma_start3A_96] : memref<10112x128xf32, #tpu.memory_space<vmem_shared>> -> memref<10112x128xf32, #tpu.memory_space<vmem_shared>>
          tpu.enqueue_indirect_dma source(%arg14 : memref<96x128xf32, #tpu.memory_space<vmem>>) target(%dma_start3A_97 : memref<10112x128xf32, #tpu.memory_space<vmem_shared>>) offsets(%dma_start3A_94 : memref<96xi32, #tpu.memory_space<vmem>>) semaphore(%arg21 : memref<!tpu.dma_semaphore, #tpu.memory_space<semaphore_mem>>) {add = true}
          %eq3A_98 = arith.constant 0 : i32
          %eq3A_99 = arith.cmpi eq, %scan3A_77, %eq3A_98 : i32
          %and3A_100 = arith.andi %eq3A_99, %ge3A_66 : i1
          %convert_element_type3A_101 = arith.extui %and3A_100 : i1 to i32
          %cond3A_102 = arith.constant 0 : i32
          %cond3A_103 = arith.cmpi ne, %convert_element_type3A_101, %cond3A_102 : i32
          scf.if %cond3A_103 {
            %dma_wait3A_196 = arith.constant 1920 : i32
            %dma_wait3A_197 = tpu.memref_slice %arg11[%dma_wait3A_196] : memref<2016xi32, #tpu.memory_space<vmem>> -> memref<96xi32, #tpu.memory_space<vmem>>
            %dma_wait3A_198 = arith.constant 0 : i32
            %dma_wait3A_199 = arith.constant 0 : i32
            %dma_wait3A_200 = tpu.memref_slice %arg17[%dma_wait3A_198, %dma_wait3A_199] : memref<10112x128xf32, #tpu.memory_space<vmem_shared>> -> memref<10112x128xf32, #tpu.memory_space<vmem_shared>>
            tpu.wait_indirect_dma semaphore(%arg23 : memref<!tpu.dma_semaphore, #tpu.memory_space<semaphore_mem>>) src(%arg16 : memref<96x128xf32, #tpu.memory_space<vmem>>) dst(%dma_wait3A_200 : memref<10112x128xf32, #tpu.memory_space<vmem_shared>>)
          } else {
          }
          %gt3A_104 = arith.constant 0 : i32
          %gt3A_105 = arith.cmpi sgt, %scan3A_77, %gt3A_104 : i32
          %convert_element_type3A_106 = arith.extui %gt3A_105 : i1 to i32
          %cond3A_107 = arith.constant 0 : i32
          %cond3A_108 = arith.cmpi ne, %convert_element_type3A_106, %cond3A_107 : i32
          scf.if %cond3A_108 {
            %mul3A_196 = arith.constant 3 : i32
            %mul3A_197 = arith.muli %mul3A_196, %scan3A_77 : i32
            %sub3A_198 = arith.constant 1 : i32
            %sub3A_199 = arith.subi %mul3A_197, %sub3A_198 : i32
            %mul3A_200 = arith.constant 96 : i32
            %mul3A_201 = arith.muli %sub3A_199, %mul3A_200 : i32
            %dma_wait3A_202 = tpu.memref_slice %arg13[%mul3A_201] : memref<2016xi32, #tpu.memory_space<vmem>> -> memref<96xi32, #tpu.memory_space<vmem>>
            %dma_wait3A_203 = arith.constant 0 : i32
            %dma_wait3A_204 = arith.constant 0 : i32
            %dma_wait3A_205 = tpu.memref_slice %arg17[%dma_wait3A_203, %dma_wait3A_204] : memref<10112x128xf32, #tpu.memory_space<vmem_shared>> -> memref<10112x128xf32, #tpu.memory_space<vmem_shared>>
            tpu.wait_indirect_dma semaphore(%arg23 : memref<!tpu.dma_semaphore, #tpu.memory_space<semaphore_mem>>) src(%arg16 : memref<96x128xf32, #tpu.memory_space<vmem>>) dst(%dma_wait3A_205 : memref<10112x128xf32, #tpu.memory_space<vmem_shared>>)
          } else {
          }
          %mul3A_109 = arith.constant 3 : i32
          %mul3A_110 = arith.muli %mul3A_109, %scan3A_77 : i32
          %add3A_111 = arith.constant 2 : i32
          %add3A_112 = arith.addi %mul3A_110, %add3A_111 : i32
          %mul3A_113 = arith.constant 96 : i32
          %mul3A_114 = arith.muli %add3A_112, %mul3A_113 : i32
          %dma_start3A_115 = tpu.memref_slice %arg12[%mul3A_114] : memref<2016xi32, #tpu.memory_space<vmem>> -> memref<96xi32, #tpu.memory_space<vmem>>
          %dma_start3A_116 = arith.constant 0 : i32
          %dma_start3A_117 = arith.constant 0 : i32
          %dma_start3A_118 = tpu.memref_slice %arg2[%dma_start3A_116, %dma_start3A_117] : memref<10000x128xf32, #tpu.memory_space<hbm>> -> memref<10000x128xf32, #tpu.memory_space<hbm>>
          tpu.enqueue_indirect_dma source(%dma_start3A_118 : memref<10000x128xf32, #tpu.memory_space<hbm>>) target(%arg16 : memref<96x128xf32, #tpu.memory_space<vmem>>) offsets(%dma_start3A_115 : memref<96xi32, #tpu.memory_space<vmem>>) semaphore(%arg20 : memref<!tpu.dma_semaphore, #tpu.memory_space<semaphore_mem>>)
          %mul3A_119 = arith.constant 3 : i32
          %mul3A_120 = arith.muli %mul3A_119, %scan3A_77 : i32
          %add3A_121 = arith.constant 1 : i32
          %add3A_122 = arith.addi %mul3A_120, %add3A_121 : i32
          %mul3A_123 = arith.constant 96 : i32
          %mul3A_124 = arith.muli %add3A_122, %mul3A_123 : i32
          %dma_wait3A_125 = tpu.memref_slice %arg12[%mul3A_124] : memref<2016xi32, #tpu.memory_space<vmem>> -> memref<96xi32, #tpu.memory_space<vmem>>
          %dma_wait3A_126 = arith.constant 0 : i32
          %dma_wait3A_127 = arith.constant 0 : i32
          %dma_wait3A_128 = tpu.memref_slice %arg2[%dma_wait3A_126, %dma_wait3A_127] : memref<10000x128xf32, #tpu.memory_space<hbm>> -> memref<10000x128xf32, #tpu.memory_space<hbm>>
          tpu.wait_indirect_dma semaphore(%arg19 : memref<!tpu.dma_semaphore, #tpu.memory_space<semaphore_mem>>) src(%dma_wait3A_128 : memref<10000x128xf32, #tpu.memory_space<hbm>>) dst(%arg15 : memref<96x128xf32, #tpu.memory_space<vmem>>)
          %dma_start3A_129 = tpu.memref_slice %arg13[%mul3A_124] : memref<2016xi32, #tpu.memory_space<vmem>> -> memref<96xi32, #tpu.memory_space<vmem>>
          %dma_start3A_130 = arith.constant 0 : i32
          %dma_start3A_131 = arith.constant 0 : i32
          %dma_start3A_132 = tpu.memref_slice %arg17[%dma_start3A_130, %dma_start3A_131] : memref<10112x128xf32, #tpu.memory_space<vmem_shared>> -> memref<10112x128xf32, #tpu.memory_space<vmem_shared>>
          tpu.enqueue_indirect_dma source(%arg15 : memref<96x128xf32, #tpu.memory_space<vmem>>) target(%dma_start3A_132 : memref<10112x128xf32, #tpu.memory_space<vmem_shared>>) offsets(%dma_start3A_129 : memref<96xi32, #tpu.memory_space<vmem>>) semaphore(%arg22 : memref<!tpu.dma_semaphore, #tpu.memory_space<semaphore_mem>>) {add = true}
          %mul3A_133 = arith.constant 3 : i32
          %mul3A_134 = arith.muli %mul3A_133, %scan3A_77 : i32
          %add3A_135 = arith.constant 1 : i32
          %add3A_136 = arith.addi %mul3A_134, %add3A_135 : i32
          %sub3A = arith.constant 1 : i32
          %sub3A_137 = arith.subi %add3A_136, %sub3A : i32
          %mul3A_138 = arith.constant 96 : i32
          %mul3A_139 = arith.muli %sub3A_137, %mul3A_138 : i32
          %dma_wait3A_140 = tpu.memref_slice %arg13[%mul3A_139] : memref<2016xi32, #tpu.memory_space<vmem>> -> memref<96xi32, #tpu.memory_space<vmem>>
          %dma_wait3A_141 = arith.constant 0 : i32
          %dma_wait3A_142 = arith.constant 0 : i32
          %dma_wait3A_143 = tpu.memref_slice %arg17[%dma_wait3A_141, %dma_wait3A_142] : memref<10112x128xf32, #tpu.memory_space<vmem_shared>> -> memref<10112x128xf32, #tpu.memory_space<vmem_shared>>
          tpu.wait_indirect_dma semaphore(%arg21 : memref<!tpu.dma_semaphore, #tpu.memory_space<semaphore_mem>>) src(%arg14 : memref<96x128xf32, #tpu.memory_space<vmem>>) dst(%dma_wait3A_143 : memref<10112x128xf32, #tpu.memory_space<vmem_shared>>)
          %lt3A_144 = arith.constant 6 : i32
          %lt3A_145 = arith.cmpi slt, %scan3A_77, %lt3A_144 : i32
          %convert_element_type3A_146 = arith.extui %lt3A_145 : i1 to i32
          %cond3A_147 = arith.constant 0 : i32
          %cond3A_148 = arith.cmpi ne, %convert_element_type3A_146, %cond3A_147 : i32
          scf.if %cond3A_148 {
            %mul3A_196 = arith.constant 3 : i32
            %mul3A_197 = arith.muli %mul3A_196, %scan3A_77 : i32
            %add3A_198 = arith.constant 1 : i32
            %add3A_199 = arith.addi %mul3A_197, %add3A_198 : i32
            %add3A_200 = arith.constant 2 : i32
            %add3A_201 = arith.addi %add3A_199, %add3A_200 : i32
            %mul3A_202 = arith.constant 96 : i32
            %mul3A_203 = arith.muli %add3A_201, %mul3A_202 : i32
            %dma_start3A_204 = tpu.memref_slice %arg12[%mul3A_203] : memref<2016xi32, #tpu.memory_space<vmem>> -> memref<96xi32, #tpu.memory_space<vmem>>
            %dma_start3A_205 = arith.constant 0 : i32
            %dma_start3A_206 = arith.constant 0 : i32
            %dma_start3A_207 = tpu.memref_slice %arg2[%dma_start3A_205, %dma_start3A_206] : memref<10000x128xf32, #tpu.memory_space<hbm>> -> memref<10000x128xf32, #tpu.memory_space<hbm>>
            tpu.enqueue_indirect_dma source(%dma_start3A_207 : memref<10000x128xf32, #tpu.memory_space<hbm>>) target(%arg14 : memref<96x128xf32, #tpu.memory_space<vmem>>) offsets(%dma_start3A_204 : memref<96xi32, #tpu.memory_space<vmem>>) semaphore(%arg18 : memref<!tpu.dma_semaphore, #tpu.memory_space<semaphore_mem>>)
          } else {
          }
          %eq3A_149 = arith.constant 6 : i32
          %eq3A_150 = arith.cmpi eq, %scan3A_77, %eq3A_149 : i32
          %not3A_151 = arith.constant true
          %not3A_152 = arith.xori %ge3A_70, %not3A_151 : i1
          %and3A_153 = arith.andi %eq3A_150, %not3A_152 : i1
          %convert_element_type3A_154 = arith.extui %and3A_153 : i1 to i32
          %cond3A_155 = arith.constant 0 : i32
          %cond3A_156 = arith.cmpi ne, %convert_element_type3A_154, %cond3A_155 : i32
          scf.if %cond3A_156 {
            %dma_start3A_196 = arith.constant 0 : i32
            %dma_start3A_197 = tpu.memref_slice %arg10[%dma_start3A_196] : memref<2016xi32, #tpu.memory_space<vmem>> -> memref<96xi32, #tpu.memory_space<vmem>>
            %dma_start3A_198 = arith.constant 0 : i32
            %dma_start3A_199 = arith.constant 0 : i32
            %dma_start3A_200 = tpu.memref_slice %arg2[%dma_start3A_198, %dma_start3A_199] : memref<10000x128xf32, #tpu.memory_space<hbm>> -> memref<10000x128xf32, #tpu.memory_space<hbm>>
            tpu.enqueue_indirect_dma source(%dma_start3A_200 : memref<10000x128xf32, #tpu.memory_space<hbm>>) target(%arg14 : memref<96x128xf32, #tpu.memory_space<vmem>>) offsets(%dma_start3A_197 : memref<96xi32, #tpu.memory_space<vmem>>) semaphore(%arg18 : memref<!tpu.dma_semaphore, #tpu.memory_space<semaphore_mem>>)
          } else {
          }
          %mul3A_157 = arith.constant 3 : i32
          %mul3A_158 = arith.muli %mul3A_157, %scan3A_77 : i32
          %add3A_159 = arith.constant 2 : i32
          %add3A_160 = arith.addi %mul3A_158, %add3A_159 : i32
          %mul3A_161 = arith.constant 96 : i32
          %mul3A_162 = arith.muli %add3A_160, %mul3A_161 : i32
          %dma_wait3A_163 = tpu.memref_slice %arg12[%mul3A_162] : memref<2016xi32, #tpu.memory_space<vmem>> -> memref<96xi32, #tpu.memory_space<vmem>>
          %dma_wait3A_164 = arith.constant 0 : i32
          %dma_wait3A_165 = arith.constant 0 : i32
          %dma_wait3A_166 = tpu.memref_slice %arg2[%dma_wait3A_164, %dma_wait3A_165] : memref<10000x128xf32, #tpu.memory_space<hbm>> -> memref<10000x128xf32, #tpu.memory_space<hbm>>
          tpu.wait_indirect_dma semaphore(%arg20 : memref<!tpu.dma_semaphore, #tpu.memory_space<semaphore_mem>>) src(%dma_wait3A_166 : memref<10000x128xf32, #tpu.memory_space<hbm>>) dst(%arg16 : memref<96x128xf32, #tpu.memory_space<vmem>>)
          %dma_start3A_167 = tpu.memref_slice %arg13[%mul3A_162] : memref<2016xi32, #tpu.memory_space<vmem>> -> memref<96xi32, #tpu.memory_space<vmem>>
          %dma_start3A_168 = arith.constant 0 : i32
          %dma_start3A_169 = arith.constant 0 : i32
          %dma_start3A_170 = tpu.memref_slice %arg17[%dma_start3A_168, %dma_start3A_169] : memref<10112x128xf32, #tpu.memory_space<vmem_shared>> -> memref<10112x128xf32, #tpu.memory_space<vmem_shared>>
          tpu.enqueue_indirect_dma source(%arg16 : memref<96x128xf32, #tpu.memory_space<vmem>>) target(%dma_start3A_170 : memref<10112x128xf32, #tpu.memory_space<vmem_shared>>) offsets(%dma_start3A_167 : memref<96xi32, #tpu.memory_space<vmem>>) semaphore(%arg23 : memref<!tpu.dma_semaphore, #tpu.memory_space<semaphore_mem>>) {add = true}
          %mul3A_171 = arith.constant 3 : i32
          %mul3A_172 = arith.muli %mul3A_171, %scan3A_77 : i32
          %add3A_173 = arith.constant 2 : i32
          %add3A_174 = arith.addi %mul3A_172, %add3A_173 : i32
          %sub3A_175 = arith.constant 1 : i32
          %sub3A_176 = arith.subi %add3A_174, %sub3A_175 : i32
          %mul3A_177 = arith.constant 96 : i32
          %mul3A_178 = arith.muli %sub3A_176, %mul3A_177 : i32
          %dma_wait3A_179 = tpu.memref_slice %arg13[%mul3A_178] : memref<2016xi32, #tpu.memory_space<vmem>> -> memref<96xi32, #tpu.memory_space<vmem>>
          %dma_wait3A_180 = arith.constant 0 : i32
          %dma_wait3A_181 = arith.constant 0 : i32
          %dma_wait3A_182 = tpu.memref_slice %arg17[%dma_wait3A_180, %dma_wait3A_181] : memref<10112x128xf32, #tpu.memory_space<vmem_shared>> -> memref<10112x128xf32, #tpu.memory_space<vmem_shared>>
          tpu.wait_indirect_dma semaphore(%arg22 : memref<!tpu.dma_semaphore, #tpu.memory_space<semaphore_mem>>) src(%arg15 : memref<96x128xf32, #tpu.memory_space<vmem>>) dst(%dma_wait3A_182 : memref<10112x128xf32, #tpu.memory_space<vmem_shared>>)
          %lt3A_183 = arith.constant 6 : i32
          %lt3A_184 = arith.cmpi slt, %scan3A_77, %lt3A_183 : i32
          %convert_element_type3A_185 = arith.extui %lt3A_184 : i1 to i32
          %cond3A_186 = arith.constant 0 : i32
          %cond3A_187 = arith.cmpi ne, %convert_element_type3A_185, %cond3A_186 : i32
          scf.if %cond3A_187 {
            %mul3A_196 = arith.constant 3 : i32
            %mul3A_197 = arith.muli %mul3A_196, %scan3A_77 : i32
            %add3A_198 = arith.constant 2 : i32
            %add3A_199 = arith.addi %mul3A_197, %add3A_198 : i32
            %add3A_200 = arith.constant 2 : i32
            %add3A_201 = arith.addi %add3A_199, %add3A_200 : i32
            %mul3A_202 = arith.constant 96 : i32
            %mul3A_203 = arith.muli %add3A_201, %mul3A_202 : i32
            %dma_start3A_204 = tpu.memref_slice %arg12[%mul3A_203] : memref<2016xi32, #tpu.memory_space<vmem>> -> memref<96xi32, #tpu.memory_space<vmem>>
            %dma_start3A_205 = arith.constant 0 : i32
            %dma_start3A_206 = arith.constant 0 : i32
            %dma_start3A_207 = tpu.memref_slice %arg2[%dma_start3A_205, %dma_start3A_206] : memref<10000x128xf32, #tpu.memory_space<hbm>> -> memref<10000x128xf32, #tpu.memory_space<hbm>>
            tpu.enqueue_indirect_dma source(%dma_start3A_207 : memref<10000x128xf32, #tpu.memory_space<hbm>>) target(%arg15 : memref<96x128xf32, #tpu.memory_space<vmem>>) offsets(%dma_start3A_204 : memref<96xi32, #tpu.memory_space<vmem>>) semaphore(%arg19 : memref<!tpu.dma_semaphore, #tpu.memory_space<semaphore_mem>>)
          } else {
          }
          %eq3A_188 = arith.constant 6 : i32
          %eq3A_189 = arith.cmpi eq, %scan3A_77, %eq3A_188 : i32
          %not3A_190 = arith.constant true
          %not3A_191 = arith.xori %ge3A_70, %not3A_190 : i1
          %and3A_192 = arith.andi %eq3A_189, %not3A_191 : i1
          %convert_element_type3A_193 = arith.extui %and3A_192 : i1 to i32
          %cond3A_194 = arith.constant 0 : i32
          %cond3A_195 = arith.cmpi ne, %convert_element_type3A_193, %cond3A_194 : i32
          scf.if %cond3A_195 {
            %dma_start3A_196 = arith.constant 96 : i32
            %dma_start3A_197 = tpu.memref_slice %arg10[%dma_start3A_196] : memref<2016xi32, #tpu.memory_space<vmem>> -> memref<96xi32, #tpu.memory_space<vmem>>
            %dma_start3A_198 = arith.constant 0 : i32
            %dma_start3A_199 = arith.constant 0 : i32
            %dma_start3A_200 = tpu.memref_slice %arg2[%dma_start3A_198, %dma_start3A_199] : memref<10000x128xf32, #tpu.memory_space<hbm>> -> memref<10000x128xf32, #tpu.memory_space<hbm>>
            tpu.enqueue_indirect_dma source(%dma_start3A_200 : memref<10000x128xf32, #tpu.memory_space<hbm>>) target(%arg15 : memref<96x128xf32, #tpu.memory_space<vmem>>) offsets(%dma_start3A_197 : memref<96xi32, #tpu.memory_space<vmem>>) semaphore(%arg19 : memref<!tpu.dma_semaphore, #tpu.memory_space<semaphore_mem>>)
          } else {
          }
        }
        %scan3A_76 = arith.constant 7 : i32
      }
      %scan3A_25 = arith.constant 5 : i32
      %dma_wait3A = arith.constant 1920 : i32
      %dma_wait3A_26 = tpu.memref_slice %arg13[%dma_wait3A] : memref<2016xi32, #tpu.memory_space<vmem>> -> memref<96xi32, #tpu.memory_space<vmem>>
      %dma_wait3A_27 = arith.constant 0 : i32
      %dma_wait3A_28 = arith.constant 0 : i32
      %dma_wait3A_29 = tpu.memref_slice %arg17[%dma_wait3A_27, %dma_wait3A_28] : memref<10112x128xf32, #tpu.memory_space<vmem_shared>> -> memref<10112x128xf32, #tpu.memory_space<vmem_shared>>
      tpu.wait_indirect_dma semaphore(%arg23 : memref<!tpu.dma_semaphore, #tpu.memory_space<semaphore_mem>>) src(%arg16 : memref<96x128xf32, #tpu.memory_space<vmem>>) dst(%dma_wait3A_29 : memref<10112x128xf32, #tpu.memory_space<vmem_shared>>)
      %barrier3A_30 = arith.constant 0 : index
      tpu.barrier barrier_id(%barrier3A_30)
      %mul3A_31 = arith.constant 632 : i32
      %mul3A_32 = arith.muli %arg1, %mul3A_31 : i32
      %mul3A_33 = arith.constant 632 : i32
      %mul3A_34 = arith.muli %arg1, %mul3A_33 : i32
      "tpu.region"() ({
        %run_scoped3A = tpu.sem_alloc : memref<!tpu.dma_semaphore, #tpu.memory_space<semaphore_mem>>
        %dma_start3A_35 = arith.constant 0 : i32
        %dma_start3A_36 = tpu.memref_slice %arg9[%mul3A_34, %dma_start3A_35] : memref<10112x128xf32, #tpu.memory_space<hbm>> -> memref<632x128xf32, #tpu.memory_space<hbm>>
        %dma_start3A_37 = arith.constant 0 : i32
        %dma_start3A_38 = tpu.memref_slice %arg17[%mul3A_32, %dma_start3A_37] : memref<10112x128xf32, #tpu.memory_space<vmem_shared>> -> memref<632x128xf32, #tpu.memory_space<vmem_shared>>
        tpu.enqueue_dma source(%dma_start3A_38 : memref<632x128xf32, #tpu.memory_space<vmem_shared>>) target(%dma_start3A_36 : memref<632x128xf32, #tpu.memory_space<hbm>>) target_semaphore(%run_scoped3A : memref<!tpu.dma_semaphore, #tpu.memory_space<semaphore_mem>>)
        %dma_wait3A_39 = arith.constant 0 : i32
        %dma_wait3A_40 = tpu.memref_slice %arg9[%mul3A_34, %dma_wait3A_39] : memref<10112x128xf32, #tpu.memory_space<hbm>> -> memref<632x128xf32, #tpu.memory_space<hbm>>
        %dma_wait3A_41 = arith.constant 0 : i32
        %dma_wait3A_42 = tpu.memref_slice %arg17[%mul3A_32, %dma_wait3A_41] : memref<10112x128xf32, #tpu.memory_space<vmem_shared>> -> memref<632x128xf32, #tpu.memory_space<vmem_shared>>
        tpu.wait_dma2 semaphore(%run_scoped3A : memref<!tpu.dma_semaphore, #tpu.memory_space<semaphore_mem>>) src(%dma_wait3A_42 : memref<632x128xf32, #tpu.memory_space<vmem_shared>>) dst(%dma_wait3A_40 : memref<632x128xf32, #tpu.memory_space<hbm>>)
        tpu.yield
      }) : () -> ()
    } else {
    }
    return
  }
}

module attributes {stable_mosaic.version = 14 : i64} {
  func.func @body(%arg0: i32, %arg1: memref<10000x128xf32, #tpu.memory_space<vmem>>, %arg2: memref<10000x128xf32, #tpu.memory_space<vmem>>, %arg3: memref<10000x128xf32, #tpu.memory_space<vmem>>, %arg4: memref<128x128xf32, #tpu.memory_space<vmem>>, %arg5: memref<1x128xf32, #tpu.memory_space<vmem>>, %arg6: memref<128x128xf32, #tpu.memory_space<vmem>>, %arg7: memref<1x128xf32, #tpu.memory_space<vmem>>, %arg8: memref<128x128xf32, #tpu.memory_space<vmem>>, %arg9: memref<1x128xf32, #tpu.memory_space<vmem>>, %arg10: memref<128x128xf32, #tpu.memory_space<vmem>>, %arg11: memref<1x128xf32, #tpu.memory_space<vmem>>, %arg12: memref<1x128xf32, #tpu.memory_space<vmem>>, %arg13: memref<1x128xf32, #tpu.memory_space<vmem>>, %arg14: memref<10000x128xf32, #tpu.memory_space<vmem>>) attributes {dimension_semantics = [#tpu.dimension_semantics<arbitrary>], iteration_bounds = array<i64: 1>, scalar_prefetch = 0 : i64, scratch_operands = 0 : i64, tpu.core_type = #tpu.core_type<tc>, window_params = [{pipeline_mode = #tpu.pipeline_mode<synchronous>, transform_indices = @transform_0, window_bounds = array<i64: 10000, 128>}, {transform_indices = @transform_1, window_bounds = array<i64: 10000, 128>}, {transform_indices = @transform_2, window_bounds = array<i64: 10000, 128>}, {pipeline_mode = #tpu.pipeline_mode<synchronous>, transform_indices = @transform_3, window_bounds = array<i64: 128, 128>}, {pipeline_mode = #tpu.pipeline_mode<synchronous>, transform_indices = @transform_4, window_bounds = array<i64: 1, 128>}, {pipeline_mode = #tpu.pipeline_mode<synchronous>, transform_indices = @transform_5, window_bounds = array<i64: 128, 128>}, {pipeline_mode = #tpu.pipeline_mode<synchronous>, transform_indices = @transform_6, window_bounds = array<i64: 1, 128>}, {pipeline_mode = #tpu.pipeline_mode<synchronous>, transform_indices = @transform_7, window_bounds = array<i64: 128, 128>}, {pipeline_mode = #tpu.pipeline_mode<synchronous>, transform_indices = @transform_8, window_bounds = array<i64: 1, 128>}, {pipeline_mode = #tpu.pipeline_mode<synchronous>, transform_indices = @transform_9, window_bounds = array<i64: 128, 128>}, {pipeline_mode = #tpu.pipeline_mode<synchronous>, transform_indices = @transform_10, window_bounds = array<i64: 1, 128>}, {pipeline_mode = #tpu.pipeline_mode<synchronous>, transform_indices = @transform_11, window_bounds = array<i64: 1, 128>}, {pipeline_mode = #tpu.pipeline_mode<synchronous>, transform_indices = @transform_12, window_bounds = array<i64: 1, 128>}, {pipeline_mode = #tpu.pipeline_mode<synchronous>, transform_indices = @transform_13, window_bounds = array<i64: 10000, 128>}]} {
    %get3A = arith.constant 0 : index
    %get3A_0 = arith.constant 0 : index
    %get3A_1 = vector.load %arg1[%get3A, %get3A_0] : memref<10000x128xf32, #tpu.memory_space<vmem>>, vector<10000x128xf32>
    %get3A_2 = arith.constant 0 : index
    %get3A_3 = arith.constant 0 : index
    %get3A_4 = vector.load %arg2[%get3A_2, %get3A_3] : memref<10000x128xf32, #tpu.memory_space<vmem>>, vector<10000x128xf32>
    %add3A = arith.addf %get3A_1, %get3A_4 : vector<10000x128xf32>
    %get3A_5 = arith.constant 0 : index
    %get3A_6 = arith.constant 0 : index
    %get3A_7 = vector.load %arg1[%get3A_5, %get3A_6] : memref<10000x128xf32, #tpu.memory_space<vmem>>, vector<10000x128xf32>
    %get3A_8 = arith.constant 0 : index
    %get3A_9 = arith.constant 0 : index
    %get3A_10 = vector.load %arg3[%get3A_8, %get3A_9] : memref<10000x128xf32, #tpu.memory_space<vmem>>, vector<10000x128xf32>
    %add3A_11 = arith.addf %get3A_7, %get3A_10 : vector<10000x128xf32>
    %get3A_12 = arith.constant 0 : index
    %get3A_13 = arith.constant 0 : index
    %get3A_14 = vector.load %arg4[%get3A_12, %get3A_13] : memref<128x128xf32, #tpu.memory_space<vmem>>, vector<128x128xf32>
    %dot_general3A = arith.constant dense<0.000000e+00> : vector<10000x128xf32>
    %dot_general3A_15 = tpu.matmul %add3A, %get3A_14, %dot_general3A {dimension_numbers = #tpu.dot_dimension_numbers<[1], [0], [0], [1], [0, 0, 1, 1], [], []>, transpose_lhs_hint = false} : vector<10000x128xf32>, vector<128x128xf32>, vector<10000x128xf32> -> vector<10000x128xf32>
    %get3A_16 = arith.constant 0 : index
    %get3A_17 = arith.constant 0 : index
    %get3A_18 = vector.load %arg5[%get3A_16, %get3A_17] : memref<1x128xf32, #tpu.memory_space<vmem>>, vector<1x128xf32>
    %add3A_19 = vector.broadcast %get3A_18 : vector<1x128xf32> to vector<10000x128xf32>
    %add3A_20 = arith.addf %dot_general3A_15, %add3A_19 : vector<10000x128xf32>
    %max3A = arith.constant 0.000000e+00 : f32
    %max3A_21 = vector.broadcast %max3A : f32 to vector<10000x128xf32>
    %max3A_22 = arith.maximumf %add3A_20, %max3A_21 : vector<10000x128xf32>
    %get3A_23 = arith.constant 0 : index
    %get3A_24 = arith.constant 0 : index
    %get3A_25 = vector.load %arg6[%get3A_23, %get3A_24] : memref<128x128xf32, #tpu.memory_space<vmem>>, vector<128x128xf32>
    %dot_general3A_26 = arith.constant dense<0.000000e+00> : vector<10000x128xf32>
    %dot_general3A_27 = tpu.matmul %max3A_22, %get3A_25, %dot_general3A_26 {dimension_numbers = #tpu.dot_dimension_numbers<[1], [0], [0], [1], [0, 0, 1, 1], [], []>, transpose_lhs_hint = false} : vector<10000x128xf32>, vector<128x128xf32>, vector<10000x128xf32> -> vector<10000x128xf32>
    %get3A_28 = arith.constant 0 : index
    %get3A_29 = arith.constant 0 : index
    %get3A_30 = vector.load %arg7[%get3A_28, %get3A_29] : memref<1x128xf32, #tpu.memory_space<vmem>>, vector<1x128xf32>
    %add3A_31 = vector.broadcast %get3A_30 : vector<1x128xf32> to vector<10000x128xf32>
    %add3A_32 = arith.addf %dot_general3A_27, %add3A_31 : vector<10000x128xf32>
    %max3A_33 = arith.constant 0.000000e+00 : f32
    %max3A_34 = vector.broadcast %max3A_33 : f32 to vector<10000x128xf32>
    %max3A_35 = arith.maximumf %add3A_32, %max3A_34 : vector<10000x128xf32>
    %get3A_36 = arith.constant 0 : index
    %get3A_37 = arith.constant 0 : index
    %get3A_38 = vector.load %arg8[%get3A_36, %get3A_37] : memref<128x128xf32, #tpu.memory_space<vmem>>, vector<128x128xf32>
    %dot_general3A_39 = arith.constant dense<0.000000e+00> : vector<10000x128xf32>
    %dot_general3A_40 = tpu.matmul %add3A_11, %get3A_38, %dot_general3A_39 {dimension_numbers = #tpu.dot_dimension_numbers<[1], [0], [0], [1], [0, 0, 1, 1], [], []>, transpose_lhs_hint = false} : vector<10000x128xf32>, vector<128x128xf32>, vector<10000x128xf32> -> vector<10000x128xf32>
    %get3A_41 = arith.constant 0 : index
    %get3A_42 = arith.constant 0 : index
    %get3A_43 = vector.load %arg9[%get3A_41, %get3A_42] : memref<1x128xf32, #tpu.memory_space<vmem>>, vector<1x128xf32>
    %add3A_44 = vector.broadcast %get3A_43 : vector<1x128xf32> to vector<10000x128xf32>
    %add3A_45 = arith.addf %dot_general3A_40, %add3A_44 : vector<10000x128xf32>
    %max3A_46 = arith.constant 0.000000e+00 : f32
    %max3A_47 = vector.broadcast %max3A_46 : f32 to vector<10000x128xf32>
    %max3A_48 = arith.maximumf %add3A_45, %max3A_47 : vector<10000x128xf32>
    %get3A_49 = arith.constant 0 : index
    %get3A_50 = arith.constant 0 : index
    %get3A_51 = vector.load %arg10[%get3A_49, %get3A_50] : memref<128x128xf32, #tpu.memory_space<vmem>>, vector<128x128xf32>
    %dot_general3A_52 = arith.constant dense<0.000000e+00> : vector<10000x128xf32>
    %dot_general3A_53 = tpu.matmul %max3A_48, %get3A_51, %dot_general3A_52 {dimension_numbers = #tpu.dot_dimension_numbers<[1], [0], [0], [1], [0, 0, 1, 1], [], []>, transpose_lhs_hint = false} : vector<10000x128xf32>, vector<128x128xf32>, vector<10000x128xf32> -> vector<10000x128xf32>
    %get3A_54 = arith.constant 0 : index
    %get3A_55 = arith.constant 0 : index
    %get3A_56 = vector.load %arg11[%get3A_54, %get3A_55] : memref<1x128xf32, #tpu.memory_space<vmem>>, vector<1x128xf32>
    %add3A_57 = vector.broadcast %get3A_56 : vector<1x128xf32> to vector<10000x128xf32>
    %add3A_58 = arith.addf %dot_general3A_53, %add3A_57 : vector<10000x128xf32>
    %max3A_59 = arith.constant 0.000000e+00 : f32
    %max3A_60 = vector.broadcast %max3A_59 : f32 to vector<10000x128xf32>
    %max3A_61 = arith.maximumf %add3A_58, %max3A_60 : vector<10000x128xf32>
    %add3A_62 = arith.addf %max3A_35, %max3A_61 : vector<10000x128xf32>
    %mul3A = arith.constant 5.000000e-01 : f32
    %mul3A_63 = vector.broadcast %mul3A : f32 to vector<10000x128xf32>
    %mul3A_64 = arith.mulf %add3A_62, %mul3A_63 : vector<10000x128xf32>
    %reduce_sum3A = arith.constant dense<0.000000e+00> : vector<128xf32>
    %reduce_sum3A_65 = vector.multi_reduction <add>, %mul3A_64, %reduce_sum3A [0] : vector<10000x128xf32> to vector<128xf32>
    %broadcast_in_dim3A = vector.shape_cast %reduce_sum3A_65 : vector<128xf32> to vector<1x128xf32>
    %div3A = arith.constant 1.000000e+04 : f32
    %div3A_66 = vector.broadcast %div3A : f32 to vector<1x128xf32>
    %div3A_67 = arith.divf %broadcast_in_dim3A, %div3A_66 : vector<1x128xf32>
    %sub3A = vector.broadcast %div3A_67 : vector<1x128xf32> to vector<10000x128xf32>
    %sub3A_68 = arith.subf %mul3A_64, %sub3A : vector<10000x128xf32>
    %integer_pow3A = arith.mulf %sub3A_68, %sub3A_68 : vector<10000x128xf32>
    %reduce_sum3A_69 = arith.constant dense<0.000000e+00> : vector<128xf32>
    %reduce_sum3A_70 = vector.multi_reduction <add>, %integer_pow3A, %reduce_sum3A_69 [0] : vector<10000x128xf32> to vector<128xf32>
    %broadcast_in_dim3A_71 = vector.shape_cast %reduce_sum3A_70 : vector<128xf32> to vector<1x128xf32>
    %div3A_72 = arith.constant 1.000000e+04 : f32
    %div3A_73 = vector.broadcast %div3A_72 : f32 to vector<1x128xf32>
    %div3A_74 = arith.divf %broadcast_in_dim3A_71, %div3A_73 : vector<1x128xf32>
    %sub3A_75 = vector.broadcast %div3A_67 : vector<1x128xf32> to vector<10000x128xf32>
    %sub3A_76 = arith.subf %mul3A_64, %sub3A_75 : vector<10000x128xf32>
    %add3A_77 = arith.constant 9.99999974E-6 : f32
    %add3A_78 = vector.broadcast %add3A_77 : f32 to vector<1x128xf32>
    %add3A_79 = arith.addf %div3A_74, %add3A_78 : vector<1x128xf32>
    %rsqrt3A = math.rsqrt %add3A_79 : vector<1x128xf32>
    %mul3A_80 = vector.broadcast %rsqrt3A : vector<1x128xf32> to vector<10000x128xf32>
    %mul3A_81 = arith.mulf %sub3A_76, %mul3A_80 : vector<10000x128xf32>
    %get3A_82 = arith.constant 0 : index
    %get3A_83 = arith.constant 0 : index
    %get3A_84 = vector.load %arg12[%get3A_82, %get3A_83] : memref<1x128xf32, #tpu.memory_space<vmem>>, vector<1x128xf32>
    %mul3A_85 = vector.broadcast %get3A_84 : vector<1x128xf32> to vector<10000x128xf32>
    %mul3A_86 = arith.mulf %mul3A_81, %mul3A_85 : vector<10000x128xf32>
    %get3A_87 = arith.constant 0 : index
    %get3A_88 = arith.constant 0 : index
    %get3A_89 = vector.load %arg13[%get3A_87, %get3A_88] : memref<1x128xf32, #tpu.memory_space<vmem>>, vector<1x128xf32>
    %add3A_90 = vector.broadcast %get3A_89 : vector<1x128xf32> to vector<10000x128xf32>
    %add3A_91 = arith.addf %mul3A_86, %add3A_90 : vector<10000x128xf32>
    %swap3A = arith.constant 0 : index
    %swap3A_92 = arith.constant 0 : index
    %swap3A_93 = vector.load %arg14[%swap3A, %swap3A_92] : memref<10000x128xf32, #tpu.memory_space<vmem>>, vector<10000x128xf32>
    tpu.vector_store %arg14[%swap3A, %swap3A_92], %add3A_91 {strides = array<i32>} : memref<10000x128xf32, #tpu.memory_space<vmem>>, vector<10000x128xf32>,
    return
  }
  func.func @transform_0(%arg0: i32) -> (i32, i32) {
    %c0_i32 = arith.constant 0 : i32
    %c0_i32_0 = arith.constant 0 : i32
    %c0_i32_1 = arith.constant 0 : i32
    return %c0_i32, %c0_i32_0 : i32, i32
  }
  func.func @transform_1(%arg0: i32) -> (i32, i32) {
    %c0_i32 = arith.constant 0 : i32
    %c0_i32_0 = arith.constant 0 : i32
    %c0_i32_1 = arith.constant 0 : i32
    return %c0_i32, %c0_i32_0 : i32, i32
  }
  func.func @transform_2(%arg0: i32) -> (i32, i32) {
    %c0_i32 = arith.constant 0 : i32
    %c0_i32_0 = arith.constant 0 : i32
    %c0_i32_1 = arith.constant 0 : i32
    return %c0_i32, %c0_i32_0 : i32, i32
  }
  func.func @transform_3(%arg0: i32) -> (i32, i32) {
    %c0_i32 = arith.constant 0 : i32
    %c0_i32_0 = arith.constant 0 : i32
    %c0_i32_1 = arith.constant 0 : i32
    return %c0_i32, %c0_i32_0 : i32, i32
  }
  func.func @transform_4(%arg0: i32) -> (i32, i32) {
    %c0_i32 = arith.constant 0 : i32
    %c0_i32_0 = arith.constant 0 : i32
    %c0_i32_1 = arith.constant 0 : i32
    return %c0_i32, %c0_i32_0 : i32, i32
  }
  func.func @transform_5(%arg0: i32) -> (i32, i32) {
    %c0_i32 = arith.constant 0 : i32
    %c0_i32_0 = arith.constant 0 : i32
    %c0_i32_1 = arith.constant 0 : i32
    return %c0_i32, %c0_i32_0 : i32, i32
  }
  func.func @transform_6(%arg0: i32) -> (i32, i32) {
    %c0_i32 = arith.constant 0 : i32
    %c0_i32_0 = arith.constant 0 : i32
    %c0_i32_1 = arith.constant 0 : i32
    return %c0_i32, %c0_i32_0 : i32, i32
  }
  func.func @transform_7(%arg0: i32) -> (i32, i32) {
    %c0_i32 = arith.constant 0 : i32
    %c0_i32_0 = arith.constant 0 : i32
    %c0_i32_1 = arith.constant 0 : i32
    return %c0_i32, %c0_i32_0 : i32, i32
  }
  func.func @transform_8(%arg0: i32) -> (i32, i32) {
    %c0_i32 = arith.constant 0 : i32
    %c0_i32_0 = arith.constant 0 : i32
    %c0_i32_1 = arith.constant 0 : i32
    return %c0_i32, %c0_i32_0 : i32, i32
  }
  func.func @transform_9(%arg0: i32) -> (i32, i32) {
    %c0_i32 = arith.constant 0 : i32
    %c0_i32_0 = arith.constant 0 : i32
    %c0_i32_1 = arith.constant 0 : i32
    return %c0_i32, %c0_i32_0 : i32, i32
  }
  func.func @transform_10(%arg0: i32) -> (i32, i32) {
    %c0_i32 = arith.constant 0 : i32
    %c0_i32_0 = arith.constant 0 : i32
    %c0_i32_1 = arith.constant 0 : i32
    return %c0_i32, %c0_i32_0 : i32, i32
  }
  func.func @transform_11(%arg0: i32) -> (i32, i32) {
    %c0_i32 = arith.constant 0 : i32
    %c0_i32_0 = arith.constant 0 : i32
    %c0_i32_1 = arith.constant 0 : i32
    return %c0_i32, %c0_i32_0 : i32, i32
  }
  func.func @transform_12(%arg0: i32) -> (i32, i32) {
    %c0_i32 = arith.constant 0 : i32
    %c0_i32_0 = arith.constant 0 : i32
    %c0_i32_1 = arith.constant 0 : i32
    return %c0_i32, %c0_i32_0 : i32, i32
  }
  func.func @transform_13(%arg0: i32) -> (i32, i32) {
    %c0_i32 = arith.constant 0 : i32
    %c0_i32_0 = arith.constant 0 : i32
    %c0_i32_1 = arith.constant 0 : i32
    return %c0_i32, %c0_i32_0 : i32, i32
  }
}

</mosaic_0001>

<sc_bundles>
// kernel: kernel.4.cloned.1.call-start
scs
__scs_entry_jumppad:
0x0: {  	(pc) =	sbr.rel $0x88, $3  }
0x1: {  	(tag) =	ssettag $0x0;
	lr =	simm.s32 $0x1  }
0x2: {  	[smem:$0x3F95] =	sst lr;
	_ =	strace $0xD0000000  }
0x3: {  	_ = 	snop  }
0x4: {  	_ = 	snop  }
0x5: {  	_ = 	snop  }
0x6: {  	_ = 	snop  }
0x7: {  	_ = 	snop  }
__scs_overlays_trampoline_lowered:
0x8: {  	[smem:$0x3FA4] =	sst s0  }
0x9: {  	[smem:$0x3FA5] =	sst s1  }
0xa: {  	[smem:$0x3FA6] =	sst s2  }
0xb: {  	[smem:$0x3FA7] =	sst s3  }
0xc: {  	[smem:$0x3FA8] =	sst s4  }
0xd: {  	[smem:$0x3FA9] =	sst s5  }
0xe: {  	[smem:$0x3FAA] =	sst s6  }
0xf: {  	[smem:$0x3FAB] =	sst s7  }
0x10: {  	[smem:$0x3FAC] =	sst s8  }
0x11: {  	[smem:$0x3FAD] =	sst s9;
	s0 =	simm.s32 @!p0 $0x0  }
0x12: {  	s1 =	sld [smem:$0x3F93];
	s0 =	simm.s32 @p0 $0x1  }
0x13: {  	[smem:$0x3FAE] =	sst s0;
	s0 =	simm.s32 @!p1 $0x0  }
0x14: {  	s2 =	sld [smem:$0x3F92];
	s0 =	simm.s32 @p1 $0x1  }
0x15: {  	[smem:$0x3FAF] =	sst s0;
	s0 =	simm.s32 @!p2 $0x0  }
0x16: {  	s3 =	sld [smem:$0x3FDB];
	s0 =	simm.s32 @p2 $0x1  }
0x17: {  	s4 =	simm.s32 $0x1BF5;
	[smem:$0x3FB1] =	sst s0  }
0x18: {  	s0 =	sld [smem:$0x3F94];
	_ =	swait.ge [sflag:s4], $0x0  }
0x19: {  	s7 =	sld [smem:$0x3F95]  }
0x1a: {  	s8 =	sadd.s32 $0xFFFFE003, lr  }
0x1b: {  	s9 =	sadd.s32 $0xFFFFFEF7, lr;
	s5 =	simm.s32 $0xFFFFFFFF;
	p2 =	slt.u32 s8, $0xFFFFF086  }
0x1c: {  	p1 =	slt.u32 s9, $0xF7A;
	s5 =	simm.s32 @!p2 $0x0  }
0x1d: {  	s5 =	simm.s32 @p1 $0x1;
	p0 =	seq.s32 s7, s2  }
0x1e: {  	s7 =	smul.u32 @!p0 $0xF7A, s2;
	p2 =	seq.s32 @!p0 s5, $0x0  }
0x1f: {  	s9 =	smul.u32 $0xF7A, s1;
	s8 =	simm.s32 @!p0 $0x1BF5;
	p2 =	por !p2, p0  }
0x20: {  	[sflag:s8] =	ssyncset.s32 @!p0 $0xFFFFF086;
	s6 =	sadd.s32 @!p0 s3, s7;
	s7 =	simm.s32 @!p0 $0x108  }
0x21: {  	s3 =	sadd.s32 s3, s9;
	s6 =	sadd.s32 @!p0 $0x88, s6;
	s7 =	simm.s32 @p2 $0x1082  }
0x22: {  	[simem:s7], [sflag:s8] =	dma.local @!p0 [hbm:s6], $0xF7A  }
0x23: {  	s9 =	sor.u32 $0xD0000000, s2;
	s6 =	simm.s32 $0x108;
	_ =	swait.ge @!p0 [sflag:s8], $0x0  }
0x24: {  	s3 =	sadd.s32 $0x88, s3;
	s6 =	simm.s32 @!p1 $0x1082;
	[sflag:s4] =	ssyncset.s32 $0xFFFFF086  }
0x25: {  	[simem:s6], [sflag:s4] =	dma.local [hbm:s3], $0xF7A  }
0x26: {  	[smem:$0x3F95] =	sst s1;
	(tag) =	ssettag s2;
	_ =	strace s9  }
0x27: {  	s1 =	sld [smem:$0x3FA5]  }
0x28: {  	s2 =	sld [smem:$0x3FA6]  }
0x29: {  	s4 =	sld [smem:$0x3FA8]  }
0x2a: {  	p0 =	seq.s32 s5, $0x0;
	s5 =	sld [smem:$0x3FA9]  }
0x2b: {  	s6 =	sld [smem:$0x3FAA]  }
0x2c: {  	s7 =	sld [smem:$0x3FAB]  }
0x2d: {  	s3 =	simm.s32 $0x108;
	s8 =	sld [smem:$0x3FAC]  }
0x2e: {  	s3 =	simm.s32 @!p0 $0x1082;
	s9 =	sld [smem:$0x3FAD]  }
0x2f: {  	lr =	sadd.s32 s0, s3;
	s0 =	sld [smem:$0x3FA4]  }
0x30: {  	s3 =	sld [smem:$0x3FA7]  }
0x31: {  	[smem:$0x3FB0] =	sst s10  }
0x32: {  	s10 =	sld [smem:$0x3FAE];
	_ =	sdelay $0x3  }
0x33: {  	p0 =	seq.s32 s10, $0x1;
	s10 =	sld [smem:$0x3FB0];
	_ =	sdelay $0x3  }
0x34: {  	[smem:$0x3FB0] =	sst s10  }
0x35: {  	s10 =	sld [smem:$0x3FAF];
	_ =	sdelay $0x3  }
0x36: {  	p1 =	seq.s32 s10, $0x1;
	s10 =	sld [smem:$0x3FB0];
	_ =	sdelay $0x3  }
0x37: {  	[smem:$0x3FB0] =	sst s10  }
0x38: {  	s10 =	sld [smem:$0x3FB1]  }
0x39: {  	_ = 	snop;
	(pc) =	sbr.ind lr, $3  }
0x3a: {  	_ = 	snop  }
0x3b: {  	_ = 	snop  }
0x3c: {  	p2 =	seq.s32 s10, $0x1;
	s10 =	sld [smem:$0x3FB0]  }
0x3d: {  	_ =	shalt  }
0x3e: {  	_ =	shalt  }
0x3f: {  	_ =	shalt  }
0x40: {  	_ =	shalt  }
0x41: {  	_ =	shalt  }
0x42: {  	_ =	shalt  }
0x43: {  	_ =	shalt  }
0x44: {  	_ =	shalt  }
0x45: {  	_ =	shalt  }
0x46: {  	_ =	shalt  }
0x47: {  	_ =	shalt  }
0x48: {  	_ =	shalt  }
0x49: {  	_ =	shalt  }
0x4a: {  	_ =	shalt  }
0x4b: {  	_ =	shalt  }
0x4c: {  	_ =	shalt  }
0x4d: {  	_ =	shalt  }
0x4e: {  	_ =	shalt  }
0x4f: {  	_ =	shalt  }
0x50: {  	_ =	shalt  }
0x51: {  	_ =	shalt  }
0x52: {  	_ =	shalt  }
0x53: {  	_ =	shalt  }
0x54: {  	_ =	shalt  }
0x55: {  	_ =	shalt  }
0x56: {  	_ =	shalt  }
0x57: {  	_ =	shalt  }
0x58: {  	_ =	shalt  }
0x59: {  	_ =	shalt  }
0x5a: {  	_ =	shalt  }
0x5b: {  	_ =	shalt  }
0x5c: {  	_ =	shalt  }
0x5d: {  	_ =	shalt  }
0x5e: {  	_ =	shalt  }
0x5f: {  	_ =	shalt  }
0x60: {  	_ =	shalt  }
0x61: {  	_ =	shalt  }
0x62: {  	_ =	shalt  }
0x63: {  	_ =	shalt  }
0x64: {  	_ =	shalt  }
0x65: {  	_ =	shalt  }
0x66: {  	_ =	shalt  }
0x67: {  	_ =	shalt  }
0x68: {  	_ =	shalt  }
0x69: {  	_ =	shalt  }
0x6a: {  	_ =	shalt  }
0x6b: {  	_ =	shalt  }
0x6c: {  	_ =	shalt  }
0x6d: {  	_ =	shalt  }
0x6e: {  	_ =	shalt  }
0x6f: {  	_ =	shalt  }
0x70: {  	_ =	shalt  }
0x71: {  	_ =	shalt  }
0x72: {  	_ =	shalt  }
0x73: {  	_ =	shalt  }
0x74: {  	_ =	shalt  }
0x75: {  	_ =	shalt  }
0x76: {  	_ =	shalt  }
0x77: {  	_ =	shalt  }
0x78: {  	_ =	shalt  }
0x79: {  	_ =	shalt  }
0x7a: {  	_ =	shalt  }
0x7b: {  	_ =	shalt  }
0x7c: {  	_ =	shalt  }
0x7d: {  	_ =	shalt  }
0x7e: {  	_ =	shalt  }
0x7f: {  	_ =	shalt  }
0x80: {  	_ =	shalt  }
0x81: {  	_ =	shalt  }
0x82: {  	_ =	shalt  }
0x83: {  	_ =	shalt  }
0x84: {  	_ =	shalt  }
0x85: {  	_ =	shalt  }
0x86: {  	_ =	shalt  }
0x87: {  	_ =	shalt  }
.Lfunc_end0:
.L_simem_size_0:
called_computation_lowered:
.L_overlay_start_0:
0x88: {  	s2 =	sld [smem:$0x3FD9]  }
0x89: {  	s3 =	sld [smem:$0x3FFE];
	_ =	sdelay $0x1  }
0x8a: {  	s1 =	srdreg.scid  }
0x8b: {  	s0 =	sand.u32 $0x1, s1  }
0x8c: {  	s17 =	sshll.u32 s0, $0xA;
	s2 =	sadd.s32 s3, s2  }
0x8d: {  	s2 =	sadd.s32 s2, s17  }
0x8e: {  	[smem:$0x3FBC] =	sst s2  }
0x8f: {  	_ = 	snop  }
0x90: {  	s2 =	sld [smem:$0x3FC9]  }
0x91: {  	s18 =	sld [smem:$0x3FD0];
	(tm) =	ssettm $0x1  }
0x92: {  	s4 =	sld [smem:$0x3FFB];
	_ =	sdelay $0x3  }
0x93: {  	_ =	strace s4  }
0x94: {  	s4 =	sld [smem:$0x3FFC];
	_ =	sdelay $0x3  }
0x95: {  	_ =	strace s4  }
0x96: {  	s4 =	sld [smem:$0x3FFD];
	_ =	sdelay $0x3  }
0x97: {  	_ =	strace s4  }
0x98: {  	_ =	strace $0x8FFFFFFF  }
0x99: {  	s19 =	sld [smem:$0x3FDB];
	_ =	sdelay $0x1  }
0x9a: {  	s5 =	simm.s32 $_scs_section_size  }
0x9b: {  	s6 =	simm.s32 $_size__tile_overlayer_lowered;
	s7 =	simm.s32 $_tile_overlayer_lowered  }
0x9c: {  	s22 =	simm.s32 $0x1BFF;
	s21 =	sshll.u32 s7, $0x1;
	s4 =	sadd.s32 s5, s19  }
0x9d: {  	s8 =	simm.s32 $0x0;
	s20 =	sshll.u32 s6, $0x1;
	s6 =	sadd.s32 s21, s4  }
0x9e: {  	[timem:s8], [sflag:s22] =	dma.local [hbm:s6], s20  }
0x9f: {  	_ =	swait.ge [sflag:s22], s20  }
0xa0: {  	s5 =	ssub.s32 $0x0, s20;
	[sflag:s22] =	ssyncset.done $0x0  }
0xa1: {  	[sflag:s22] =	ssyncadd.s32 s5;
	_ =	sdelay $0x1  }
0xa2: {  	s23 =	simm.s32 $0x1B8B  }
0xa3: {  	_ =	swait.ge [sflag:s23], $0x1  }
0xa4: {  	[sflag:s23] =	ssyncset.done $0x0  }
0xa5: {  	s25 =	simm.s32 $0x1B8E;
	s24 =	sld [smem:$0x3FFE];
	[sflag:s23] =	ssyncadd.s32 $0xFFFFFFFF  }
0xa6: {  	s26 =	simm.s32 $execute0_lowered;
	[smem:$0x3FD2] =	sst s25  }
0xa7: {  	s6 =	sshll.u32 s26, $0x1;
	_ =	strace $0x80000046;
	[dreg:$0x1] =	wrdreg $0xFFFFFFFF  }
0xa8: {  	s28 =	simm.s32 $_size_execute0_lowered;
	s4 =	sadd.s32 s4, s6;
	[dreg:$0x0] =	wrdreg $0x0  }
0xa9: {  	s6 =	sshll.u32 s28, $0x1;
	[dreg:$0x2] =	wrdreg s4  }
0xaa: {  	[dreg:$0x3] =	wrdreg s6  }
0xab: {  	[dreg:$0x4] =	wrdreg $0xC0  }
0xac: {  	_ =	task [dreg:s8], $0x5FFFF  }
0xad: {  	[dreg:$0x1] =	wrdreg $0xFFFFFFFF  }
0xae: {  	[dreg:$0x0] =	wrdreg $0x60  }
0xaf: {  	[dreg:$0x2] =	wrdreg s2  }
0xb0: {  	[dreg:$0x3] =	wrdreg s24  }
0xb1: {  	[dreg:$0x4] =	wrdreg s18  }
0xb2: {  	[dreg:$0x5] =	wrdreg $0xB0000  }
0xb3: {  	[dreg:$0x6] =	wrdreg $0x9  }
0xb4: {  	_ =	task.clear_ibuf [dreg:s8], $0x7FFFF;
	_ =	strace $0x90000046  }
0xb5: {  	s29 =	simm.s32 $0x9;
	_ =	strace $0x80000048  }
0xb6: {  	_ =	swait.ge [sflag:s29], $0x1  }
0xb7: {  	[sflag:s29] =	ssyncadd.s32 $0xFFFFFFFF  }
0xb8: {  	_ =	strace $0x90000048  }
0xb9: {  	_ =	sfence  }
0xba: {  	s30 =	sld [smem:$0x0];
	_ =	sdelay $0x2  }
0xbb: {  	s31 =	sshll.u32 s1, $0xD;
	s1 =	sshrl.u32 s1, $0x2  }
0xbc: {  	s3 =	sand.u32 $0x4000, s31;
	s1 =	sadd.s32 s1, s30  }
0xbd: {  	s0 =	sor.u32 s3, s0;
	s1 =	sshll.u32 s1, $0x11  }
0xbe: {  	s0 =	sor.u32 s1, s0  }
0xbf: {  	s0 =	sadd.s32 $0x8F2B, s0  }
0xc0: {  	[sflag:s0] =	ssyncadd.remote.s32 $0x1  }
0xc1: {  	_ =	sfence.sel $0xFFFF  }
0xc2: {  	[dreg:$0x0] =	wrdreg $0xFFFFFFFF;
	(pc) =	sbr.abs _section_cstart, $3  }
0xc3: {  	[dreg:$0x1] =	wrdreg $0xFFFFFFFF  }
0xc4: {  	_ =	task.clear_ibuf [dreg:s8], $0x2FFFF;
	_ =	strace $0x9FFFFFFF  }
0xc5: {  	(tm) =	ssettm $0x7FFFFFFF  }
tec
execute0_lowered:
.L_overlay_start_1:
0x0: {  	(tag) =	ssettag $0x1  }
0x1: {  	s1 =	rddreg [dreg:$0x0]  }
0x2: {  	s0 =	rddreg [dreg:$0x1]  }
0x3: {  	s3 =	rddreg [dreg:$0x2]  }
0x4: {  	s2 =	rddreg [dreg:$0x3]  }
0x5: {  	s4 =	simm.s32 $0x0;
	s14 =	stileid.u32;
	s5 =	srdreg.scid  }
0x6: {  	s28 =	simm.s32 $0x8000;
	s29 =	simm.s32 $0x2;
	s31 =	simm.s32 $0x4  }
0x7: {  	s30 =	simm.s32 $0x1F20;
	[smem:$0x7FF] =	sst s4;
	s7 =	smul.u32 $0x2780, s14  }
0x8: {  	s6 =	sadd.s32 $0xC200, s0;
	s5 =	sand.u32 $0x1, s5;
	s10 =	smul.u32 $0x4EC0, s14  }
0x9: {  	s8 =	sadd.s32 $0x2400, s0;
	s11 =	sadd.s32 $0x16000, s0;
	s13 =	smul.u32 $0x4F000, s14  }
0xa: {  	s25 =	smul.u32 $0x9D8, s14;
	_ =	strace $0x80000047;
	s9 =	ssub.s32 $0x2, s5  }
0xb: {  	p0 =	seq.s32 s5, $0x1;
	s12 =	sshrl.u32 s9, $0x1;
	s0 =	sadd.s32 s7, s0  }
0xc: {  	s19 =	sshrl.u32 s10, $0x3;
	s21 =	sshrl.u32 s13, $0x2;
	s14 =	sadd.s32 s25, s8  }
0xd: {  	s15 =	sadd.s32 s25, s6;
	s16 =	sadd.s32 s25, s11;
	s20 =	sadd.s32 s6, s19  }
0xe: {  	s17 =	sadd.s32 s25, s3;
	s10 =	sadd.s32 s8, s19;
	[dreg:$0x5] =	wrdreg s20  }
0xf: {  	s25 =	simm.s32 $0x1;
	s5 =	sadd.s32 s21, s2;
	[dreg:$0x6] =	wrdreg s10  }
0x10: {  	s7 =	simm.s32 $0x1E60;
	s22 =	sadd.s32 $0x1FE00, s0;
	[dreg:$0x7] =	wrdreg s5  }
0x11: {  	s18 =	ssub.s32 s9, s12;
	s23 =	sadd.s32 $0x47600, s0;
	[dreg:$0x8] =	wrdreg s22  }
0x12: {  	s24 =	sadd.s32 s3, s19;
	s9 =	sadd.s32 s11, s19;
	[dreg:$0x9] =	wrdreg s23  }
0x13: {  	s0 =	sadd.s32 $0x6EE00, s0;
	s21 =	simm.s32 $0x2000;
	[dreg:$0xa] =	wrdreg s24  }
0x14: {  	s12 =	simm.s32 $0x6;
	s19 =	simm.s32 $0x1720;
	[dreg:$0xb] =	wrdreg s9  }
.Ltmp0:
0x15: {  	s6 =	simm.s32 $0x1F80;
	[dreg:$0xc] =	wrdreg s0;
	(pc) =	sbr.rel .LBB2_1-.Ltmp0, $4  }
0x16: {  	s26 =	smax.u32 s18, $0x1;
	s20 =	simm.s32 $0x60;
	s22 =	simm.s32 $0x5000  }
0x17: {  	s23 =	simm.s32 $0x1000;
	s24 =	simm.s32 $0x1800;
	s5 =	simm.s32 $0x3  }
0x18: {  	s10 =	simm.s32 $0x5;
	s0 =	simm.s32 $0x7;
	s18 =	simm.s32 $0x1EC0  }
0x19: {  	s9 =	simm.s32 $0x0;
	[dreg:$0xd] =	wrdreg s26;
	s26 =	simm.s32 $0x1780  }
.LBB2_4:
0x1a: {  	s11 =	rddreg [dreg:$0x9]  }
0x1b: {  	s9 =	rddreg [dreg:$0xe]  }
.LBB2_5:
0x1c: {  	_ =	swait.ge [sflag:s5], $0x3000  }
0x1d: {  	[sflag:s5] =	ssyncset.done $0x0  }
0x1e: {  	[sflag:s5] =	ssyncadd.s32 $0xFFFFD000  }
0x1f: {  	[spmem:s2] =	stream.indirect.scatter.add.f32 [tilespmem:s28], [sflag:$0x6], $0x80, s6, s20, $0xb8;
	[tilespmem:$0x1EC00] =	vst v63  }
0x20: {  	_ =	swait.ge [sflag:s10], $0x3000  }
0x21: {  	[sflag:s10] =	ssyncset.done $0x0  }
0x22: {  	[sflag:s10] =	ssyncadd.s32 $0xFFFFD000  }
.LBB2_13:
0x23: {  	_ =	swait.ge [sflag:s12], $0x3000  }
0x24: {  	[sflag:s12] =	ssyncset.done $0x0  }
0x25: {  	[sflag:s12] =	ssyncadd.s32 $0xFFFFD000  }
0x26: {  	[bflag:$0x0] =	sbarrier.arrive $0xFFFF  }
0x27: {  	s3 =	rddreg [dreg:$0x7]  }
0x28: {  	s8 =	rddreg [dreg:$0xf];
	s3 =	sshrl.u32 s3, $0x3  }
0x29: {  	[hbm:s11], [sflag:s8] =	dma.local [spmem:s3], $0x2780  }
0x2a: {  	s11 =	simm.s32 $0x8  }
0x2b: {  	_ =	swait.ge [sflag:s11], $0x2780  }
0x2c: {  	s9 =	sadd.s32 $0x1, s9;
	s13 =	rddreg [dreg:$0xd]  }
0x2d: {  	p1 =	sne.s32 s9, s13  }
.Ltmp1:
0x2e: {  	_ = 	snop;
	(pc) =	sbr.rel @!p1 .LBB2_14-.Ltmp1, $3  }
0x2f: {  	_ =	sdelay $0x1  }
0x30: {  	[sflag:s11] =	ssyncset.done $0x0  }
0x31: {  	[sflag:s11] =	ssyncadd.s32 $0xFFFFD880  }
.LBB2_1:
.Ltmp2:
0x32: {  	(pc) =	sbr.rel @!p0 .LBB2_2-.Ltmp2, $2  }
0x33: {  	_ =	sdelay $0x2  }
0x34: {  	[dreg:$0xe] =	wrdreg s9;
	s11 =	simm.s32 $0x0  }
0x35: {  	s3 =	rddreg [dreg:$0xa];
	s9 =	simm.s32 $0x8  }
0x36: {  	[tilespmem:s11], [sflag:$0x8] =	stream.linear.gather [hbm4b:s3+s11], $0x7E0, $0x38;
	[tilespmem:$0x1EC00] =	vst v63  }
0x37: {  	_ =	swait.ge [sflag:s9], $0x7E0  }
0x38: {  	[sflag:s9] =	ssyncset.done $0x0  }
0x39: {  	s8 =	simm.s32 $0x800;
	s13 =	rddreg [dreg:$0xb];
	[sflag:s9] =	ssyncadd.s32 $0xFFFFF820  }
0x3a: {  	[tilespmem:s8], [sflag:$0x8] =	stream.linear.gather [hbm4b:s13+s11], $0x7E0, $0x38;
	[tilespmem:$0x1EC00] =	vst v63  }
0x3b: {  	s13 =	stileid.u32  }
0x3c: {  	_ =	swait.ge [sflag:s9], $0x7E0;
	s3 =	sshll.u32 s13, $0x6  }
0x3d: {  	[sflag:s9] =	ssyncset.done $0x0;
	s13 =	sor.u32 $0x1C08, s3;
	s8 =	rddreg [dreg:$0x7]  }
0x3e: {  	[sflag:s9] =	ssyncadd.s32 $0xFFFFF820;
	s3 =	sshrl.u32 s8, $0x3;
	s8 =	rddreg [dreg:$0x8]  }
0x3f: {  	[tilespmem:s21], [sflag:$0x1] =	stream.indirect.gather [hbm4b:s1+s20], $0x80, s11, s20, $0xb8;
	[tilespmem:$0x1EC00] =	vst v63  }
0x40: {  	[dreg:$0xf] =	wrdreg s13  }
0x41: {  	[tilespmem:s22], [sflag:$0x2] =	stream.indirect.gather [hbm4b:s1+s20], $0x80, s20, s20, $0xb8;
	[tilespmem:$0x1EC00] =	vst v63  }
0x42: {  	[spmem:s3], [sflag:s13] =	dma.local [hbm:s8], $0x2780  }
0x43: {  	_ =	swait.ge [sflag:s9], $0x2780  }
0x44: {  	[sflag:s9] =	ssyncset.done $0x0  }
0x45: {  	[sflag:s9] =	ssyncadd.s32 $0xFFFFD880  }
0x46: {  	s13 =	simm.s32 $0x16C0;
	[bflag:$0x0] =	sbarrier.arrive $0xFFFF  }
.LBB2_9:
0x47: {  	p1 =	seq.s32 s11, $0x0  }
0x48: {  	s3 =	simm.s32 @!p1 $0x6  }
0x49: {  	_ =	swait.ge @!p1 [sflag:s3], $0x3000  }
0x4a: {  	s8 =	sadd.s32 s11, s17;
	[sflag:s3] =	ssyncset.done @!p1 $0x0  }
0x4b: {  	s9 =	sadd.s32 $0xFC, s8;
	s8 =	sadd.s32 s11, s16;
	[sflag:s3] =	ssyncadd.s32 @!p1 $0xFFFFD000  }
0x4c: {  	[tilespmem:s23], [sflag:$0x7] =	stream.linear.gather [hbm4b:s9+s4], $0x7E0, $0x38;
	[tilespmem:$0x1EC00] =	vst v63  }
0x4d: {  	s3 =	sadd.s32 $0xFC, s8  }
0x4e: {  	[tilespmem:s24], [sflag:$0x7] =	stream.linear.gather [hbm4b:s3+s4], $0x7E0, $0x38;
	[tilespmem:$0x1EC00] =	vst v63  }
0x4f: {  	_ =	swait.ge [sflag:s25], $0x3000  }
0x50: {  	[sflag:s25] =	ssyncset.done $0x0  }
0x51: {  	s9 =	simm.s32 $0x800;
	[sflag:s25] =	ssyncadd.s32 $0xFFFFD000  }
0x52: {  	[spmem:s2] =	stream.indirect.scatter.add.f32 [tilespmem:s21], [sflag:$0x4], $0x80, s9, s20, $0xb8;
	[tilespmem:$0x1EC00] =	vst v63  }
0x53: {  	s8 =	simm.s32 $0xC0  }
0x54: {  	[tilespmem:s28], [sflag:$0x3] =	stream.indirect.gather [hbm4b:s1+s20], $0x80, s8, s20, $0xb8;
	[tilespmem:$0x1EC00] =	vst v63  }
0x55: {  	_ =	swait.ge [sflag:s29], $0x3000  }
0x56: {  	[sflag:s29] =	ssyncset.done $0x0  }
0x57: {  	s9 =	simm.s32 $0x860;
	[sflag:s29] =	ssyncadd.s32 $0xFFFFD000  }
0x58: {  	[spmem:s2] =	stream.indirect.scatter.add.f32 [tilespmem:s22], [sflag:$0x5], $0x80, s9, s20, $0xb8;
	[tilespmem:$0x1EC00] =	vst v63  }
0x59: {  	_ =	swait.ge [sflag:s31], $0x3000  }
0x5a: {  	[sflag:s31] =	ssyncset.done $0x0  }
0x5b: {  	s8 =	simm.s32 $0x120;
	[sflag:s31] =	ssyncadd.s32 $0xFFFFD000  }
0x5c: {  	[tilespmem:s21], [sflag:$0x1] =	stream.indirect.gather [hbm4b:s1+s20], $0x80, s8, s20, $0xb8;
	[tilespmem:$0x1EC00] =	vst v63  }
0x5d: {  	_ =	swait.ge [sflag:s5], $0x3000  }
0x5e: {  	[sflag:s5] =	ssyncset.done $0x0  }
0x5f: {  	s9 =	simm.s32 $0x8C0;
	[sflag:s5] =	ssyncadd.s32 $0xFFFFD000  }
0x60: {  	[spmem:s2] =	stream.indirect.scatter.add.f32 [tilespmem:s28], [sflag:$0x6], $0x80, s9, s20, $0xb8;
	[tilespmem:$0x1EC00] =	vst v63  }
0x61: {  	_ =	swait.ge [sflag:s10], $0x3000  }
0x62: {  	[sflag:s10] =	ssyncset.done $0x0  }
0x63: {  	s8 =	simm.s32 $0x180;
	[sflag:s10] =	ssyncadd.s32 $0xFFFFD000  }
0x64: {  	[tilespmem:s22], [sflag:$0x2] =	stream.indirect.gather [hbm4b:s1+s20], $0x80, s8, s20, $0xb8;
	[tilespmem:$0x1EC00] =	vst v63  }
0x65: {  	_ =	swait.ge [sflag:s25], $0x3000  }
0x66: {  	[sflag:s25] =	ssyncset.done $0x0  }
0x67: {  	s9 =	simm.s32 $0x920;
	[sflag:s25] =	ssyncadd.s32 $0xFFFFD000  }
0x68: {  	[spmem:s2] =	stream.indirect.scatter.add.f32 [tilespmem:s21], [sflag:$0x4], $0x80, s9, s20, $0xb8;
	[tilespmem:$0x1EC00] =	vst v63  }
0x69: {  	_ =	swait.ge [sflag:s12], $0x3000  }
0x6a: {  	[sflag:s12] =	ssyncset.done $0x0  }
0x6b: {  	s8 =	simm.s32 $0x1E0;
	[sflag:s12] =	ssyncadd.s32 $0xFFFFD000  }
0x6c: {  	[tilespmem:s28], [sflag:$0x3] =	stream.indirect.gather [hbm4b:s1+s20], $0x80, s8, s20, $0xb8;
	[tilespmem:$0x1EC00] =	vst v63  }
0x6d: {  	_ =	swait.ge [sflag:s29], $0x3000  }
0x6e: {  	[sflag:s29] =	ssyncset.done $0x0  }
0x6f: {  	s9 =	simm.s32 $0x980;
	[sflag:s29] =	ssyncadd.s32 $0xFFFFD000  }
0x70: {  	[spmem:s2] =	stream.indirect.scatter.add.f32 [tilespmem:s22], [sflag:$0x5], $0x80, s9, s20, $0xb8;
	[tilespmem:$0x1EC00] =	vst v63  }
0x71: {  	_ =	swait.ge [sflag:s31], $0x3000  }
0x72: {  	[sflag:s31] =	ssyncset.done $0x0  }
0x73: {  	s8 =	simm.s32 $0x240;
	[sflag:s31] =	ssyncadd.s32 $0xFFFFD000  }
0x74: {  	[tilespmem:s21], [sflag:$0x1] =	stream.indirect.gather [hbm4b:s1+s20], $0x80, s8, s20, $0xb8;
	[tilespmem:$0x1EC00] =	vst v63  }
0x75: {  	_ =	swait.ge [sflag:s5], $0x3000  }
0x76: {  	[sflag:s5] =	ssyncset.done $0x0  }
0x77: {  	s9 =	simm.s32 $0x9E0;
	[sflag:s5] =	ssyncadd.s32 $0xFFFFD000  }
0x78: {  	[spmem:s2] =	stream.indirect.scatter.add.f32 [tilespmem:s28], [sflag:$0x6], $0x80, s9, s20, $0xb8;
	[tilespmem:$0x1EC00] =	vst v63  }
0x79: {  	_ =	swait.ge [sflag:s10], $0x3000  }
0x7a: {  	[sflag:s10] =	ssyncset.done $0x0  }
0x7b: {  	s8 =	simm.s32 $0x2A0;
	[sflag:s10] =	ssyncadd.s32 $0xFFFFD000  }
0x7c: {  	[tilespmem:s22], [sflag:$0x2] =	stream.indirect.gather [hbm4b:s1+s20], $0x80, s8, s20, $0xb8;
	[tilespmem:$0x1EC00] =	vst v63  }
0x7d: {  	_ =	swait.ge [sflag:s25], $0x3000  }
0x7e: {  	[sflag:s25] =	ssyncset.done $0x0  }
0x7f: {  	s9 =	simm.s32 $0xA40;
	[sflag:s25] =	ssyncadd.s32 $0xFFFFD000  }
0x80: {  	[spmem:s2] =	stream.indirect.scatter.add.f32 [tilespmem:s21], [sflag:$0x4], $0x80, s9, s20, $0xb8;
	[tilespmem:$0x1EC00] =	vst v63  }
0x81: {  	_ =	swait.ge [sflag:s12], $0x3000  }
0x82: {  	[sflag:s12] =	ssyncset.done $0x0  }
0x83: {  	s8 =	simm.s32 $0x300;
	[sflag:s12] =	ssyncadd.s32 $0xFFFFD000  }
0x84: {  	[tilespmem:s28], [sflag:$0x3] =	stream.indirect.gather [hbm4b:s1+s20], $0x80, s8, s20, $0xb8;
	[tilespmem:$0x1EC00] =	vst v63  }
0x85: {  	_ =	swait.ge [sflag:s29], $0x3000  }
0x86: {  	[sflag:s29] =	ssyncset.done $0x0  }
0x87: {  	s9 =	simm.s32 $0xAA0;
	[sflag:s29] =	ssyncadd.s32 $0xFFFFD000  }
0x88: {  	[spmem:s2] =	stream.indirect.scatter.add.f32 [tilespmem:s22], [sflag:$0x5], $0x80, s9, s20, $0xb8;
	[tilespmem:$0x1EC00] =	vst v63  }
0x89: {  	_ =	swait.ge [sflag:s31], $0x3000  }
0x8a: {  	[sflag:s31] =	ssyncset.done $0x0  }
0x8b: {  	s8 =	simm.s32 $0x360;
	[sflag:s31] =	ssyncadd.s32 $0xFFFFD000  }
0x8c: {  	[tilespmem:s21], [sflag:$0x1] =	stream.indirect.gather [hbm4b:s1+s20], $0x80, s8, s20, $0xb8;
	[tilespmem:$0x1EC00] =	vst v63  }
0x8d: {  	_ =	swait.ge [sflag:s5], $0x3000  }
0x8e: {  	[sflag:s5] =	ssyncset.done $0x0  }
0x8f: {  	s9 =	simm.s32 $0xB00;
	[sflag:s5] =	ssyncadd.s32 $0xFFFFD000  }
0x90: {  	[spmem:s2] =	stream.indirect.scatter.add.f32 [tilespmem:s28], [sflag:$0x6], $0x80, s9, s20, $0xb8;
	[tilespmem:$0x1EC00] =	vst v63  }
0x91: {  	_ =	swait.ge [sflag:s10], $0x3000  }
0x92: {  	[sflag:s10] =	ssyncset.done $0x0  }
0x93: {  	s8 =	simm.s32 $0x3C0;
	[sflag:s10] =	ssyncadd.s32 $0xFFFFD000  }
0x94: {  	[tilespmem:s22], [sflag:$0x2] =	stream.indirect.gather [hbm4b:s1+s20], $0x80, s8, s20, $0xb8;
	[tilespmem:$0x1EC00] =	vst v63  }
0x95: {  	_ =	swait.ge [sflag:s25], $0x3000  }
0x96: {  	[sflag:s25] =	ssyncset.done $0x0  }
0x97: {  	s9 =	simm.s32 $0xB60;
	[sflag:s25] =	ssyncadd.s32 $0xFFFFD000  }
0x98: {  	[spmem:s2] =	stream.indirect.scatter.add.f32 [tilespmem:s21], [sflag:$0x4], $0x80, s9, s20, $0xb8;
	[tilespmem:$0x1EC00] =	vst v63  }
0x99: {  	_ =	swait.ge [sflag:s12], $0x3000  }
0x9a: {  	[sflag:s12] =	ssyncset.done $0x0  }
0x9b: {  	s8 =	simm.s32 $0x420;
	[sflag:s12] =	ssyncadd.s32 $0xFFFFD000  }
0x9c: {  	[tilespmem:s28], [sflag:$0x3] =	stream.indirect.gather [hbm4b:s1+s20], $0x80, s8, s20, $0xb8;
	[tilespmem:$0x1EC00] =	vst v63  }
0x9d: {  	_ =	swait.ge [sflag:s29], $0x3000  }
0x9e: {  	[sflag:s29] =	ssyncset.done $0x0  }
0x9f: {  	s9 =	simm.s32 $0xBC0;
	[sflag:s29] =	ssyncadd.s32 $0xFFFFD000  }
0xa0: {  	[spmem:s2] =	stream.indirect.scatter.add.f32 [tilespmem:s22], [sflag:$0x5], $0x80, s9, s20, $0xb8;
	[tilespmem:$0x1EC00] =	vst v63  }
0xa1: {  	_ =	swait.ge [sflag:s31], $0x3000  }
0xa2: {  	[sflag:s31] =	ssyncset.done $0x0  }
0xa3: {  	s8 =	simm.s32 $0x480;
	[sflag:s31] =	ssyncadd.s32 $0xFFFFD000  }
0xa4: {  	[tilespmem:s21], [sflag:$0x1] =	stream.indirect.gather [hbm4b:s1+s20], $0x80, s8, s20, $0xb8;
	[tilespmem:$0x1EC00] =	vst v63  }
0xa5: {  	_ =	swait.ge [sflag:s5], $0x3000  }
0xa6: {  	[sflag:s5] =	ssyncset.done $0x0  }
0xa7: {  	s9 =	simm.s32 $0xC20;
	[sflag:s5] =	ssyncadd.s32 $0xFFFFD000  }
0xa8: {  	[spmem:s2] =	stream.indirect.scatter.add.f32 [tilespmem:s28], [sflag:$0x6], $0x80, s9, s20, $0xb8;
	[tilespmem:$0x1EC00] =	vst v63  }
0xa9: {  	_ =	swait.ge [sflag:s10], $0x3000  }
0xaa: {  	[sflag:s10] =	ssyncset.done $0x0  }
0xab: {  	s8 =	simm.s32 $0x4E0;
	[sflag:s10] =	ssyncadd.s32 $0xFFFFD000  }
0xac: {  	[tilespmem:s22], [sflag:$0x2] =	stream.indirect.gather [hbm4b:s1+s20], $0x80, s8, s20, $0xb8;
	[tilespmem:$0x1EC00] =	vst v63  }
0xad: {  	_ =	swait.ge [sflag:s25], $0x3000  }
0xae: {  	[sflag:s25] =	ssyncset.done $0x0  }
0xaf: {  	s9 =	simm.s32 $0xC80;
	[sflag:s25] =	ssyncadd.s32 $0xFFFFD000  }
0xb0: {  	[spmem:s2] =	stream.indirect.scatter.add.f32 [tilespmem:s21], [sflag:$0x4], $0x80, s9, s20, $0xb8;
	[tilespmem:$0x1EC00] =	vst v63  }
0xb1: {  	_ =	swait.ge [sflag:s12], $0x3000  }
0xb2: {  	[sflag:s12] =	ssyncset.done $0x0  }
0xb3: {  	s8 =	simm.s32 $0x540;
	[sflag:s12] =	ssyncadd.s32 $0xFFFFD000  }
0xb4: {  	[tilespmem:s28], [sflag:$0x3] =	stream.indirect.gather [hbm4b:s1+s20], $0x80, s8, s20, $0xb8;
	[tilespmem:$0x1EC00] =	vst v63  }
0xb5: {  	_ =	swait.ge [sflag:s29], $0x3000  }
0xb6: {  	[sflag:s29] =	ssyncset.done $0x0  }
0xb7: {  	s9 =	simm.s32 $0xCE0;
	[sflag:s29] =	ssyncadd.s32 $0xFFFFD000  }
0xb8: {  	[spmem:s2] =	stream.indirect.scatter.add.f32 [tilespmem:s22], [sflag:$0x5], $0x80, s9, s20, $0xb8;
	[tilespmem:$0x1EC00] =	vst v63  }
0xb9: {  	_ =	swait.ge [sflag:s31], $0x3000  }
0xba: {  	[sflag:s31] =	ssyncset.done $0x0  }
0xbb: {  	s8 =	simm.s32 $0x5A0;
	[sflag:s31] =	ssyncadd.s32 $0xFFFFD000  }
0xbc: {  	[tilespmem:s21], [sflag:$0x1] =	stream.indirect.gather [hbm4b:s1+s20], $0x80, s8, s20, $0xb8;
	[tilespmem:$0x1EC00] =	vst v63  }
0xbd: {  	_ =	swait.ge [sflag:s5], $0x3000  }
0xbe: {  	[sflag:s5] =	ssyncset.done $0x0  }
0xbf: {  	s9 =	simm.s32 $0xD40;
	[sflag:s5] =	ssyncadd.s32 $0xFFFFD000  }
0xc0: {  	[spmem:s2] =	stream.indirect.scatter.add.f32 [tilespmem:s28], [sflag:$0x6], $0x80, s9, s20, $0xb8;
	[tilespmem:$0x1EC00] =	vst v63  }
0xc1: {  	_ =	swait.ge [sflag:s10], $0x3000  }
0xc2: {  	[sflag:s10] =	ssyncset.done $0x0  }
0xc3: {  	s8 =	simm.s32 $0x600;
	[sflag:s10] =	ssyncadd.s32 $0xFFFFD000  }
0xc4: {  	[tilespmem:s22], [sflag:$0x2] =	stream.indirect.gather [hbm4b:s1+s20], $0x80, s8, s20, $0xb8;
	[tilespmem:$0x1EC00] =	vst v63  }
0xc5: {  	_ =	swait.ge [sflag:s25], $0x3000  }
0xc6: {  	[sflag:s25] =	ssyncset.done $0x0  }
0xc7: {  	s9 =	simm.s32 $0xDA0;
	[sflag:s25] =	ssyncadd.s32 $0xFFFFD000  }
0xc8: {  	[spmem:s2] =	stream.indirect.scatter.add.f32 [tilespmem:s21], [sflag:$0x4], $0x80, s9, s20, $0xb8;
	[tilespmem:$0x1EC00] =	vst v63  }
0xc9: {  	_ =	swait.ge [sflag:s12], $0x3000  }
0xca: {  	[sflag:s12] =	ssyncset.done $0x0  }
0xcb: {  	s8 =	simm.s32 $0x660;
	[sflag:s12] =	ssyncadd.s32 $0xFFFFD000  }
0xcc: {  	[tilespmem:s28], [sflag:$0x3] =	stream.indirect.gather [hbm4b:s1+s20], $0x80, s8, s20, $0xb8;
	[tilespmem:$0x1EC00] =	vst v63  }
0xcd: {  	_ =	swait.ge [sflag:s29], $0x3000  }
0xce: {  	[sflag:s29] =	ssyncset.done $0x0  }
0xcf: {  	s9 =	simm.s32 $0xE00;
	[sflag:s29] =	ssyncadd.s32 $0xFFFFD000  }
0xd0: {  	[spmem:s2] =	stream.indirect.scatter.add.f32 [tilespmem:s22], [sflag:$0x5], $0x80, s9, s20, $0xb8;
	[tilespmem:$0x1EC00] =	vst v63  }
0xd1: {  	_ =	swait.ge [sflag:s31], $0x3000  }
0xd2: {  	[sflag:s31] =	ssyncset.done $0x0  }
0xd3: {  	s8 =	simm.s32 $0x6C0;
	[sflag:s31] =	ssyncadd.s32 $0xFFFFD000  }
0xd4: {  	[tilespmem:s21], [sflag:$0x1] =	stream.indirect.gather [hbm4b:s1+s20], $0x80, s8, s20, $0xb8;
	[tilespmem:$0x1EC00] =	vst v63  }
0xd5: {  	_ =	swait.ge [sflag:s5], $0x3000  }
0xd6: {  	[sflag:s5] =	ssyncset.done $0x0  }
0xd7: {  	s9 =	simm.s32 $0xE60;
	[sflag:s5] =	ssyncadd.s32 $0xFFFFD000  }
0xd8: {  	[spmem:s2] =	stream.indirect.scatter.add.f32 [tilespmem:s28], [sflag:$0x6], $0x80, s9, s20, $0xb8;
	[tilespmem:$0x1EC00] =	vst v63  }
0xd9: {  	_ =	swait.ge [sflag:s10], $0x3000  }
0xda: {  	[sflag:s10] =	ssyncset.done $0x0  }
0xdb: {  	s8 =	simm.s32 $0x720;
	[sflag:s10] =	ssyncadd.s32 $0xFFFFD000  }
0xdc: {  	[tilespmem:s22], [sflag:$0x2] =	stream.indirect.gather [hbm4b:s1+s20], $0x80, s8, s20, $0xb8;
	[tilespmem:$0x1EC00] =	vst v63  }
0xdd: {  	_ =	swait.ge [sflag:s0], $0x7E0  }
0xde: {  	[sflag:s0] =	ssyncset.done $0x0  }
0xdf: {  	[sflag:s0] =	ssyncadd.s32 $0xFFFFF820  }
0xe0: {  	_ =	swait.ge [sflag:s0], $0x7E0  }
0xe1: {  	[sflag:s0] =	ssyncset.done $0x0  }
0xe2: {  	[sflag:s0] =	ssyncadd.s32 $0xFFFFF820  }
0xe3: {  	_ =	swait.ge [sflag:s25], $0x3000  }
0xe4: {  	[sflag:s25] =	ssyncset.done $0x0  }
0xe5: {  	s9 =	simm.s32 $0xEC0;
	[sflag:s25] =	ssyncadd.s32 $0xFFFFD000  }
0xe6: {  	[spmem:s2] =	stream.indirect.scatter.add.f32 [tilespmem:s21], [sflag:$0x4], $0x80, s9, s20, $0xb8;
	[tilespmem:$0x1EC00] =	vst v63  }
0xe7: {  	_ =	swait.ge [sflag:s12], $0x3000  }
0xe8: {  	[sflag:s12] =	ssyncset.done $0x0  }
0xe9: {  	s8 =	simm.s32 $0x780;
	[sflag:s12] =	ssyncadd.s32 $0xFFFFD000  }
0xea: {  	[tilespmem:s28], [sflag:$0x3] =	stream.indirect.gather [hbm4b:s1+s20], $0x80, s8, s20, $0xb8;
	[tilespmem:$0x1EC00] =	vst v63  }
0xeb: {  	_ =	swait.ge [sflag:s29], $0x3000  }
0xec: {  	[sflag:s29] =	ssyncset.done $0x0  }
0xed: {  	s9 =	simm.s32 $0xF20;
	[sflag:s29] =	ssyncadd.s32 $0xFFFFD000  }
0xee: {  	[spmem:s2] =	stream.indirect.scatter.add.f32 [tilespmem:s22], [sflag:$0x5], $0x80, s9, s20, $0xb8;
	[tilespmem:$0x1EC00] =	vst v63  }
0xef: {  	_ =	swait.ge [sflag:s31], $0x3000  }
0xf0: {  	[sflag:s31] =	ssyncset.done $0x0  }
0xf1: {  	[sflag:s31] =	ssyncadd.s32 $0xFFFFD000  }
0xf2: {  	[tilespmem:s21], [sflag:$0x1] =	stream.indirect.gather [hbm4b:s1+s20], $0x80, s23, s20, $0xb8;
	[tilespmem:$0x1EC00] =	vst v63  }
0xf3: {  	_ =	swait.ge [sflag:s5], $0x3000  }
0xf4: {  	[sflag:s5] =	ssyncset.done $0x0  }
0xf5: {  	s8 =	simm.s32 $0xF80;
	[sflag:s5] =	ssyncadd.s32 $0xFFFFD000  }
0xf6: {  	[spmem:s2] =	stream.indirect.scatter.add.f32 [tilespmem:s28], [sflag:$0x6], $0x80, s8, s20, $0xb8;
	[tilespmem:$0x1EC00] =	vst v63  }
0xf7: {  	_ =	swait.ge [sflag:s10], $0x3000  }
0xf8: {  	p1 =	seq.s32 s11, $0x7E0;
	[sflag:s10] =	ssyncset.done $0x0  }
0xf9: {  	s3 =	simm.s32 @!p1 $0x6;
	s9 =	simm.s32 $0x1060;
	[sflag:s10] =	ssyncadd.s32 $0xFFFFD000  }
0xfa: {  	[tilespmem:s22], [sflag:$0x2] =	stream.indirect.gather [hbm4b:s1+s20], $0x80, s9, s20, $0xb8;
	[tilespmem:$0x1EC00] =	vst v63  }
0xfb: {  	_ =	swait.ge @!p1 [sflag:s3], $0x3000  }
0xfc: {  	s8 =	sadd.s32 @!p1 s11, s17;
	[sflag:s3] =	ssyncset.done @!p1 $0x0  }
0xfd: {  	[sflag:s3] =	ssyncadd.s32 @!p1 $0xFFFFD000;
	s3 =	sadd.s32 @!p1 $0x1F8, s8;
	s8 =	simm.s32 @!p1 $0x0  }
0xfe: {  	[tilespmem:s8], [sflag:$0x7] =	stream.linear.gather @!p1 [hbm4b:s3+s8], $0x7E0, $0x38;
	[tilespmem:$0x1EC00] =	vst v63  }
0xff: {  	s3 =	sadd.s32 @!p1 s11, s16  }
0x100: {  	s9 =	simm.s32 @!p1 $0x800;
	s3 =	sadd.s32 @!p1 $0x1F8, s3  }
0x101: {  	[tilespmem:s9], [sflag:$0x7] =	stream.linear.gather @!p1 [hbm4b:s3+s8], $0x7E0, $0x38;
	[tilespmem:$0x1EC00] =	vst v63  }
0x102: {  	_ =	swait.ge [sflag:s25], $0x3000  }
0x103: {  	p2 =	sne.s32 s11, $0x7E0;
	[sflag:s25] =	ssyncset.done $0x0  }
0x104: {  	s3 =	simm.s32 @!p2 $0x6;
	[sflag:s25] =	ssyncadd.s32 $0xFFFFD000  }
0x105: {  	[spmem:s2] =	stream.indirect.scatter.add.f32 [tilespmem:s21], [sflag:$0x4], $0x80, s24, s20, $0xb8;
	[tilespmem:$0x1EC00] =	vst v63  }
0x106: {  	_ =	swait.ge @!p2 [sflag:s3], $0x3000  }
0x107: {  	[sflag:s3] =	ssyncset.done @!p2 $0x0  }
0x108: {  	s8 =	simm.s32 $0x10C0;
	[sflag:s3] =	ssyncadd.s32 @!p2 $0xFFFFD000  }
0x109: {  	[tilespmem:s28], [sflag:$0x3] =	stream.indirect.gather [hbm4b:s1+s20], $0x80, s8, s20, $0xb8;
	[tilespmem:$0x1EC00] =	vst v63  }
0x10a: {  	_ =	swait.ge [sflag:s29], $0x3000  }
0x10b: {  	[sflag:s29] =	ssyncset.done $0x0  }
0x10c: {  	s9 =	simm.s32 $0x1860;
	[sflag:s29] =	ssyncadd.s32 $0xFFFFD000  }
0x10d: {  	[spmem:s2] =	stream.indirect.scatter.add.f32 [tilespmem:s22], [sflag:$0x5], $0x80, s9, s20, $0xb8;
	[tilespmem:$0x1EC00] =	vst v63  }
0x10e: {  	_ =	swait.ge [sflag:s31], $0x3000  }
0x10f: {  	[sflag:s31] =	ssyncset.done $0x0  }
0x110: {  	s8 =	simm.s32 $0x1120;
	[sflag:s31] =	ssyncadd.s32 $0xFFFFD000  }
0x111: {  	[tilespmem:s21], [sflag:$0x1] =	stream.indirect.gather [hbm4b:s1+s20], $0x80, s8, s20, $0xb8;
	[tilespmem:$0x1EC00] =	vst v63  }
0x112: {  	_ =	swait.ge [sflag:s5], $0x3000  }
0x113: {  	[sflag:s5] =	ssyncset.done $0x0  }
0x114: {  	s9 =	simm.s32 $0x18C0;
	[sflag:s5] =	ssyncadd.s32 $0xFFFFD000  }
0x115: {  	[spmem:s2] =	stream.indirect.scatter.add.f32 [tilespmem:s28], [sflag:$0x6], $0x80, s9, s20, $0xb8;
	[tilespmem:$0x1EC00] =	vst v63  }
0x116: {  	_ =	swait.ge [sflag:s10], $0x3000  }
0x117: {  	[sflag:s10] =	ssyncset.done $0x0  }
0x118: {  	s8 =	simm.s32 $0x1180;
	[sflag:s10] =	ssyncadd.s32 $0xFFFFD000  }
0x119: {  	[tilespmem:s22], [sflag:$0x2] =	stream.indirect.gather [hbm4b:s1+s20], $0x80, s8, s20, $0xb8;
	[tilespmem:$0x1EC00] =	vst v63  }
0x11a: {  	_ =	swait.ge [sflag:s25], $0x3000  }
0x11b: {  	[sflag:s25] =	ssyncset.done $0x0  }
0x11c: {  	s9 =	simm.s32 $0x1920;
	[sflag:s25] =	ssyncadd.s32 $0xFFFFD000  }
0x11d: {  	[spmem:s2] =	stream.indirect.scatter.add.f32 [tilespmem:s21], [sflag:$0x4], $0x80, s9, s20, $0xb8;
	[tilespmem:$0x1EC00] =	vst v63  }
0x11e: {  	_ =	swait.ge [sflag:s12], $0x3000  }
0x11f: {  	[sflag:s12] =	ssyncset.done $0x0  }
0x120: {  	s8 =	simm.s32 $0x11E0;
	[sflag:s12] =	ssyncadd.s32 $0xFFFFD000  }
0x121: {  	[tilespmem:s28], [sflag:$0x3] =	stream.indirect.gather [hbm4b:s1+s20], $0x80, s8, s20, $0xb8;
	[tilespmem:$0x1EC00] =	vst v63  }
0x122: {  	_ =	swait.ge [sflag:s29], $0x3000  }
0x123: {  	[sflag:s29] =	ssyncset.done $0x0  }
0x124: {  	s9 =	simm.s32 $0x1980;
	[sflag:s29] =	ssyncadd.s32 $0xFFFFD000  }
0x125: {  	[spmem:s2] =	stream.indirect.scatter.add.f32 [tilespmem:s22], [sflag:$0x5], $0x80, s9, s20, $0xb8;
	[tilespmem:$0x1EC00] =	vst v63  }
0x126: {  	_ =	swait.ge [sflag:s31], $0x3000  }
0x127: {  	[sflag:s31] =	ssyncset.done $0x0  }
0x128: {  	s8 =	simm.s32 $0x1240;
	[sflag:s31] =	ssyncadd.s32 $0xFFFFD000  }
0x129: {  	[tilespmem:s21], [sflag:$0x1] =	stream.indirect.gather [hbm4b:s1+s20], $0x80, s8, s20, $0xb8;
	[tilespmem:$0x1EC00] =	vst v63  }
0x12a: {  	_ =	swait.ge [sflag:s5], $0x3000  }
0x12b: {  	[sflag:s5] =	ssyncset.done $0x0  }
0x12c: {  	s9 =	simm.s32 $0x19E0;
	[sflag:s5] =	ssyncadd.s32 $0xFFFFD000  }
0x12d: {  	[spmem:s2] =	stream.indirect.scatter.add.f32 [tilespmem:s28], [sflag:$0x6], $0x80, s9, s20, $0xb8;
	[tilespmem:$0x1EC00] =	vst v63  }
0x12e: {  	_ =	swait.ge [sflag:s10], $0x3000  }
0x12f: {  	[sflag:s10] =	ssyncset.done $0x0  }
0x130: {  	s8 =	simm.s32 $0x12A0;
	[sflag:s10] =	ssyncadd.s32 $0xFFFFD000  }
0x131: {  	[tilespmem:s22], [sflag:$0x2] =	stream.indirect.gather [hbm4b:s1+s20], $0x80, s8, s20, $0xb8;
	[tilespmem:$0x1EC00] =	vst v63  }
0x132: {  	_ =	swait.ge [sflag:s25], $0x3000  }
0x133: {  	[sflag:s25] =	ssyncset.done $0x0  }
0x134: {  	s9 =	simm.s32 $0x1A40;
	[sflag:s25] =	ssyncadd.s32 $0xFFFFD000  }
0x135: {  	[spmem:s2] =	stream.indirect.scatter.add.f32 [tilespmem:s21], [sflag:$0x4], $0x80, s9, s20, $0xb8;
	[tilespmem:$0x1EC00] =	vst v63  }
0x136: {  	_ =	swait.ge [sflag:s12], $0x3000  }
0x137: {  	[sflag:s12] =	ssyncset.done $0x0  }
0x138: {  	s8 =	simm.s32 $0x1300;
	[sflag:s12] =	ssyncadd.s32 $0xFFFFD000  }
0x139: {  	[tilespmem:s28], [sflag:$0x3] =	stream.indirect.gather [hbm4b:s1+s20], $0x80, s8, s20, $0xb8;
	[tilespmem:$0x1EC00] =	vst v63  }
0x13a: {  	_ =	swait.ge [sflag:s29], $0x3000  }
0x13b: {  	[sflag:s29] =	ssyncset.done $0x0  }
0x13c: {  	s9 =	simm.s32 $0x1AA0;
	[sflag:s29] =	ssyncadd.s32 $0xFFFFD000  }
0x13d: {  	[spmem:s2] =	stream.indirect.scatter.add.f32 [tilespmem:s22], [sflag:$0x5], $0x80, s9, s20, $0xb8;
	[tilespmem:$0x1EC00] =	vst v63  }
0x13e: {  	_ =	swait.ge [sflag:s31], $0x3000  }
0x13f: {  	[sflag:s31] =	ssyncset.done $0x0  }
0x140: {  	s8 =	simm.s32 $0x1360;
	[sflag:s31] =	ssyncadd.s32 $0xFFFFD000  }
0x141: {  	[tilespmem:s21], [sflag:$0x1] =	stream.indirect.gather [hbm4b:s1+s20], $0x80, s8, s20, $0xb8;
	[tilespmem:$0x1EC00] =	vst v63  }
0x142: {  	_ =	swait.ge [sflag:s5], $0x3000  }
0x143: {  	[sflag:s5] =	ssyncset.done $0x0  }
0x144: {  	s9 =	simm.s32 $0x1B00;
	[sflag:s5] =	ssyncadd.s32 $0xFFFFD000  }
0x145: {  	[spmem:s2] =	stream.indirect.scatter.add.f32 [tilespmem:s28], [sflag:$0x6], $0x80, s9, s20, $0xb8;
	[tilespmem:$0x1EC00] =	vst v63  }
0x146: {  	_ =	swait.ge [sflag:s10], $0x3000  }
0x147: {  	[sflag:s10] =	ssyncset.done $0x0  }
0x148: {  	s8 =	simm.s32 $0x13C0;
	[sflag:s10] =	ssyncadd.s32 $0xFFFFD000  }
0x149: {  	[tilespmem:s22], [sflag:$0x2] =	stream.indirect.gather [hbm4b:s1+s20], $0x80, s8, s20, $0xb8;
	[tilespmem:$0x1EC00] =	vst v63  }
0x14a: {  	_ =	swait.ge [sflag:s25], $0x3000  }
0x14b: {  	[sflag:s25] =	ssyncset.done $0x0  }
0x14c: {  	s9 =	simm.s32 $0x1B60;
	[sflag:s25] =	ssyncadd.s32 $0xFFFFD000  }
0x14d: {  	[spmem:s2] =	stream.indirect.scatter.add.f32 [tilespmem:s21], [sflag:$0x4], $0x80, s9, s20, $0xb8;
	[tilespmem:$0x1EC00] =	vst v63  }
0x14e: {  	_ =	swait.ge [sflag:s12], $0x3000  }
0x14f: {  	[sflag:s12] =	ssyncset.done $0x0  }
0x150: {  	s8 =	simm.s32 $0x1420;
	[sflag:s12] =	ssyncadd.s32 $0xFFFFD000  }
0x151: {  	[tilespmem:s28], [sflag:$0x3] =	stream.indirect.gather [hbm4b:s1+s20], $0x80, s8, s20, $0xb8;
	[tilespmem:$0x1EC00] =	vst v63  }
0x152: {  	_ =	swait.ge [sflag:s29], $0x3000  }
0x153: {  	[sflag:s29] =	ssyncset.done $0x0  }
0x154: {  	s9 =	simm.s32 $0x1BC0;
	[sflag:s29] =	ssyncadd.s32 $0xFFFFD000  }
0x155: {  	[spmem:s2] =	stream.indirect.scatter.add.f32 [tilespmem:s22], [sflag:$0x5], $0x80, s9, s20, $0xb8;
	[tilespmem:$0x1EC00] =	vst v63  }
0x156: {  	_ =	swait.ge [sflag:s31], $0x3000  }
0x157: {  	[sflag:s31] =	ssyncset.done $0x0  }
0x158: {  	s8 =	simm.s32 $0x1480;
	[sflag:s31] =	ssyncadd.s32 $0xFFFFD000  }
0x159: {  	[tilespmem:s21], [sflag:$0x1] =	stream.indirect.gather [hbm4b:s1+s20], $0x80, s8, s20, $0xb8;
	[tilespmem:$0x1EC00] =	vst v63  }
0x15a: {  	_ =	swait.ge [sflag:s5], $0x3000  }
0x15b: {  	[sflag:s5] =	ssyncset.done $0x0  }
0x15c: {  	s9 =	simm.s32 $0x1C20;
	[sflag:s5] =	ssyncadd.s32 $0xFFFFD000  }
0x15d: {  	[spmem:s2] =	stream.indirect.scatter.add.f32 [tilespmem:s28], [sflag:$0x6], $0x80, s9, s20, $0xb8;
	[tilespmem:$0x1EC00] =	vst v63  }
0x15e: {  	_ =	swait.ge [sflag:s10], $0x3000  }
0x15f: {  	[sflag:s10] =	ssyncset.done $0x0  }
0x160: {  	s8 =	simm.s32 $0x14E0;
	[sflag:s10] =	ssyncadd.s32 $0xFFFFD000  }
0x161: {  	[tilespmem:s22], [sflag:$0x2] =	stream.indirect.gather [hbm4b:s1+s20], $0x80, s8, s20, $0xb8;
	[tilespmem:$0x1EC00] =	vst v63  }
0x162: {  	_ =	swait.ge [sflag:s25], $0x3000  }
0x163: {  	[sflag:s25] =	ssyncset.done $0x0  }
0x164: {  	s9 =	simm.s32 $0x1C80;
	[sflag:s25] =	ssyncadd.s32 $0xFFFFD000  }
0x165: {  	[spmem:s2] =	stream.indirect.scatter.add.f32 [tilespmem:s21], [sflag:$0x4], $0x80, s9, s20, $0xb8;
	[tilespmem:$0x1EC00] =	vst v63  }
0x166: {  	_ =	swait.ge [sflag:s12], $0x3000  }
0x167: {  	[sflag:s12] =	ssyncset.done $0x0  }
0x168: {  	s8 =	simm.s32 $0x1540;
	[sflag:s12] =	ssyncadd.s32 $0xFFFFD000  }
0x169: {  	[tilespmem:s28], [sflag:$0x3] =	stream.indirect.gather [hbm4b:s1+s20], $0x80, s8, s20, $0xb8;
	[tilespmem:$0x1EC00] =	vst v63  }
0x16a: {  	_ =	swait.ge [sflag:s29], $0x3000  }
0x16b: {  	[sflag:s29] =	ssyncset.done $0x0  }
0x16c: {  	s9 =	simm.s32 $0x1CE0;
	[sflag:s29] =	ssyncadd.s32 $0xFFFFD000  }
0x16d: {  	[spmem:s2] =	stream.indirect.scatter.add.f32 [tilespmem:s22], [sflag:$0x5], $0x80, s9, s20, $0xb8;
	[tilespmem:$0x1EC00] =	vst v63  }
0x16e: {  	_ =	swait.ge [sflag:s31], $0x3000  }
0x16f: {  	[sflag:s31] =	ssyncset.done $0x0  }
0x170: {  	s8 =	simm.s32 $0x15A0;
	[sflag:s31] =	ssyncadd.s32 $0xFFFFD000  }
0x171: {  	[tilespmem:s21], [sflag:$0x1] =	stream.indirect.gather [hbm4b:s1+s20], $0x80, s8, s20, $0xb8;
	[tilespmem:$0x1EC00] =	vst v63  }
0x172: {  	_ =	swait.ge [sflag:s5], $0x3000  }
0x173: {  	[sflag:s5] =	ssyncset.done $0x0  }
0x174: {  	s9 =	simm.s32 $0x1D40;
	[sflag:s5] =	ssyncadd.s32 $0xFFFFD000  }
0x175: {  	[spmem:s2] =	stream.indirect.scatter.add.f32 [tilespmem:s28], [sflag:$0x6], $0x80, s9, s20, $0xb8;
	[tilespmem:$0x1EC00] =	vst v63  }
0x176: {  	_ =	swait.ge [sflag:s10], $0x3000  }
0x177: {  	[sflag:s10] =	ssyncset.done $0x0  }
0x178: {  	s8 =	simm.s32 $0x1600;
	[sflag:s10] =	ssyncadd.s32 $0xFFFFD000  }
0x179: {  	[tilespmem:s22], [sflag:$0x2] =	stream.indirect.gather [hbm4b:s1+s20], $0x80, s8, s20, $0xb8;
	[tilespmem:$0x1EC00] =	vst v63  }
0x17a: {  	_ =	swait.ge [sflag:s25], $0x3000  }
0x17b: {  	[sflag:s25] =	ssyncset.done $0x0  }
0x17c: {  	s9 =	simm.s32 $0x1DA0;
	[sflag:s25] =	ssyncadd.s32 $0xFFFFD000  }
0x17d: {  	[spmem:s2] =	stream.indirect.scatter.add.f32 [tilespmem:s21], [sflag:$0x4], $0x80, s9, s20, $0xb8;
	[tilespmem:$0x1EC00] =	vst v63  }
0x17e: {  	_ =	swait.ge [sflag:s12], $0x3000  }
0x17f: {  	[sflag:s12] =	ssyncset.done $0x0  }
0x180: {  	s8 =	simm.s32 $0x1660;
	[sflag:s12] =	ssyncadd.s32 $0xFFFFD000  }
0x181: {  	[tilespmem:s28], [sflag:$0x3] =	stream.indirect.gather [hbm4b:s1+s20], $0x80, s8, s20, $0xb8;
	[tilespmem:$0x1EC00] =	vst v63  }
0x182: {  	_ =	swait.ge [sflag:s29], $0x3000  }
0x183: {  	[sflag:s29] =	ssyncset.done $0x0  }
0x184: {  	s9 =	simm.s32 $0x1E00;
	[sflag:s29] =	ssyncadd.s32 $0xFFFFD000  }
0x185: {  	[spmem:s2] =	stream.indirect.scatter.add.f32 [tilespmem:s22], [sflag:$0x5], $0x80, s9, s20, $0xb8;
	[tilespmem:$0x1EC00] =	vst v63  }
0x186: {  	_ =	swait.ge [sflag:s31], $0x3000  }
0x187: {  	[sflag:s31] =	ssyncset.done $0x0  }
0x188: {  	[sflag:s31] =	ssyncadd.s32 $0xFFFFD000  }
0x189: {  	[tilespmem:s21], [sflag:$0x1] =	stream.indirect.gather [hbm4b:s1+s20], $0x80, s13, s20, $0xb8;
	[tilespmem:$0x1EC00] =	vst v63  }
0x18a: {  	_ =	swait.ge [sflag:s5], $0x3000  }
0x18b: {  	[sflag:s5] =	ssyncset.done $0x0  }
0x18c: {  	[sflag:s5] =	ssyncadd.s32 $0xFFFFD000  }
0x18d: {  	[spmem:s2] =	stream.indirect.scatter.add.f32 [tilespmem:s28], [sflag:$0x6], $0x80, s7, s20, $0xb8;
	[tilespmem:$0x1EC00] =	vst v63  }
0x18e: {  	_ =	swait.ge [sflag:s10], $0x3000  }
0x18f: {  	[sflag:s10] =	ssyncset.done $0x0  }
0x190: {  	s3 =	simm.s32 @!p1 $0x7;
	[sflag:s10] =	ssyncadd.s32 $0xFFFFD000  }
0x191: {  	[tilespmem:s22], [sflag:$0x2] =	stream.indirect.gather [hbm4b:s1+s20], $0x80, s19, s20, $0xb8;
	[tilespmem:$0x1EC00] =	vst v63  }
0x192: {  	_ =	swait.ge @!p1 [sflag:s3], $0x7E0  }
0x193: {  	[sflag:s3] =	ssyncset.done @!p1 $0x0  }
0x194: {  	[sflag:s3] =	ssyncadd.s32 @!p1 $0xFFFFF820  }
0x195: {  	_ =	swait.ge @!p1 [sflag:s3], $0x7E0  }
0x196: {  	[sflag:s3] =	ssyncset.done @!p1 $0x0  }
0x197: {  	[sflag:s3] =	ssyncadd.s32 @!p1 $0xFFFFF820  }
0x198: {  	_ =	swait.ge [sflag:s25], $0x3000  }
0x199: {  	[sflag:s25] =	ssyncset.done $0x0  }
0x19a: {  	[sflag:s25] =	ssyncadd.s32 $0xFFFFD000  }
0x19b: {  	[spmem:s2] =	stream.indirect.scatter.add.f32 [tilespmem:s21], [sflag:$0x4], $0x80, s18, s20, $0xb8;
	[tilespmem:$0x1EC00] =	vst v63  }
0x19c: {  	_ =	swait.ge [sflag:s12], $0x3000  }
0x19d: {  	[sflag:s12] =	ssyncset.done $0x0  }
0x19e: {  	[sflag:s12] =	ssyncadd.s32 $0xFFFFD000  }
0x19f: {  	[tilespmem:s28], [sflag:$0x3] =	stream.indirect.gather [hbm4b:s1+s20], $0x80, s26, s20, $0xb8;
	[tilespmem:$0x1EC00] =	vst v63  }
0x1a0: {  	_ =	swait.ge [sflag:s29], $0x3000  }
0x1a1: {  	[sflag:s29] =	ssyncset.done $0x0  }
.Ltmp3:
0x1a2: {  	[sflag:s29] =	ssyncadd.s32 $0xFFFFD000;
	(pc) =	sbr.rel @p1 .LBB2_10-.Ltmp3, $4  }
0x1a3: {  	[spmem:s2] =	stream.indirect.scatter.add.f32 [tilespmem:s22], [sflag:$0x5], $0x80, s30, s20, $0xb8;
	[tilespmem:$0x1EC00] =	vst v63  }
0x1a4: {  	_ =	swait.ge [sflag:s31], $0x3000  }
0x1a5: {  	[sflag:s31] =	ssyncset.done $0x0  }
0x1a6: {  	[sflag:s31] =	ssyncadd.s32 $0xFFFFD000  }
0x1a7: {  	[tilespmem:s21], [sflag:$0x1] =	stream.indirect.gather [hbm4b:s1+s20], $0x80, s4, s20, $0xb8;
	[tilespmem:$0x1EC00] =	vst v63  }
0x1a8: {  	_ =	swait.ge [sflag:s5], $0x3000  }
0x1a9: {  	s11 =	sadd.s32 $0x1F8, s11;
	[sflag:s5] =	ssyncset.done $0x0  }
0x1aa: {  	p1 =	seq.s32 s11, $0x9D8;
	[sflag:s5] =	ssyncadd.s32 $0xFFFFD000  }
0x1ab: {  	[spmem:s2] =	stream.indirect.scatter.add.f32 [tilespmem:s28], [sflag:$0x6], $0x80, s6, s20, $0xb8;
	[tilespmem:$0x1EC00] =	vst v63  }
.Ltmp4:
0x1ac: {  	_ = 	snop;
	(pc) =	sbr.rel @!p1 .LBB2_9-.Ltmp4, $4  }
0x1ad: {  	_ =	swait.ge [sflag:s10], $0x3000  }
0x1ae: {  	[sflag:s10] =	ssyncset.done $0x0  }
0x1af: {  	[sflag:s10] =	ssyncadd.s32 $0xFFFFD000  }
0x1b0: {  	[tilespmem:s22], [sflag:$0x2] =	stream.indirect.gather [hbm4b:s1+s20], $0x80, s20, s20, $0xb8;
	[tilespmem:$0x1EC00] =	vst v63  }
.Ltmp5:
0x1b1: {  	(pc) =	sbr.rel .LBB2_13-.Ltmp5, $3  }
0x1b2: {  	_ =	sdelay $0x1  }
0x1b3: {  	s11 =	rddreg [dreg:$0xc]  }
0x1b4: {  	s9 =	rddreg [dreg:$0xe]  }
.LBB2_2:
0x1b5: {  	s3 =	rddreg [dreg:$0x5];
	s8 =	simm.s32 $0x8  }
0x1b6: {  	[tilespmem:s11], [sflag:$0x8] =	stream.linear.gather [hbm4b:s3+s11], $0x7E0, $0x38;
	[tilespmem:$0x1EC00] =	vst v63  }
0x1b7: {  	_ =	swait.ge [sflag:s8], $0x7E0  }
0x1b8: {  	[sflag:s8] =	ssyncset.done $0x0  }
0x1b9: {  	s9 =	simm.s32 $0x800;
	s13 =	rddreg [dreg:$0x6];
	[sflag:s8] =	ssyncadd.s32 $0xFFFFF820  }
0x1ba: {  	[tilespmem:s9], [sflag:$0x8] =	stream.linear.gather [hbm4b:s13+s11], $0x7E0, $0x38;
	[tilespmem:$0x1EC00] =	vst v63  }
0x1bb: {  	s13 =	stileid.u32;
	_ =	swait.ge [sflag:s8], $0x7E0  }
0x1bc: {  	s3 =	sshll.u32 s13, $0x6;
	[sflag:s8] =	ssyncset.done $0x0;
	s9 =	rddreg [dreg:$0x7]  }
0x1bd: {  	s13 =	sor.u32 $0x1C08, s3;
	s3 =	rddreg [dreg:$0x8];
	[sflag:s8] =	ssyncadd.s32 $0xFFFFF820  }
0x1be: {  	[tilespmem:s21], [sflag:$0x1] =	stream.indirect.gather [hbm4b:s1+s20], $0x80, s11, s20, $0xb8;
	[tilespmem:$0x1EC00] =	vst v63  }
0x1bf: {  	s9 =	sshrl.u32 s9, $0x3;
	[dreg:$0xf] =	wrdreg s13  }
0x1c0: {  	[tilespmem:s22], [sflag:$0x2] =	stream.indirect.gather [hbm4b:s1+s20], $0x80, s20, s20, $0xb8;
	[tilespmem:$0x1EC00] =	vst v63  }
0x1c1: {  	[spmem:s9], [sflag:s13] =	dma.local [hbm:s3], $0x2780  }
0x1c2: {  	_ =	swait.ge [sflag:s8], $0x2780  }
0x1c3: {  	[sflag:s8] =	ssyncset.done $0x0  }
0x1c4: {  	[sflag:s8] =	ssyncadd.s32 $0xFFFFD880  }
0x1c5: {  	s13 =	simm.s32 $0x16C0;
	[bflag:$0x0] =	sbarrier.arrive $0xFFFF  }
.LBB2_3:
0x1c6: {  	p1 =	seq.s32 s11, $0x0  }
0x1c7: {  	s9 =	simm.s32 @!p1 $0x6  }
0x1c8: {  	_ =	swait.ge @!p1 [sflag:s9], $0x3000  }
0x1c9: {  	s3 =	sadd.s32 s11, s15;
	[sflag:s9] =	ssyncset.done @!p1 $0x0  }
0x1ca: {  	s8 =	sadd.s32 s11, s14;
	s3 =	sadd.s32 $0xFC, s3;
	[sflag:s9] =	ssyncadd.s32 @!p1 $0xFFFFD000  }
0x1cb: {  	[tilespmem:s23], [sflag:$0x7] =	stream.linear.gather [hbm4b:s3+s4], $0x7E0, $0x38;
	[tilespmem:$0x1EC00] =	vst v63  }
0x1cc: {  	s3 =	sadd.s32 $0xFC, s8  }
0x1cd: {  	[tilespmem:s24], [sflag:$0x7] =	stream.linear.gather [hbm4b:s3+s4], $0x7E0, $0x38;
	[tilespmem:$0x1EC00] =	vst v63  }
0x1ce: {  	_ =	swait.ge [sflag:s25], $0x3000  }
0x1cf: {  	[sflag:s25] =	ssyncset.done $0x0  }
0x1d0: {  	s9 =	simm.s32 $0x800;
	[sflag:s25] =	ssyncadd.s32 $0xFFFFD000  }
0x1d1: {  	[spmem:s2] =	stream.indirect.scatter.add.f32 [tilespmem:s21], [sflag:$0x4], $0x80, s9, s20, $0xb8;
	[tilespmem:$0x1EC00] =	vst v63  }
0x1d2: {  	s8 =	simm.s32 $0xC0  }
0x1d3: {  	[tilespmem:s28], [sflag:$0x3] =	stream.indirect.gather [hbm4b:s1+s20], $0x80, s8, s20, $0xb8;
	[tilespmem:$0x1EC00] =	vst v63  }
0x1d4: {  	_ =	swait.ge [sflag:s29], $0x3000  }
0x1d5: {  	[sflag:s29] =	ssyncset.done $0x0  }
0x1d6: {  	s9 =	simm.s32 $0x860;
	[sflag:s29] =	ssyncadd.s32 $0xFFFFD000  }
0x1d7: {  	[spmem:s2] =	stream.indirect.scatter.add.f32 [tilespmem:s22], [sflag:$0x5], $0x80, s9, s20, $0xb8;
	[tilespmem:$0x1EC00] =	vst v63  }
0x1d8: {  	_ =	swait.ge [sflag:s31], $0x3000  }
0x1d9: {  	[sflag:s31] =	ssyncset.done $0x0  }
0x1da: {  	s8 =	simm.s32 $0x120;
	[sflag:s31] =	ssyncadd.s32 $0xFFFFD000  }
0x1db: {  	[tilespmem:s21], [sflag:$0x1] =	stream.indirect.gather [hbm4b:s1+s20], $0x80, s8, s20, $0xb8;
	[tilespmem:$0x1EC00] =	vst v63  }
0x1dc: {  	_ =	swait.ge [sflag:s5], $0x3000  }
0x1dd: {  	[sflag:s5] =	ssyncset.done $0x0  }
0x1de: {  	s9 =	simm.s32 $0x8C0;
	[sflag:s5] =	ssyncadd.s32 $0xFFFFD000  }
0x1df: {  	[spmem:s2] =	stream.indirect.scatter.add.f32 [tilespmem:s28], [sflag:$0x6], $0x80, s9, s20, $0xb8;
	[tilespmem:$0x1EC00] =	vst v63  }
0x1e0: {  	_ =	swait.ge [sflag:s10], $0x3000  }
0x1e1: {  	[sflag:s10] =	ssyncset.done $0x0  }
0x1e2: {  	s8 =	simm.s32 $0x180;
	[sflag:s10] =	ssyncadd.s32 $0xFFFFD000  }
0x1e3: {  	[tilespmem:s22], [sflag:$0x2] =	stream.indirect.gather [hbm4b:s1+s20], $0x80, s8, s20, $0xb8;
	[tilespmem:$0x1EC00] =	vst v63  }
0x1e4: {  	_ =	swait.ge [sflag:s25], $0x3000  }
0x1e5: {  	[sflag:s25] =	ssyncset.done $0x0  }
0x1e6: {  	s9 =	simm.s32 $0x920;
	[sflag:s25] =	ssyncadd.s32 $0xFFFFD000  }
0x1e7: {  	[spmem:s2] =	stream.indirect.scatter.add.f32 [tilespmem:s21], [sflag:$0x4], $0x80, s9, s20, $0xb8;
	[tilespmem:$0x1EC00] =	vst v63  }
0x1e8: {  	_ =	swait.ge [sflag:s12], $0x3000  }
0x1e9: {  	[sflag:s12] =	ssyncset.done $0x0  }
0x1ea: {  	s8 =	simm.s32 $0x1E0;
	[sflag:s12] =	ssyncadd.s32 $0xFFFFD000  }
0x1eb: {  	[tilespmem:s28], [sflag:$0x3] =	stream.indirect.gather [hbm4b:s1+s20], $0x80, s8, s20, $0xb8;
	[tilespmem:$0x1EC00] =	vst v63  }
0x1ec: {  	_ =	swait.ge [sflag:s29], $0x3000  }
0x1ed: {  	[sflag:s29] =	ssyncset.done $0x0  }
0x1ee: {  	s9 =	simm.s32 $0x980;
	[sflag:s29] =	ssyncadd.s32 $0xFFFFD000  }
0x1ef: {  	[spmem:s2] =	stream.indirect.scatter.add.f32 [tilespmem:s22], [sflag:$0x5], $0x80, s9, s20, $0xb8;
	[tilespmem:$0x1EC00] =	vst v63  }
0x1f0: {  	_ =	swait.ge [sflag:s31], $0x3000  }
0x1f1: {  	[sflag:s31] =	ssyncset.done $0x0  }
0x1f2: {  	s8 =	simm.s32 $0x240;
	[sflag:s31] =	ssyncadd.s32 $0xFFFFD000  }
0x1f3: {  	[tilespmem:s21], [sflag:$0x1] =	stream.indirect.gather [hbm4b:s1+s20], $0x80, s8, s20, $0xb8;
	[tilespmem:$0x1EC00] =	vst v63  }
0x1f4: {  	_ =	swait.ge [sflag:s5], $0x3000  }
0x1f5: {  	[sflag:s5] =	ssyncset.done $0x0  }
0x1f6: {  	s9 =	simm.s32 $0x9E0;
	[sflag:s5] =	ssyncadd.s32 $0xFFFFD000  }
0x1f7: {  	[spmem:s2] =	stream.indirect.scatter.add.f32 [tilespmem:s28], [sflag:$0x6], $0x80, s9, s20, $0xb8;
	[tilespmem:$0x1EC00] =	vst v63  }
0x1f8: {  	_ =	swait.ge [sflag:s10], $0x3000  }
0x1f9: {  	[sflag:s10] =	ssyncset.done $0x0  }
0x1fa: {  	s8 =	simm.s32 $0x2A0;
	[sflag:s10] =	ssyncadd.s32 $0xFFFFD000  }
0x1fb: {  	[tilespmem:s22], [sflag:$0x2] =	stream.indirect.gather [hbm4b:s1+s20], $0x80, s8, s20, $0xb8;
	[tilespmem:$0x1EC00] =	vst v63  }
0x1fc: {  	_ =	swait.ge [sflag:s25], $0x3000  }
0x1fd: {  	[sflag:s25] =	ssyncset.done $0x0  }
0x1fe: {  	s9 =	simm.s32 $0xA40;
	[sflag:s25] =	ssyncadd.s32 $0xFFFFD000  }
0x1ff: {  	[spmem:s2] =	stream.indirect.scatter.add.f32 [tilespmem:s21], [sflag:$0x4], $0x80, s9, s20, $0xb8;
	[tilespmem:$0x1EC00] =	vst v63  }
0x200: {  	_ =	swait.ge [sflag:s12], $0x3000  }
0x201: {  	[sflag:s12] =	ssyncset.done $0x0  }
0x202: {  	s8 =	simm.s32 $0x300;
	[sflag:s12] =	ssyncadd.s32 $0xFFFFD000  }
0x203: {  	[tilespmem:s28], [sflag:$0x3] =	stream.indirect.gather [hbm4b:s1+s20], $0x80, s8, s20, $0xb8;
	[tilespmem:$0x1EC00] =	vst v63  }
0x204: {  	_ =	swait.ge [sflag:s29], $0x3000  }
0x205: {  	[sflag:s29] =	ssyncset.done $0x0  }
0x206: {  	s9 =	simm.s32 $0xAA0;
	[sflag:s29] =	ssyncadd.s32 $0xFFFFD000  }
0x207: {  	[spmem:s2] =	stream.indirect.scatter.add.f32 [tilespmem:s22], [sflag:$0x5], $0x80, s9, s20, $0xb8;
	[tilespmem:$0x1EC00] =	vst v63  }
0x208: {  	_ =	swait.ge [sflag:s31], $0x3000  }
0x209: {  	[sflag:s31] =	ssyncset.done $0x0  }
0x20a: {  	s8 =	simm.s32 $0x360;
	[sflag:s31] =	ssyncadd.s32 $0xFFFFD000  }
0x20b: {  	[tilespmem:s21], [sflag:$0x1] =	stream.indirect.gather [hbm4b:s1+s20], $0x80, s8, s20, $0xb8;
	[tilespmem:$0x1EC00] =	vst v63  }
0x20c: {  	_ =	swait.ge [sflag:s5], $0x3000  }
0x20d: {  	[sflag:s5] =	ssyncset.done $0x0  }
0x20e: {  	s9 =	simm.s32 $0xB00;
	[sflag:s5] =	ssyncadd.s32 $0xFFFFD000  }
0x20f: {  	[spmem:s2] =	stream.indirect.scatter.add.f32 [tilespmem:s28], [sflag:$0x6], $0x80, s9, s20, $0xb8;
	[tilespmem:$0x1EC00] =	vst v63  }
0x210: {  	_ =	swait.ge [sflag:s10], $0x3000  }
0x211: {  	[sflag:s10] =	ssyncset.done $0x0  }
0x212: {  	s8 =	simm.s32 $0x3C0;
	[sflag:s10] =	ssyncadd.s32 $0xFFFFD000  }
0x213: {  	[tilespmem:s22], [sflag:$0x2] =	stream.indirect.gather [hbm4b:s1+s20], $0x80, s8, s20, $0xb8;
	[tilespmem:$0x1EC00] =	vst v63  }
0x214: {  	_ =	swait.ge [sflag:s25], $0x3000  }
0x215: {  	[sflag:s25] =	ssyncset.done $0x0  }
0x216: {  	s9 =	simm.s32 $0xB60;
	[sflag:s25] =	ssyncadd.s32 $0xFFFFD000  }
0x217: {  	[spmem:s2] =	stream.indirect.scatter.add.f32 [tilespmem:s21], [sflag:$0x4], $0x80, s9, s20, $0xb8;
	[tilespmem:$0x1EC00] =	vst v63  }
0x218: {  	_ =	swait.ge [sflag:s12], $0x3000  }
0x219: {  	[sflag:s12] =	ssyncset.done $0x0  }
0x21a: {  	s8 =	simm.s32 $0x420;
	[sflag:s12] =	ssyncadd.s32 $0xFFFFD000  }
0x21b: {  	[tilespmem:s28], [sflag:$0x3] =	stream.indirect.gather [hbm4b:s1+s20], $0x80, s8, s20, $0xb8;
	[tilespmem:$0x1EC00] =	vst v63  }
0x21c: {  	_ =	swait.ge [sflag:s29], $0x3000  }
0x21d: {  	[sflag:s29] =	ssyncset.done $0x0  }
0x21e: {  	s9 =	simm.s32 $0xBC0;
	[sflag:s29] =	ssyncadd.s32 $0xFFFFD000  }
0x21f: {  	[spmem:s2] =	stream.indirect.scatter.add.f32 [tilespmem:s22], [sflag:$0x5], $0x80, s9, s20, $0xb8;
	[tilespmem:$0x1EC00] =	vst v63  }
0x220: {  	_ =	swait.ge [sflag:s31], $0x3000  }
0x221: {  	[sflag:s31] =	ssyncset.done $0x0  }
0x222: {  	s8 =	simm.s32 $0x480;
	[sflag:s31] =	ssyncadd.s32 $0xFFFFD000  }
0x223: {  	[tilespmem:s21], [sflag:$0x1] =	stream.indirect.gather [hbm4b:s1+s20], $0x80, s8, s20, $0xb8;
	[tilespmem:$0x1EC00] =	vst v63  }
0x224: {  	_ =	swait.ge [sflag:s5], $0x3000  }
0x225: {  	[sflag:s5] =	ssyncset.done $0x0  }
0x226: {  	s9 =	simm.s32 $0xC20;
	[sflag:s5] =	ssyncadd.s32 $0xFFFFD000  }
0x227: {  	[spmem:s2] =	stream.indirect.scatter.add.f32 [tilespmem:s28], [sflag:$0x6], $0x80, s9, s20, $0xb8;
	[tilespmem:$0x1EC00] =	vst v63  }
0x228: {  	_ =	swait.ge [sflag:s10], $0x3000  }
0x229: {  	[sflag:s10] =	ssyncset.done $0x0  }
0x22a: {  	s8 =	simm.s32 $0x4E0;
	[sflag:s10] =	ssyncadd.s32 $0xFFFFD000  }
0x22b: {  	[tilespmem:s22], [sflag:$0x2] =	stream.indirect.gather [hbm4b:s1+s20], $0x80, s8, s20, $0xb8;
	[tilespmem:$0x1EC00] =	vst v63  }
0x22c: {  	_ =	swait.ge [sflag:s25], $0x3000  }
0x22d: {  	[sflag:s25] =	ssyncset.done $0x0  }
0x22e: {  	s9 =	simm.s32 $0xC80;
	[sflag:s25] =	ssyncadd.s32 $0xFFFFD000  }
0x22f: {  	[spmem:s2] =	stream.indirect.scatter.add.f32 [tilespmem:s21], [sflag:$0x4], $0x80, s9, s20, $0xb8;
	[tilespmem:$0x1EC00] =	vst v63  }
0x230: {  	_ =	swait.ge [sflag:s12], $0x3000  }
0x231: {  	[sflag:s12] =	ssyncset.done $0x0  }
0x232: {  	s8 =	simm.s32 $0x540;
	[sflag:s12] =	ssyncadd.s32 $0xFFFFD000  }
0x233: {  	[tilespmem:s28], [sflag:$0x3] =	stream.indirect.gather [hbm4b:s1+s20], $0x80, s8, s20, $0xb8;
	[tilespmem:$0x1EC00] =	vst v63  }
0x234: {  	_ =	swait.ge [sflag:s29], $0x3000  }
0x235: {  	[sflag:s29] =	ssyncset.done $0x0  }
0x236: {  	s9 =	simm.s32 $0xCE0;
	[sflag:s29] =	ssyncadd.s32 $0xFFFFD000  }
0x237: {  	[spmem:s2] =	stream.indirect.scatter.add.f32 [tilespmem:s22], [sflag:$0x5], $0x80, s9, s20, $0xb8;
	[tilespmem:$0x1EC00] =	vst v63  }
0x238: {  	_ =	swait.ge [sflag:s31], $0x3000  }
0x239: {  	[sflag:s31] =	ssyncset.done $0x0  }
0x23a: {  	s8 =	simm.s32 $0x5A0;
	[sflag:s31] =	ssyncadd.s32 $0xFFFFD000  }
0x23b: {  	[tilespmem:s21], [sflag:$0x1] =	stream.indirect.gather [hbm4b:s1+s20], $0x80, s8, s20, $0xb8;
	[tilespmem:$0x1EC00] =	vst v63  }
0x23c: {  	_ =	swait.ge [sflag:s5], $0x3000  }
0x23d: {  	[sflag:s5] =	ssyncset.done $0x0  }
0x23e: {  	s9 =	simm.s32 $0xD40;
	[sflag:s5] =	ssyncadd.s32 $0xFFFFD000  }
0x23f: {  	[spmem:s2] =	stream.indirect.scatter.add.f32 [tilespmem:s28], [sflag:$0x6], $0x80, s9, s20, $0xb8;
	[tilespmem:$0x1EC00] =	vst v63  }
0x240: {  	_ =	swait.ge [sflag:s10], $0x3000  }
0x241: {  	[sflag:s10] =	ssyncset.done $0x0  }
0x242: {  	s8 =	simm.s32 $0x600;
	[sflag:s10] =	ssyncadd.s32 $0xFFFFD000  }
0x243: {  	[tilespmem:s22], [sflag:$0x2] =	stream.indirect.gather [hbm4b:s1+s20], $0x80, s8, s20, $0xb8;
	[tilespmem:$0x1EC00] =	vst v63  }
0x244: {  	_ =	swait.ge [sflag:s25], $0x3000  }
0x245: {  	[sflag:s25] =	ssyncset.done $0x0  }
0x246: {  	s9 =	simm.s32 $0xDA0;
	[sflag:s25] =	ssyncadd.s32 $0xFFFFD000  }
0x247: {  	[spmem:s2] =	stream.indirect.scatter.add.f32 [tilespmem:s21], [sflag:$0x4], $0x80, s9, s20, $0xb8;
	[tilespmem:$0x1EC00] =	vst v63  }
0x248: {  	_ =	swait.ge [sflag:s12], $0x3000  }
0x249: {  	[sflag:s12] =	ssyncset.done $0x0  }
0x24a: {  	s8 =	simm.s32 $0x660;
	[sflag:s12] =	ssyncadd.s32 $0xFFFFD000  }
0x24b: {  	[tilespmem:s28], [sflag:$0x3] =	stream.indirect.gather [hbm4b:s1+s20], $0x80, s8, s20, $0xb8;
	[tilespmem:$0x1EC00] =	vst v63  }
0x24c: {  	_ =	swait.ge [sflag:s29], $0x3000  }
0x24d: {  	[sflag:s29] =	ssyncset.done $0x0  }
0x24e: {  	s9 =	simm.s32 $0xE00;
	[sflag:s29] =	ssyncadd.s32 $0xFFFFD000  }
0x24f: {  	[spmem:s2] =	stream.indirect.scatter.add.f32 [tilespmem:s22], [sflag:$0x5], $0x80, s9, s20, $0xb8;
	[tilespmem:$0x1EC00] =	vst v63  }
0x250: {  	_ =	swait.ge [sflag:s31], $0x3000  }
0x251: {  	[sflag:s31] =	ssyncset.done $0x0  }
0x252: {  	s8 =	simm.s32 $0x6C0;
	[sflag:s31] =	ssyncadd.s32 $0xFFFFD000  }
0x253: {  	[tilespmem:s21], [sflag:$0x1] =	stream.indirect.gather [hbm4b:s1+s20], $0x80, s8, s20, $0xb8;
	[tilespmem:$0x1EC00] =	vst v63  }
0x254: {  	_ =	swait.ge [sflag:s5], $0x3000  }
0x255: {  	[sflag:s5] =	ssyncset.done $0x0  }
0x256: {  	s9 =	simm.s32 $0xE60;
	[sflag:s5] =	ssyncadd.s32 $0xFFFFD000  }
0x257: {  	[spmem:s2] =	stream.indirect.scatter.add.f32 [tilespmem:s28], [sflag:$0x6], $0x80, s9, s20, $0xb8;
	[tilespmem:$0x1EC00] =	vst v63  }
0x258: {  	_ =	swait.ge [sflag:s10], $0x3000  }
0x259: {  	[sflag:s10] =	ssyncset.done $0x0  }
0x25a: {  	s8 =	simm.s32 $0x720;
	[sflag:s10] =	ssyncadd.s32 $0xFFFFD000  }
0x25b: {  	[tilespmem:s22], [sflag:$0x2] =	stream.indirect.gather [hbm4b:s1+s20], $0x80, s8, s20, $0xb8;
	[tilespmem:$0x1EC00] =	vst v63  }
0x25c: {  	_ =	swait.ge [sflag:s0], $0x7E0  }
0x25d: {  	[sflag:s0] =	ssyncset.done $0x0  }
0x25e: {  	[sflag:s0] =	ssyncadd.s32 $0xFFFFF820  }
0x25f: {  	_ =	swait.ge [sflag:s0], $0x7E0  }
0x260: {  	[sflag:s0] =	ssyncset.done $0x0  }
0x261: {  	[sflag:s0] =	ssyncadd.s32 $0xFFFFF820  }
0x262: {  	_ =	swait.ge [sflag:s25], $0x3000  }
0x263: {  	[sflag:s25] =	ssyncset.done $0x0  }
0x264: {  	s9 =	simm.s32 $0xEC0;
	[sflag:s25] =	ssyncadd.s32 $0xFFFFD000  }
0x265: {  	[spmem:s2] =	stream.indirect.scatter.add.f32 [tilespmem:s21], [sflag:$0x4], $0x80, s9, s20, $0xb8;
	[tilespmem:$0x1EC00] =	vst v63  }
0x266: {  	_ =	swait.ge [sflag:s12], $0x3000  }
0x267: {  	[sflag:s12] =	ssyncset.done $0x0  }
0x268: {  	s8 =	simm.s32 $0x780;
	[sflag:s12] =	ssyncadd.s32 $0xFFFFD000  }
0x269: {  	[tilespmem:s28], [sflag:$0x3] =	stream.indirect.gather [hbm4b:s1+s20], $0x80, s8, s20, $0xb8;
	[tilespmem:$0x1EC00] =	vst v63  }
0x26a: {  	_ =	swait.ge [sflag:s29], $0x3000  }
0x26b: {  	[sflag:s29] =	ssyncset.done $0x0  }
0x26c: {  	s9 =	simm.s32 $0xF20;
	[sflag:s29] =	ssyncadd.s32 $0xFFFFD000  }
0x26d: {  	[spmem:s2] =	stream.indirect.scatter.add.f32 [tilespmem:s22], [sflag:$0x5], $0x80, s9, s20, $0xb8;
	[tilespmem:$0x1EC00] =	vst v63  }
0x26e: {  	_ =	swait.ge [sflag:s31], $0x3000  }
0x26f: {  	[sflag:s31] =	ssyncset.done $0x0  }
0x270: {  	[sflag:s31] =	ssyncadd.s32 $0xFFFFD000  }
0x271: {  	[tilespmem:s21], [sflag:$0x1] =	stream.indirect.gather [hbm4b:s1+s20], $0x80, s23, s20, $0xb8;
	[tilespmem:$0x1EC00] =	vst v63  }
0x272: {  	_ =	swait.ge [sflag:s5], $0x3000  }
0x273: {  	[sflag:s5] =	ssyncset.done $0x0  }
0x274: {  	s8 =	simm.s32 $0xF80;
	[sflag:s5] =	ssyncadd.s32 $0xFFFFD000  }
0x275: {  	[spmem:s2] =	stream.indirect.scatter.add.f32 [tilespmem:s28], [sflag:$0x6], $0x80, s8, s20, $0xb8;
	[tilespmem:$0x1EC00] =	vst v63  }
0x276: {  	_ =	swait.ge [sflag:s10], $0x3000  }
0x277: {  	p1 =	seq.s32 s11, $0x7E0;
	[sflag:s10] =	ssyncset.done $0x0  }
0x278: {  	s3 =	simm.s32 @!p1 $0x6;
	s9 =	simm.s32 $0x1060;
	[sflag:s10] =	ssyncadd.s32 $0xFFFFD000  }
0x279: {  	[tilespmem:s22], [sflag:$0x2] =	stream.indirect.gather [hbm4b:s1+s20], $0x80, s9, s20, $0xb8;
	[tilespmem:$0x1EC00] =	vst v63  }
0x27a: {  	_ =	swait.ge @!p1 [sflag:s3], $0x3000  }
0x27b: {  	s9 =	sadd.s32 @!p1 s11, s15;
	[sflag:s3] =	ssyncset.done @!p1 $0x0  }
0x27c: {  	[sflag:s3] =	ssyncadd.s32 @!p1 $0xFFFFD000;
	s3 =	sadd.s32 @!p1 $0x1F8, s9;
	s9 =	simm.s32 @!p1 $0x0  }
0x27d: {  	[tilespmem:s9], [sflag:$0x7] =	stream.linear.gather @!p1 [hbm4b:s3+s9], $0x7E0, $0x38;
	[tilespmem:$0x1EC00] =	vst v63  }
0x27e: {  	s3 =	sadd.s32 @!p1 s11, s14  }
0x27f: {  	s8 =	simm.s32 @!p1 $0x800;
	s3 =	sadd.s32 @!p1 $0x1F8, s3  }
0x280: {  	[tilespmem:s8], [sflag:$0x7] =	stream.linear.gather @!p1 [hbm4b:s3+s9], $0x7E0, $0x38;
	[tilespmem:$0x1EC00] =	vst v63  }
0x281: {  	_ =	swait.ge [sflag:s25], $0x3000  }
0x282: {  	p2 =	sne.s32 s11, $0x7E0;
	[sflag:s25] =	ssyncset.done $0x0  }
0x283: {  	s3 =	simm.s32 @!p2 $0x6;
	[sflag:s25] =	ssyncadd.s32 $0xFFFFD000  }
0x284: {  	[spmem:s2] =	stream.indirect.scatter.add.f32 [tilespmem:s21], [sflag:$0x4], $0x80, s24, s20, $0xb8;
	[tilespmem:$0x1EC00] =	vst v63  }
0x285: {  	_ =	swait.ge @!p2 [sflag:s3], $0x3000  }
0x286: {  	[sflag:s3] =	ssyncset.done @!p2 $0x0  }
0x287: {  	s8 =	simm.s32 $0x10C0;
	[sflag:s3] =	ssyncadd.s32 @!p2 $0xFFFFD000  }
0x288: {  	[tilespmem:s28], [sflag:$0x3] =	stream.indirect.gather [hbm4b:s1+s20], $0x80, s8, s20, $0xb8;
	[tilespmem:$0x1EC00] =	vst v63  }
0x289: {  	_ =	swait.ge [sflag:s29], $0x3000  }
0x28a: {  	[sflag:s29] =	ssyncset.done $0x0  }
0x28b: {  	s9 =	simm.s32 $0x1860;
	[sflag:s29] =	ssyncadd.s32 $0xFFFFD000  }
0x28c: {  	[spmem:s2] =	stream.indirect.scatter.add.f32 [tilespmem:s22], [sflag:$0x5], $0x80, s9, s20, $0xb8;
	[tilespmem:$0x1EC00] =	vst v63  }
0x28d: {  	_ =	swait.ge [sflag:s31], $0x3000  }
0x28e: {  	[sflag:s31] =	ssyncset.done $0x0  }
0x28f: {  	s8 =	simm.s32 $0x1120;
	[sflag:s31] =	ssyncadd.s32 $0xFFFFD000  }
0x290: {  	[tilespmem:s21], [sflag:$0x1] =	stream.indirect.gather [hbm4b:s1+s20], $0x80, s8, s20, $0xb8;
	[tilespmem:$0x1EC00] =	vst v63  }
0x291: {  	_ =	swait.ge [sflag:s5], $0x3000  }
0x292: {  	[sflag:s5] =	ssyncset.done $0x0  }
0x293: {  	s9 =	simm.s32 $0x18C0;
	[sflag:s5] =	ssyncadd.s32 $0xFFFFD000  }
0x294: {  	[spmem:s2] =	stream.indirect.scatter.add.f32 [tilespmem:s28], [sflag:$0x6], $0x80, s9, s20, $0xb8;
	[tilespmem:$0x1EC00] =	vst v63  }
0x295: {  	_ =	swait.ge [sflag:s10], $0x3000  }
0x296: {  	[sflag:s10] =	ssyncset.done $0x0  }
0x297: {  	s8 =	simm.s32 $0x1180;
	[sflag:s10] =	ssyncadd.s32 $0xFFFFD000  }
0x298: {  	[tilespmem:s22], [sflag:$0x2] =	stream.indirect.gather [hbm4b:s1+s20], $0x80, s8, s20, $0xb8;
	[tilespmem:$0x1EC00] =	vst v63  }
0x299: {  	_ =	swait.ge [sflag:s25], $0x3000  }
0x29a: {  	[sflag:s25] =	ssyncset.done $0x0  }
0x29b: {  	s9 =	simm.s32 $0x1920;
	[sflag:s25] =	ssyncadd.s32 $0xFFFFD000  }
0x29c: {  	[spmem:s2] =	stream.indirect.scatter.add.f32 [tilespmem:s21], [sflag:$0x4], $0x80, s9, s20, $0xb8;
	[tilespmem:$0x1EC00] =	vst v63  }
0x29d: {  	_ =	swait.ge [sflag:s12], $0x3000  }
0x29e: {  	[sflag:s12] =	ssyncset.done $0x0  }
0x29f: {  	s8 =	simm.s32 $0x11E0;
	[sflag:s12] =	ssyncadd.s32 $0xFFFFD000  }
0x2a0: {  	[tilespmem:s28], [sflag:$0x3] =	stream.indirect.gather [hbm4b:s1+s20], $0x80, s8, s20, $0xb8;
	[tilespmem:$0x1EC00] =	vst v63  }
0x2a1: {  	_ =	swait.ge [sflag:s29], $0x3000  }
0x2a2: {  	[sflag:s29] =	ssyncset.done $0x0  }
0x2a3: {  	s9 =	simm.s32 $0x1980;
	[sflag:s29] =	ssyncadd.s32 $0xFFFFD000  }
0x2a4: {  	[spmem:s2] =	stream.indirect.scatter.add.f32 [tilespmem:s22], [sflag:$0x5], $0x80, s9, s20, $0xb8;
	[tilespmem:$0x1EC00] =	vst v63  }
0x2a5: {  	_ =	swait.ge [sflag:s31], $0x3000  }
0x2a6: {  	[sflag:s31] =	ssyncset.done $0x0  }
0x2a7: {  	s8 =	simm.s32 $0x1240;
	[sflag:s31] =	ssyncadd.s32 $0xFFFFD000  }
0x2a8: {  	[tilespmem:s21], [sflag:$0x1] =	stream.indirect.gather [hbm4b:s1+s20], $0x80, s8, s20, $0xb8;
	[tilespmem:$0x1EC00] =	vst v63  }
0x2a9: {  	_ =	swait.ge [sflag:s5], $0x3000  }
0x2aa: {  	[sflag:s5] =	ssyncset.done $0x0  }
0x2ab: {  	s9 =	simm.s32 $0x19E0;
	[sflag:s5] =	ssyncadd.s32 $0xFFFFD000  }
0x2ac: {  	[spmem:s2] =	stream.indirect.scatter.add.f32 [tilespmem:s28], [sflag:$0x6], $0x80, s9, s20, $0xb8;
	[tilespmem:$0x1EC00] =	vst v63  }
0x2ad: {  	_ =	swait.ge [sflag:s10], $0x3000  }
0x2ae: {  	[sflag:s10] =	ssyncset.done $0x0  }
0x2af: {  	s8 =	simm.s32 $0x12A0;
	[sflag:s10] =	ssyncadd.s32 $0xFFFFD000  }
0x2b0: {  	[tilespmem:s22], [sflag:$0x2] =	stream.indirect.gather [hbm4b:s1+s20], $0x80, s8, s20, $0xb8;
	[tilespmem:$0x1EC00] =	vst v63  }
0x2b1: {  	_ =	swait.ge [sflag:s25], $0x3000  }
0x2b2: {  	[sflag:s25] =	ssyncset.done $0x0  }
0x2b3: {  	s9 =	simm.s32 $0x1A40;
	[sflag:s25] =	ssyncadd.s32 $0xFFFFD000  }
0x2b4: {  	[spmem:s2] =	stream.indirect.scatter.add.f32 [tilespmem:s21], [sflag:$0x4], $0x80, s9, s20, $0xb8;
	[tilespmem:$0x1EC00] =	vst v63  }
0x2b5: {  	_ =	swait.ge [sflag:s12], $0x3000  }
0x2b6: {  	[sflag:s12] =	ssyncset.done $0x0  }
0x2b7: {  	s8 =	simm.s32 $0x1300;
	[sflag:s12] =	ssyncadd.s32 $0xFFFFD000  }
0x2b8: {  	[tilespmem:s28], [sflag:$0x3] =	stream.indirect.gather [hbm4b:s1+s20], $0x80, s8, s20, $0xb8;
	[tilespmem:$0x1EC00] =	vst v63  }
0x2b9: {  	_ =	swait.ge [sflag:s29], $0x3000  }
0x2ba: {  	[sflag:s29] =	ssyncset.done $0x0  }
0x2bb: {  	s9 =	simm.s32 $0x1AA0;
	[sflag:s29] =	ssyncadd.s32 $0xFFFFD000  }
0x2bc: {  	[spmem:s2] =	stream.indirect.scatter.add.f32 [tilespmem:s22], [sflag:$0x5], $0x80, s9, s20, $0xb8;
	[tilespmem:$0x1EC00] =	vst v63  }
0x2bd: {  	_ =	swait.ge [sflag:s31], $0x3000  }
0x2be: {  	[sflag:s31] =	ssyncset.done $0x0  }
0x2bf: {  	s8 =	simm.s32 $0x1360;
	[sflag:s31] =	ssyncadd.s32 $0xFFFFD000  }
0x2c0: {  	[tilespmem:s21], [sflag:$0x1] =	stream.indirect.gather [hbm4b:s1+s20], $0x80, s8, s20, $0xb8;
	[tilespmem:$0x1EC00] =	vst v63  }
0x2c1: {  	_ =	swait.ge [sflag:s5], $0x3000  }
0x2c2: {  	[sflag:s5] =	ssyncset.done $0x0  }
0x2c3: {  	s9 =	simm.s32 $0x1B00;
	[sflag:s5] =	ssyncadd.s32 $0xFFFFD000  }
0x2c4: {  	[spmem:s2] =	stream.indirect.scatter.add.f32 [tilespmem:s28], [sflag:$0x6], $0x80, s9, s20, $0xb8;
	[tilespmem:$0x1EC00] =	vst v63  }
0x2c5: {  	_ =	swait.ge [sflag:s10], $0x3000  }
0x2c6: {  	[sflag:s10] =	ssyncset.done $0x0  }
0x2c7: {  	s8 =	simm.s32 $0x13C0;
	[sflag:s10] =	ssyncadd.s32 $0xFFFFD000  }
0x2c8: {  	[tilespmem:s22], [sflag:$0x2] =	stream.indirect.gather [hbm4b:s1+s20], $0x80, s8, s20, $0xb8;
	[tilespmem:$0x1EC00] =	vst v63  }
0x2c9: {  	_ =	swait.ge [sflag:s25], $0x3000  }
0x2ca: {  	[sflag:s25] =	ssyncset.done $0x0  }
0x2cb: {  	s9 =	simm.s32 $0x1B60;
	[sflag:s25] =	ssyncadd.s32 $0xFFFFD000  }
0x2cc: {  	[spmem:s2] =	stream.indirect.scatter.add.f32 [tilespmem:s21], [sflag:$0x4], $0x80, s9, s20, $0xb8;
	[tilespmem:$0x1EC00] =	vst v63  }
0x2cd: {  	_ =	swait.ge [sflag:s12], $0x3000  }
0x2ce: {  	[sflag:s12] =	ssyncset.done $0x0  }
0x2cf: {  	s8 =	simm.s32 $0x1420;
	[sflag:s12] =	ssyncadd.s32 $0xFFFFD000  }
0x2d0: {  	[tilespmem:s28], [sflag:$0x3] =	stream.indirect.gather [hbm4b:s1+s20], $0x80, s8, s20, $0xb8;
	[tilespmem:$0x1EC00] =	vst v63  }
0x2d1: {  	_ =	swait.ge [sflag:s29], $0x3000  }
0x2d2: {  	[sflag:s29] =	ssyncset.done $0x0  }
0x2d3: {  	s9 =	simm.s32 $0x1BC0;
	[sflag:s29] =	ssyncadd.s32 $0xFFFFD000  }
0x2d4: {  	[spmem:s2] =	stream.indirect.scatter.add.f32 [tilespmem:s22], [sflag:$0x5], $0x80, s9, s20, $0xb8;
	[tilespmem:$0x1EC00] =	vst v63  }
0x2d5: {  	_ =	swait.ge [sflag:s31], $0x3000  }
0x2d6: {  	[sflag:s31] =	ssyncset.done $0x0  }
0x2d7: {  	s8 =	simm.s32 $0x1480;
	[sflag:s31] =	ssyncadd.s32 $0xFFFFD000  }
0x2d8: {  	[tilespmem:s21], [sflag:$0x1] =	stream.indirect.gather [hbm4b:s1+s20], $0x80, s8, s20, $0xb8;
	[tilespmem:$0x1EC00] =	vst v63  }
0x2d9: {  	_ =	swait.ge [sflag:s5], $0x3000  }
0x2da: {  	[sflag:s5] =	ssyncset.done $0x0  }
0x2db: {  	s9 =	simm.s32 $0x1C20;
	[sflag:s5] =	ssyncadd.s32 $0xFFFFD000  }
0x2dc: {  	[spmem:s2] =	stream.indirect.scatter.add.f32 [tilespmem:s28], [sflag:$0x6], $0x80, s9, s20, $0xb8;
	[tilespmem:$0x1EC00] =	vst v63  }
0x2dd: {  	_ =	swait.ge [sflag:s10], $0x3000  }
0x2de: {  	[sflag:s10] =	ssyncset.done $0x0  }
0x2df: {  	s8 =	simm.s32 $0x14E0;
	[sflag:s10] =	ssyncadd.s32 $0xFFFFD000  }
0x2e0: {  	[tilespmem:s22], [sflag:$0x2] =	stream.indirect.gather [hbm4b:s1+s20], $0x80, s8, s20, $0xb8;
	[tilespmem:$0x1EC00] =	vst v63  }
0x2e1: {  	_ =	swait.ge [sflag:s25], $0x3000  }
0x2e2: {  	[sflag:s25] =	ssyncset.done $0x0  }
0x2e3: {  	s9 =	simm.s32 $0x1C80;
	[sflag:s25] =	ssyncadd.s32 $0xFFFFD000  }
0x2e4: {  	[spmem:s2] =	stream.indirect.scatter.add.f32 [tilespmem:s21], [sflag:$0x4], $0x80, s9, s20, $0xb8;
	[tilespmem:$0x1EC00] =	vst v63  }
0x2e5: {  	_ =	swait.ge [sflag:s12], $0x3000  }
0x2e6: {  	[sflag:s12] =	ssyncset.done $0x0  }
0x2e7: {  	s8 =	simm.s32 $0x1540;
	[sflag:s12] =	ssyncadd.s32 $0xFFFFD000  }
0x2e8: {  	[tilespmem:s28], [sflag:$0x3] =	stream.indirect.gather [hbm4b:s1+s20], $0x80, s8, s20, $0xb8;
	[tilespmem:$0x1EC00] =	vst v63  }
0x2e9: {  	_ =	swait.ge [sflag:s29], $0x3000  }
0x2ea: {  	[sflag:s29] =	ssyncset.done $0x0  }
0x2eb: {  	s9 =	simm.s32 $0x1CE0;
	[sflag:s29] =	ssyncadd.s32 $0xFFFFD000  }
0x2ec: {  	[spmem:s2] =	stream.indirect.scatter.add.f32 [tilespmem:s22], [sflag:$0x5], $0x80, s9, s20, $0xb8;
	[tilespmem:$0x1EC00] =	vst v63  }
0x2ed: {  	_ =	swait.ge [sflag:s31], $0x3000  }
0x2ee: {  	[sflag:s31] =	ssyncset.done $0x0  }
0x2ef: {  	s8 =	simm.s32 $0x15A0;
	[sflag:s31] =	ssyncadd.s32 $0xFFFFD000  }
0x2f0: {  	[tilespmem:s21], [sflag:$0x1] =	stream.indirect.gather [hbm4b:s1+s20], $0x80, s8, s20, $0xb8;
	[tilespmem:$0x1EC00] =	vst v63  }
0x2f1: {  	_ =	swait.ge [sflag:s5], $0x3000  }
0x2f2: {  	[sflag:s5] =	ssyncset.done $0x0  }
0x2f3: {  	s9 =	simm.s32 $0x1D40;
	[sflag:s5] =	ssyncadd.s32 $0xFFFFD000  }
0x2f4: {  	[spmem:s2] =	stream.indirect.scatter.add.f32 [tilespmem:s28], [sflag:$0x6], $0x80, s9, s20, $0xb8;
	[tilespmem:$0x1EC00] =	vst v63  }
0x2f5: {  	_ =	swait.ge [sflag:s10], $0x3000  }
0x2f6: {  	[sflag:s10] =	ssyncset.done $0x0  }
0x2f7: {  	s8 =	simm.s32 $0x1600;
	[sflag:s10] =	ssyncadd.s32 $0xFFFFD000  }
0x2f8: {  	[tilespmem:s22], [sflag:$0x2] =	stream.indirect.gather [hbm4b:s1+s20], $0x80, s8, s20, $0xb8;
	[tilespmem:$0x1EC00] =	vst v63  }
0x2f9: {  	_ =	swait.ge [sflag:s25], $0x3000  }
0x2fa: {  	[sflag:s25] =	ssyncset.done $0x0  }
0x2fb: {  	s9 =	simm.s32 $0x1DA0;
	[sflag:s25] =	ssyncadd.s32 $0xFFFFD000  }
0x2fc: {  	[spmem:s2] =	stream.indirect.scatter.add.f32 [tilespmem:s21], [sflag:$0x4], $0x80, s9, s20, $0xb8;
	[tilespmem:$0x1EC00] =	vst v63  }
0x2fd: {  	_ =	swait.ge [sflag:s12], $0x3000  }
0x2fe: {  	[sflag:s12] =	ssyncset.done $0x0  }
0x2ff: {  	s8 =	simm.s32 $0x1660;
	[sflag:s12] =	ssyncadd.s32 $0xFFFFD000  }
0x300: {  	[tilespmem:s28], [sflag:$0x3] =	stream.indirect.gather [hbm4b:s1+s20], $0x80, s8, s20, $0xb8;
	[tilespmem:$0x1EC00] =	vst v63  }
0x301: {  	_ =	swait.ge [sflag:s29], $0x3000  }
0x302: {  	[sflag:s29] =	ssyncset.done $0x0  }
0x303: {  	s9 =	simm.s32 $0x1E00;
	[sflag:s29] =	ssyncadd.s32 $0xFFFFD000  }
0x304: {  	[spmem:s2] =	stream.indirect.scatter.add.f32 [tilespmem:s22], [sflag:$0x5], $0x80, s9, s20, $0xb8;
	[tilespmem:$0x1EC00] =	vst v63  }
0x305: {  	_ =	swait.ge [sflag:s31], $0x3000  }
0x306: {  	[sflag:s31] =	ssyncset.done $0x0  }
0x307: {  	[sflag:s31] =	ssyncadd.s32 $0xFFFFD000  }
0x308: {  	[tilespmem:s21], [sflag:$0x1] =	stream.indirect.gather [hbm4b:s1+s20], $0x80, s13, s20, $0xb8;
	[tilespmem:$0x1EC00] =	vst v63  }
0x309: {  	_ =	swait.ge [sflag:s5], $0x3000  }
0x30a: {  	[sflag:s5] =	ssyncset.done $0x0  }
0x30b: {  	[sflag:s5] =	ssyncadd.s32 $0xFFFFD000  }
0x30c: {  	[spmem:s2] =	stream.indirect.scatter.add.f32 [tilespmem:s28], [sflag:$0x6], $0x80, s7, s20, $0xb8;
	[tilespmem:$0x1EC00] =	vst v63  }
0x30d: {  	_ =	swait.ge [sflag:s10], $0x3000  }
0x30e: {  	[sflag:s10] =	ssyncset.done $0x0  }
0x30f: {  	s3 =	simm.s32 @!p1 $0x7;
	[sflag:s10] =	ssyncadd.s32 $0xFFFFD000  }
0x310: {  	[tilespmem:s22], [sflag:$0x2] =	stream.indirect.gather [hbm4b:s1+s20], $0x80, s19, s20, $0xb8;
	[tilespmem:$0x1EC00] =	vst v63  }
0x311: {  	_ =	swait.ge @!p1 [sflag:s3], $0x7E0  }
0x312: {  	[sflag:s3] =	ssyncset.done @!p1 $0x0  }
0x313: {  	[sflag:s3] =	ssyncadd.s32 @!p1 $0xFFFFF820  }
0x314: {  	_ =	swait.ge @!p1 [sflag:s3], $0x7E0  }
0x315: {  	[sflag:s3] =	ssyncset.done @!p1 $0x0  }
0x316: {  	[sflag:s3] =	ssyncadd.s32 @!p1 $0xFFFFF820  }
0x317: {  	_ =	swait.ge [sflag:s25], $0x3000  }
0x318: {  	[sflag:s25] =	ssyncset.done $0x0  }
0x319: {  	[sflag:s25] =	ssyncadd.s32 $0xFFFFD000  }
0x31a: {  	[spmem:s2] =	stream.indirect.scatter.add.f32 [tilespmem:s21], [sflag:$0x4], $0x80, s18, s20, $0xb8;
	[tilespmem:$0x1EC00] =	vst v63  }
0x31b: {  	_ =	swait.ge [sflag:s12], $0x3000  }
0x31c: {  	[sflag:s12] =	ssyncset.done $0x0  }
0x31d: {  	[sflag:s12] =	ssyncadd.s32 $0xFFFFD000  }
0x31e: {  	[tilespmem:s28], [sflag:$0x3] =	stream.indirect.gather [hbm4b:s1+s20], $0x80, s26, s20, $0xb8;
	[tilespmem:$0x1EC00] =	vst v63  }
0x31f: {  	_ =	swait.ge [sflag:s29], $0x3000  }
0x320: {  	[sflag:s29] =	ssyncset.done $0x0  }
.Ltmp6:
0x321: {  	[sflag:s29] =	ssyncadd.s32 $0xFFFFD000;
	(pc) =	sbr.rel @p1 .LBB2_4-.Ltmp6, $4  }
0x322: {  	[spmem:s2] =	stream.indirect.scatter.add.f32 [tilespmem:s22], [sflag:$0x5], $0x80, s30, s20, $0xb8;
	[tilespmem:$0x1EC00] =	vst v63  }
0x323: {  	_ =	swait.ge [sflag:s31], $0x3000  }
0x324: {  	[sflag:s31] =	ssyncset.done $0x0  }
0x325: {  	[sflag:s31] =	ssyncadd.s32 $0xFFFFD000  }
0x326: {  	[tilespmem:s21], [sflag:$0x1] =	stream.indirect.gather [hbm4b:s1+s20], $0x80, s4, s20, $0xb8;
	[tilespmem:$0x1EC00] =	vst v63  }
0x327: {  	_ =	swait.ge [sflag:s5], $0x3000  }
0x328: {  	s11 =	sadd.s32 $0x1F8, s11;
	[sflag:s5] =	ssyncset.done $0x0  }
0x329: {  	p1 =	seq.s32 s11, $0x9D8;
	[sflag:s5] =	ssyncadd.s32 $0xFFFFD000  }
0x32a: {  	[spmem:s2] =	stream.indirect.scatter.add.f32 [tilespmem:s28], [sflag:$0x6], $0x80, s6, s20, $0xb8;
	[tilespmem:$0x1EC00] =	vst v63  }
.Ltmp7:
0x32b: {  	_ = 	snop;
	(pc) =	sbr.rel @!p1 .LBB2_3-.Ltmp7, $4  }
0x32c: {  	_ =	swait.ge [sflag:s10], $0x3000  }
0x32d: {  	[sflag:s10] =	ssyncset.done $0x0  }
0x32e: {  	[sflag:s10] =	ssyncadd.s32 $0xFFFFD000  }
0x32f: {  	[tilespmem:s22], [sflag:$0x2] =	stream.indirect.gather [hbm4b:s1+s20], $0x80, s20, s20, $0xb8;
	[tilespmem:$0x1EC00] =	vst v63  }
.Ltmp8:
0x330: {  	(pc) =	sbr.rel .LBB2_13-.Ltmp8, $3  }
0x331: {  	_ =	sdelay $0x1  }
0x332: {  	s11 =	rddreg [dreg:$0x9]  }
0x333: {  	s9 =	rddreg [dreg:$0xe]  }
.LBB2_10:
.Ltmp9:
0x334: {  	(pc) =	sbr.rel .LBB2_5-.Ltmp9, $3  }
0x335: {  	_ =	sdelay $0x1  }
0x336: {  	s11 =	rddreg [dreg:$0xc]  }
0x337: {  	s9 =	rddreg [dreg:$0xe]  }
.LBB2_14:
0x338: {  	_ =	sfence.sel $0x180000  }
0x339: {  	[bflag:$0x0] =	sbarrier.arrive $0xFFFF  }
0x33a: {  	_ =	strace $0x90000047  }
0x33b: {  	s0 =	stileid.u32;
	[bflag:$0x2] =	sbarrier.arrive $0xFFFF  }
0x33c: {  	p0 =	sne.s32 s0, $0x0;
	s0 =	rddreg [dreg:$0x4]  }
0x33d: {  	s0 =	sadd.s32 @!p0 $0x100000, s0  }
0x33e: {  	[sflag:s0] =	ssyncadd.tile.s32 @!p0 $0x1;
	_ =	shalt  }
.Lfunc_end2:
_tile_overlayer_lowered:
.L_overlay_start_2:
0x33f: {  	(tag) =	ssettag $0x2  }
0x340: {  	s0 =	rddreg [dreg:$0x0];
	s2 =	stileid.u32  }
0x341: {  	s1 =	rddreg [dreg:$0x1];
	p0 =	sne.s32 s2, $0x0  }
0x342: {  	s3 =	rddreg [dreg:$0x2];
	[bflag:$0x3] =	sbarrier.arrive $0xFFFF;
	s2 =	simm.s32 @!p0 $0x1C08  }
0x343: {  	[timem:s3], [sflag:s2] =	dma.local @!p0 [hbm:s0], s1  }
0x344: {  	s0 =	simm.s32 @!p0 $0x8  }
0x345: {  	_ =	swait.ge @!p0 [sflag:s0], s1  }
0x346: {  	s1 =	ssub.s32 @!p0 $0x0, s1;
	[sflag:s0] =	ssyncset.done @!p0 $0x0  }
0x347: {  	[sflag:s0] =	ssyncadd.s32 @!p0 s1  }
0x348: {  	[bflag:$0x3] =	sbarrier.arrive $0xFFFF  }
0x349: {  	_ =	shalt  }

</sc_bundles>
